<compile_context>
chip_gen: v7x
topology: tpu7x:2x2x1
jax: 0.10.2.dev20260603
libtpu: 0.0.44.dev20260713+nightly
codegen_flags: <defaults>
</compile_context>

<pallas_src>
import functools

import jax
import jax.numpy as jnp
import numpy as np
from jax import lax
from jax.experimental import pallas as pl
from jax.experimental.pallas import tpu as pltpu
from jax.experimental.pallas import tpu_sc as plsc

N = 10000
D = 128
N_CLS = 64
E = 320000

NC = 2
NS = 16
NW = NC * NS
C = 128
CH0 = 144
CH1 = 16
NCH = NS * (CH0 + CH1)
E_PAD = NCH * C
CHUNKS = CH0 + CH1
N_PAD = 10240
RPT = N_PAD // NS

RB = 1024
GRID = -(-N // RB)


def _sc_agg_body(with_deg, *refs):
    if with_deg:
        (h_hbm, sd_hbm, z_hbm, z1_hbm, acc_out, deg_out,
         sd0, sd1, sd2, sd3, rows0, rows1, deg_v, acc_sh,
         isem0, isem1, isem2, isem3, gsem0, gsem1, ssem0, ssem1) = refs
    else:
        (h_hbm, sd_hbm, z_hbm, acc_out,
         sd0, sd1, sd2, sd3, rows0, rows1, acc_sh,
         isem0, isem1, isem2, isem3, gsem0, gsem1, ssem0, ssem1) = refs
    sd = (sd0, sd1, sd2, sd3)
    isem = (isem0, isem1, isem2, isem3)
    rows = (rows0, rows1)
    gsem = (gsem0, gsem1)
    ssem = (ssem0, ssem1)
    SRC = np.int32(0)
    DST = np.int32(1)

    c = lax.axis_index("c")
    s = lax.axis_index("s")
    wid = s * jnp.int32(NC) + c
    r0 = s * jnp.int32(RPT)
    nch = jnp.where(c == jnp.int32(0), jnp.int32(CH0), jnp.int32(CH1))
    w0 = jnp.where(c == jnp.int32(0), s * jnp.int32(CH0),
                   jnp.int32(NS * CH0) + s * jnp.int32(CH1))

    pltpu.sync_copy(z_hbm, acc_sh.at[pl.ds(r0, RPT)])
    if with_deg:
        pltpu.sync_copy(z1_hbm, deg_v)
        ones16 = jnp.full((16,), 1.0, jnp.float32)

        def do_deg(q):
            for j in range(C // 16):
                idx16 = sd[q][1, pl.ds(j * 16, 16)]
                plsc.addupdate_scatter(deg_v, [idx16], ones16)
    else:
        def do_deg(q):
            pass

    def load_sd(g, q, sem):
        pltpu.async_copy(sd_hbm.at[pl.ds((w0 + g) * 2, 2)], sd[q], sem)

    plsc.subcore_barrier()

    @pl.when(nch > jnp.int32(0))
    def _():
        load_sd(jnp.int32(0), 0, isem0)
        load_sd(jnp.int32(1), 1, isem1)

    @pl.loop(jnp.int32(0), nch, step=4)
    def _(t):
        for b in range(4):
            p, q = b % 2, b
            g = t + jnp.int32(b)
            qn = (b + 2) % 4

            if b < 2:
                @pl.when(t > jnp.int32(0))
                def _():
                    pltpu.make_async_copy(rows[p], acc_sh.at[sd[qn].at[DST]],
                                          ssem[p]).wait()
            else:
                pltpu.make_async_copy(rows[p], acc_sh.at[sd[qn].at[DST]],
                                      ssem[p]).wait()

            if b < 2:
                load_sd(g + 2, qn, isem[qn])
            else:
                @pl.when(g + 2 < nch)
                def _():
                    load_sd(g + 2, qn, isem[qn])

            pltpu.make_async_copy(sd_hbm.at[pl.ds((w0 + g) * 2, 2)], sd[q],
                                  isem[q]).wait()
            pltpu.async_copy(h_hbm.at[sd[q].at[SRC]], rows[p], gsem[p])
            pltpu.make_async_copy(h_hbm.at[sd[q].at[SRC]], rows[p],
                                  gsem[p]).wait()
            pltpu.async_copy(rows[p], acc_sh.at[sd[q].at[DST]], ssem[p],
                             add=True)
            do_deg(q)

    @pl.when(nch > jnp.int32(0))
    def _():
        pltpu.make_async_copy(rows0, acc_sh.at[sd2.at[DST]], ssem0).wait()
        pltpu.make_async_copy(rows1, acc_sh.at[sd3.at[DST]], ssem1).wait()

    plsc.subcore_barrier()
    o0 = c * jnp.int32(N_PAD) + r0
    pltpu.sync_copy(acc_sh.at[pl.ds(r0, RPT)], acc_out.at[pl.ds(o0, RPT)])
    if with_deg:
        pltpu.sync_copy(deg_v, deg_out.at[wid])


def _make_sc_agg(with_deg):
    mesh = plsc.VectorSubcoreMesh(core_axis_name="c", subcore_axis_name="s")
    out_type = [jax.ShapeDtypeStruct((NC * N_PAD, D), jnp.float32)]
    scratch = [pltpu.VMEM((2, C), jnp.int32) for _ in range(4)] + [
        pltpu.VMEM((C, D), jnp.float32),
        pltpu.VMEM((C, D), jnp.float32),
    ]
    if with_deg:
        out_type.append(jax.ShapeDtypeStruct((NW, N_PAD), jnp.float32))
        scratch.append(pltpu.VMEM((N_PAD,), jnp.float32))
    return pl.kernel(
        functools.partial(_sc_agg_body, with_deg),
        out_type=tuple(out_type) if with_deg else out_type[0],
        mesh=mesh,
        scratch_types=scratch + [pltpu.VMEM_SHARED((N_PAD, D), jnp.float32)]
        + [pltpu.SemaphoreType.DMA] * 8,
        compiler_params=pltpu.CompilerParams(needs_layout_passes=False)
        if with_deg else None,
    )


_sc_agg_deg = _make_sc_agg(True)
_sc_agg = _make_sc_agg(False)


def _mm_t(a, b):
    return lax.dot_general(a, b, (((1,), (1,)), ((), ())),
                           preferred_element_type=jnp.float32)


def _tc_layer1_body(p_ref, dp_ref, h_ref, wl_ref, bl_ref, wr_ref,
                    o_ref, inv_ref):
    agg = p_ref[0] + p_ref[1]
    deg = lax.dot_general(dp_ref[...], jnp.ones((NW, D), jnp.float32),
                          (((0,), (0,)), ((), ())),
                          precision=lax.Precision.HIGHEST,
                          preferred_element_type=jnp.float32)
    inv = 1.0 / jnp.maximum(deg, 1.0)
    mean = agg * inv
    z = _mm_t(mean, wl_ref[...]) + bl_ref[...] + _mm_t(h_ref[...], wr_ref[...])
    o_ref[...] = jnp.maximum(z, 0.0)
    inv_ref[...] = inv


def _tc_layer_body(p_ref, inv_ref, h_ref, wl_ref, bl_ref, wr_ref, o_ref):
    mean = (p_ref[0] + p_ref[1]) * inv_ref[...]
    z = _mm_t(mean, wl_ref[...]) + bl_ref[...] + _mm_t(h_ref[...], wr_ref[...])
    o_ref[...] = jnp.maximum(z, 0.0)


def _tc_final_body(p_ref, inv_ref, h_ref, wl_ref, bl_ref, wr_ref,
                   wfc_ref, bfc_ref, emb_ref, out_ref):
    mean = (p_ref[0] + p_ref[1]) * inv_ref[...]
    z = _mm_t(mean, wl_ref[...]) + bl_ref[...] + _mm_t(h_ref[...], wr_ref[...])
    h = jnp.maximum(z, 0.0)
    nrm = jnp.sqrt(jnp.sum(h * h, axis=1, keepdims=True))
    emb = h / jnp.maximum(nrm, 1e-12)
    emb_ref[...] = emb
    out_ref[...] = _mm_t(emb, wfc_ref[...]) + bfc_ref[...]


_I0 = np.int32(0)
_SPEC_P = pl.BlockSpec((NC, RB, D), lambda i: (_I0, i, _I0))
_SPEC_DP = pl.BlockSpec((NW, RB), lambda i: (_I0, i))
_SPEC_H = pl.BlockSpec((RB, D), lambda i: (i, _I0))
_SPEC_W = pl.BlockSpec((D, D), lambda i: (_I0, _I0))
_SPEC_B = pl.BlockSpec((1, D), lambda i: (_I0, _I0))

_tc_layer1 = pl.pallas_call(
    _tc_layer1_body,
    grid=(GRID,),
    in_specs=[_SPEC_P, _SPEC_DP, _SPEC_H, _SPEC_W, _SPEC_B, _SPEC_W],
    out_specs=[_SPEC_H, _SPEC_H],
    out_shape=[jax.ShapeDtypeStruct((N, D), jnp.float32),
               jax.ShapeDtypeStruct((N, D), jnp.float32)],
)

_tc_layer = pl.pallas_call(
    _tc_layer_body,
    grid=(GRID,),
    in_specs=[_SPEC_P, _SPEC_H, _SPEC_H, _SPEC_W, _SPEC_B, _SPEC_W],
    out_specs=_SPEC_H,
    out_shape=jax.ShapeDtypeStruct((N, D), jnp.float32),
)

_tc_final = pl.pallas_call(
    _tc_final_body,
    grid=(GRID,),
    in_specs=[_SPEC_P, _SPEC_H, _SPEC_H, _SPEC_W, _SPEC_B, _SPEC_W,
              pl.BlockSpec((N_CLS, D), lambda i: (_I0, _I0)),
              pl.BlockSpec((1, N_CLS), lambda i: (_I0, _I0))],
    out_specs=[_SPEC_H, pl.BlockSpec((RB, N_CLS), lambda i: (i, _I0))],
    out_shape=[jax.ShapeDtypeStruct((N, D), jnp.float32),
               jax.ShapeDtypeStruct((N, N_CLS), jnp.float32)],
)


def kernel(x, edge_index, W1l, b1l, W1r, W2l, b2l, W2r, W3l, b3l, W3r,
           Wfc, bfc):
    src = edge_index[0].astype(jnp.int32)
    dst = edge_index[1].astype(jnp.int32)
    pad = E_PAD - E
    src_p = jnp.concatenate([src, jnp.zeros((pad,), jnp.int32)])
    dst_p = jnp.concatenate([dst, jnp.full((pad,), N, jnp.int32)])
    sd = jnp.stack([src_p.reshape(NCH, C), dst_p.reshape(NCH, C)], axis=1)
    sd = sd.reshape(NCH * 2, C)

    zeros = jnp.zeros((RPT, D), jnp.float32)
    zeros1 = jnp.zeros((N_PAD,), jnp.float32)

    b1 = b1l.reshape(1, D)
    b2 = b2l.reshape(1, D)
    b3 = b3l.reshape(1, D)
    bf = bfc.reshape(1, N_CLS)

    p1, dp = _sc_agg_deg(x, sd, zeros, zeros1)
    p1 = p1.reshape(NC, N_PAD, D)
    h1, invdeg = _tc_layer1(p1, dp, x, W1l, b1, W1r)
    p2 = _sc_agg(h1, sd, zeros).reshape(NC, N_PAD, D)
    h2 = _tc_layer(p2, invdeg, h1, W2l, b2, W2r)
    p3 = _sc_agg(h2, sd, zeros).reshape(NC, N_PAD, D)
    emb, out = _tc_final(p3, invdeg, h2, W3l, b3, W3r, Wfc, bf)
    return (emb, out)

# --- scband reference (transcript-rebuilt; emitter-appended) ---
"""Pipeline reference for scband-graph-sagemodel-1709396984108 (READ-ONLY COPY).

The authoritative reference and input builder live on the scoring server;
editing this copy changes nothing except your own understanding.
"""

import jax, jax.numpy as jnp
import numpy as np
jax.config.update("jax_enable_x64", True)

N = 10000
E = 320000
D_IN = 128
D_H = 128
N_CLS = 64


def setup_inputs(seed: int = 0) -> dict:
    key = jax.random.key(seed)
    ks = jax.random.split(key, 14)
    x = jax.random.normal(ks[0], (N, D_IN), dtype=jnp.float32)
    edge_index = jax.random.randint(ks[1], (2, E), 0, N, dtype=jnp.int64)

    def lin(k, out_d, in_d):
        return (jax.random.normal(k, (out_d, in_d), dtype=jnp.float32) / np.sqrt(in_d)).astype(jnp.float32)

    inp = {
        "x": x,
        "edge_index": edge_index,
        # SAGEConv layer 1: lin_l (neighbors, with bias) + lin_r (root, no bias)
        "W1l": lin(ks[2], D_H, D_IN), "b1l": jnp.zeros((D_H,), jnp.float32), "W1r": lin(ks[3], D_H, D_IN),
        # layer 2
        "W2l": lin(ks[4], D_H, D_H), "b2l": jnp.zeros((D_H,), jnp.float32), "W2r": lin(ks[5], D_H, D_H),
        # layer 3
        "W3l": lin(ks[6], D_H, D_H), "b3l": jnp.zeros((D_H,), jnp.float32), "W3r": lin(ks[7], D_H, D_H),
        # final classifier
        "Wfc": lin(ks[8], N_CLS, D_H), "bfc": jnp.zeros((N_CLS,), jnp.float32),
    }
    return inp


def _sage_conv(x, edge_index, Wl, bl, Wr):
    # mean aggregation over incoming neighbors (PyG SAGEConv default)
    src = edge_index[0]
    dst = edge_index[1]
    msgs = jnp.take(x, src, axis=0)                      # gather  [E, d]
    agg = jax.ops.segment_sum(msgs, dst, num_segments=N)  # scatter-add
    deg = jax.ops.segment_sum(jnp.ones((E,), x.dtype), dst, num_segments=N)
    mean = agg / jnp.clip(deg, 1.0, None)[:, None]
    return mean @ Wl.T + bl + x @ Wr.T


def reference(x, edge_index, W1l, b1l, W1r, W2l, b2l, W2r, W3l, b3l, W3r, Wfc, bfc):
    h = jax.nn.relu(_sage_conv(x, edge_index, W1l, b1l, W1r))
    h = jax.nn.relu(_sage_conv(h, edge_index, W2l, b2l, W2r))
    h = jax.nn.relu(_sage_conv(h, edge_index, W3l, b3l, W3r))
    norm = jnp.linalg.norm(h, axis=1, keepdims=True)
    embeddings = h / jnp.clip(norm, 1e-12, None)  # F.normalize(p=2, dim=1)
    out = embeddings @ Wfc.T + bfc
    return (embeddings, out)

if __name__ == "__main__":
    import jax
    _d = setup_inputs()
    print(jax.jit(kernel)(*tuple(_d.values())))

</pallas_src>

<mosaic_0001>
#map = affine_map<(d0, d1) -> (0, 0)>
#map1 = affine_map<(d0, d1) -> (0)>
module attributes {stable_mosaic.version = 14 : i64} {
  func.func @_sc_agg_body(%arg0: i32, %arg1: i32, %arg2: memref<10000x128xf32, #tpu.memory_space<hbm>>, %arg3: memref<5120x128xi32, #tpu.memory_space<hbm>>, %arg4: memref<640x128xf32, #tpu.memory_space<hbm>>, %arg5: memref<10240xf32, #tpu.memory_space<hbm>>, %arg6: memref<20480x128xf32, #tpu.memory_space<hbm>>, %arg7: memref<32x10240xf32, #tpu.memory_space<hbm>>, %arg8: memref<2x128xi32, #tpu.memory_space<vmem>>, %arg9: memref<2x128xi32, #tpu.memory_space<vmem>>, %arg10: memref<2x128xi32, #tpu.memory_space<vmem>>, %arg11: memref<2x128xi32, #tpu.memory_space<vmem>>, %arg12: memref<128x128xf32, #tpu.memory_space<vmem>>, %arg13: memref<128x128xf32, #tpu.memory_space<vmem>>, %arg14: memref<10240xf32, #tpu.memory_space<vmem>>, %arg15: memref<10240x128xf32, #tpu.memory_space<vmem_shared>>, %arg16: memref<!tpu.dma_semaphore, #tpu.memory_space<semaphore_mem>>, %arg17: memref<!tpu.dma_semaphore, #tpu.memory_space<semaphore_mem>>, %arg18: memref<!tpu.dma_semaphore, #tpu.memory_space<semaphore_mem>>, %arg19: memref<!tpu.dma_semaphore, #tpu.memory_space<semaphore_mem>>, %arg20: memref<!tpu.dma_semaphore, #tpu.memory_space<semaphore_mem>>, %arg21: memref<!tpu.dma_semaphore, #tpu.memory_space<semaphore_mem>>, %arg22: memref<!tpu.dma_semaphore, #tpu.memory_space<semaphore_mem>>, %arg23: memref<!tpu.dma_semaphore, #tpu.memory_space<semaphore_mem>>) attributes {dimension_semantics = [#tpu.dimension_semantics<core_parallel>, #tpu.dimension_semantics<subcore_parallel>], iteration_bounds = array<i64: 2, 16>, scalar_prefetch = 0 : i64, scratch_operands = 16 : i64, tpu.core_type = #tpu.core_type<sc_vector_subcore>, window_params = [{transform_indices = #map}, {transform_indices = #map}, {transform_indices = #map}, {transform_indices = #map1}, {transform_indices = #map}, {transform_indices = #map}]} {
    %mul3A = arith.constant 2 : i32
    %mul3A_0 = arith.muli %arg1, %mul3A : i32
    %add3A = arith.addi %mul3A_0, %arg0 : i32
    %mul3A_1 = arith.constant 640 : i32
    %mul3A_2 = arith.muli %arg1, %mul3A_1 : i32
    %eq3A = arith.constant 0 : i32
    %eq3A_3 = arith.cmpi eq, %arg0, %eq3A : i32
    %jit3A = arith.constant 144 : i32
    %jit3A_4 = arith.constant 16 : i32
    %select_n3A = arith.select %eq3A_3, %jit3A, %jit3A_4 : i32
    %eq3A_5 = arith.constant 0 : i32
    %eq3A_6 = arith.cmpi eq, %arg0, %eq3A_5 : i32
    %mul3A_7 = arith.constant 144 : i32
    %mul3A_8 = arith.muli %arg1, %mul3A_7 : i32
    %mul3A_9 = arith.constant 16 : i32
    %mul3A_10 = arith.muli %arg1, %mul3A_9 : i32
    %add3A_11 = arith.constant 2304 : i32
    %add3A_12 = arith.addi %add3A_11, %mul3A_10 : i32
    %select_n3A_13 = arith.select %eq3A_6, %mul3A_8, %add3A_12 : i32
    "tpu.region"() ({
      %run_scoped3A = tpu.sem_alloc : memref<!tpu.dma_semaphore, #tpu.memory_space<semaphore_mem>>
      %dma_start3A = arith.constant 0 : i32
      %dma_start3A_42 = tpu.memref_slice %arg15[%mul3A_2, %dma_start3A] : memref<10240x128xf32, #tpu.memory_space<vmem_shared>> -> memref<640x128xf32, #tpu.memory_space<vmem_shared>>
      tpu.enqueue_dma source(%arg4 : memref<640x128xf32, #tpu.memory_space<hbm>>) target(%dma_start3A_42 : memref<640x128xf32, #tpu.memory_space<vmem_shared>>) target_semaphore(%run_scoped3A : memref<!tpu.dma_semaphore, #tpu.memory_space<semaphore_mem>>)
      %dma_wait3A = arith.constant 0 : i32
      %dma_wait3A_43 = tpu.memref_slice %arg15[%mul3A_2, %dma_wait3A] : memref<10240x128xf32, #tpu.memory_space<vmem_shared>> -> memref<640x128xf32, #tpu.memory_space<vmem_shared>>
      tpu.wait_dma2 semaphore(%run_scoped3A : memref<!tpu.dma_semaphore, #tpu.memory_space<semaphore_mem>>) src(%arg4 : memref<640x128xf32, #tpu.memory_space<hbm>>) dst(%dma_wait3A_43 : memref<640x128xf32, #tpu.memory_space<vmem_shared>>)
      tpu.yield
    }) : () -> ()
    "tpu.region"() ({
      %run_scoped3A = tpu.sem_alloc : memref<!tpu.dma_semaphore, #tpu.memory_space<semaphore_mem>>
      tpu.enqueue_dma source(%arg5 : memref<10240xf32, #tpu.memory_space<hbm>>) target(%arg14 : memref<10240xf32, #tpu.memory_space<vmem>>) target_semaphore(%run_scoped3A : memref<!tpu.dma_semaphore, #tpu.memory_space<semaphore_mem>>)
      tpu.wait_dma2 semaphore(%run_scoped3A : memref<!tpu.dma_semaphore, #tpu.memory_space<semaphore_mem>>) src(%arg5 : memref<10240xf32, #tpu.memory_space<hbm>>) dst(%arg14 : memref<10240xf32, #tpu.memory_space<vmem>>)
      tpu.yield
    }) : () -> ()
    %broadcast_in_dim3A = arith.constant 1.000000e+00 : f32
    %broadcast_in_dim3A_14 = vector.broadcast %broadcast_in_dim3A : f32 to vector<16xf32>
    %barrier3A = arith.constant 0 : index
    tpu.barrier barrier_id(%barrier3A)
    %gt3A = arith.constant 0 : i32
    %gt3A_15 = arith.cmpi sgt, %select_n3A, %gt3A : i32
    %convert_element_type3A = arith.extui %gt3A_15 : i1 to i32
    %cond3A = arith.constant 0 : i32
    %cond3A_16 = arith.cmpi ne, %convert_element_type3A, %cond3A : i32
    scf.if %cond3A_16 {
      %add3A_42 = arith.constant 0 : i32
      %add3A_43 = arith.addi %select_n3A_13, %add3A_42 : i32
      %mul3A_44 = arith.constant 2 : i32
      %mul3A_45 = arith.muli %add3A_43, %mul3A_44 : i32
      %dma_start3A = arith.constant 0 : i32
      %dma_start3A_46 = tpu.memref_slice %arg3[%mul3A_45, %dma_start3A] : memref<5120x128xi32, #tpu.memory_space<hbm>> -> memref<2x128xi32, #tpu.memory_space<hbm>>
      %dma_start3A_47 = arith.constant 0 : i32
      %dma_start3A_48 = tpu.memref_slice %arg3[%mul3A_45, %dma_start3A_47] : memref<5120x128xi32, #tpu.memory_space<hbm>> -> memref<2x128xi32, #tpu.memory_space<hbm>>
      tpu.enqueue_dma source(%dma_start3A_48 : memref<2x128xi32, #tpu.memory_space<hbm>>) target(%arg8 : memref<2x128xi32, #tpu.memory_space<vmem>>) target_semaphore(%arg16 : memref<!tpu.dma_semaphore, #tpu.memory_space<semaphore_mem>>)
      %add3A_49 = arith.constant 1 : i32
      %add3A_50 = arith.addi %select_n3A_13, %add3A_49 : i32
      %mul3A_51 = arith.constant 2 : i32
      %mul3A_52 = arith.muli %add3A_50, %mul3A_51 : i32
      %dma_start3A_53 = arith.constant 0 : i32
      %dma_start3A_54 = tpu.memref_slice %arg3[%mul3A_52, %dma_start3A_53] : memref<5120x128xi32, #tpu.memory_space<hbm>> -> memref<2x128xi32, #tpu.memory_space<hbm>>
      %dma_start3A_55 = arith.constant 0 : i32
      %dma_start3A_56 = tpu.memref_slice %arg3[%mul3A_52, %dma_start3A_55] : memref<5120x128xi32, #tpu.memory_space<hbm>> -> memref<2x128xi32, #tpu.memory_space<hbm>>
      tpu.enqueue_dma source(%dma_start3A_56 : memref<2x128xi32, #tpu.memory_space<hbm>>) target(%arg9 : memref<2x128xi32, #tpu.memory_space<vmem>>) target_semaphore(%arg17 : memref<!tpu.dma_semaphore, #tpu.memory_space<semaphore_mem>>)
    } else {
    }
    %sub3A = arith.constant 0 : i32
    %sub3A_17 = arith.subi %select_n3A, %sub3A : i32
    %sub3A_18 = arith.constant 4 : i32
    %sub3A_19 = arith.constant 1 : i32
    %sub3A_20 = arith.subi %sub3A_18, %sub3A_19 : i32
    %add3A_21 = arith.addi %sub3A_17, %sub3A_20 : i32
    %div3A = arith.constant 4 : i32
    %div3A_22 = arith.divsi %add3A_21, %div3A : i32
    %while3A = arith.constant 4 : i32
    %while3A_23 = arith.constant 0 : i32
    %while3A_24 = arith.constant 0 : i32
    %while3A_25 = arith.subi %div3A_22, %while3A_24 : i32
    %while3A_26 = arith.addi %while3A_24, %while3A_25 : i32
    %while3A_27 = arith.constant 1 : i32
    %while3A_28 = arith.divsi %while3A_25, %while3A_27 : i32
    %while3A_29 = arith.muli %while3A_28, %while3A_27 : i32
    %while3A_30 = arith.addi %while3A_24, %while3A_29 : i32
    %while3A_31 = arith.constant 1 : i32
    scf.for %while3A_42 = %while3A_24 to %while3A_30 step %while3A_31  : i32 {
      %mul3A_43 = arith.muli %while3A_42, %while3A : i32
      %add3A_44 = arith.addi %while3A_23, %mul3A_43 : i32
      %add3A_45 = arith.constant 0 : i32
      %add3A_46 = arith.addi %add3A_44, %add3A_45 : i32
      %gt3A_47 = arith.constant 0 : i32
      %gt3A_48 = arith.cmpi sgt, %add3A_44, %gt3A_47 : i32
      %convert_element_type3A_49 = arith.extui %gt3A_48 : i1 to i32
      %cond3A_50 = arith.constant 0 : i32
      %cond3A_51 = arith.cmpi ne, %convert_element_type3A_49, %cond3A_50 : i32
      scf.if %cond3A_51 {
        %dma_wait3A_343 = arith.constant 1 : i32
        %dma_wait3A_344 = arith.constant 0 : i32
        %dma_wait3A_345 = tpu.memref_slice %arg10[%dma_wait3A_343, %dma_wait3A_344] : memref<2x128xi32, #tpu.memory_space<vmem>> -> memref<1x128xi32, #tpu.memory_space<vmem>>
        %dma_wait3A_346 = tpu.memref_squeeze %dma_wait3A_345 : memref<1x128xi32, #tpu.memory_space<vmem>> -> memref<128xi32, #tpu.memory_space<vmem>>
        %dma_wait3A_347 = arith.constant 0 : i32
        %dma_wait3A_348 = arith.constant 0 : i32
        %dma_wait3A_349 = tpu.memref_slice %arg15[%dma_wait3A_347, %dma_wait3A_348] : memref<10240x128xf32, #tpu.memory_space<vmem_shared>> -> memref<10240x128xf32, #tpu.memory_space<vmem_shared>>
        tpu.wait_indirect_dma semaphore(%arg22 : memref<!tpu.dma_semaphore, #tpu.memory_space<semaphore_mem>>) src(%arg12 : memref<128x128xf32, #tpu.memory_space<vmem>>) dst(%dma_wait3A_349 : memref<10240x128xf32, #tpu.memory_space<vmem_shared>>)
      } else {
      }
      %add3A_52 = arith.constant 2 : i32
      %add3A_53 = arith.addi %add3A_46, %add3A_52 : i32
      %add3A_54 = arith.addi %select_n3A_13, %add3A_53 : i32
      %mul3A_55 = arith.constant 2 : i32
      %mul3A_56 = arith.muli %add3A_54, %mul3A_55 : i32
      %dma_start3A = arith.constant 0 : i32
      %dma_start3A_57 = tpu.memref_slice %arg3[%mul3A_56, %dma_start3A] : memref<5120x128xi32, #tpu.memory_space<hbm>> -> memref<2x128xi32, #tpu.memory_space<hbm>>
      %dma_start3A_58 = arith.constant 0 : i32
      %dma_start3A_59 = tpu.memref_slice %arg3[%mul3A_56, %dma_start3A_58] : memref<5120x128xi32, #tpu.memory_space<hbm>> -> memref<2x128xi32, #tpu.memory_space<hbm>>
      tpu.enqueue_dma source(%dma_start3A_59 : memref<2x128xi32, #tpu.memory_space<hbm>>) target(%arg10 : memref<2x128xi32, #tpu.memory_space<vmem>>) target_semaphore(%arg18 : memref<!tpu.dma_semaphore, #tpu.memory_space<semaphore_mem>>)
      %add3A_60 = arith.addi %select_n3A_13, %add3A_46 : i32
      %mul3A_61 = arith.constant 2 : i32
      %mul3A_62 = arith.muli %add3A_60, %mul3A_61 : i32
      %dma_wait3A = arith.constant 0 : i32
      %dma_wait3A_63 = tpu.memref_slice %arg3[%mul3A_62, %dma_wait3A] : memref<5120x128xi32, #tpu.memory_space<hbm>> -> memref<2x128xi32, #tpu.memory_space<hbm>>
      %dma_wait3A_64 = arith.constant 0 : i32
      %dma_wait3A_65 = tpu.memref_slice %arg3[%mul3A_62, %dma_wait3A_64] : memref<5120x128xi32, #tpu.memory_space<hbm>> -> memref<2x128xi32, #tpu.memory_space<hbm>>
      tpu.wait_dma2 semaphore(%arg16 : memref<!tpu.dma_semaphore, #tpu.memory_space<semaphore_mem>>) src(%dma_wait3A_65 : memref<2x128xi32, #tpu.memory_space<hbm>>) dst(%arg8 : memref<2x128xi32, #tpu.memory_space<vmem>>)
      %dma_start3A_66 = arith.constant 0 : i32
      %dma_start3A_67 = arith.constant 0 : i32
      %dma_start3A_68 = tpu.memref_slice %arg8[%dma_start3A_66, %dma_start3A_67] : memref<2x128xi32, #tpu.memory_space<vmem>> -> memref<1x128xi32, #tpu.memory_space<vmem>>
      %dma_start3A_69 = tpu.memref_squeeze %dma_start3A_68 : memref<1x128xi32, #tpu.memory_space<vmem>> -> memref<128xi32, #tpu.memory_space<vmem>>
      %dma_start3A_70 = arith.constant 0 : i32
      %dma_start3A_71 = arith.constant 0 : i32
      %dma_start3A_72 = tpu.memref_slice %arg2[%dma_start3A_70, %dma_start3A_71] : memref<10000x128xf32, #tpu.memory_space<hbm>> -> memref<10000x128xf32, #tpu.memory_space<hbm>>
      tpu.enqueue_indirect_dma source(%dma_start3A_72 : memref<10000x128xf32, #tpu.memory_space<hbm>>) target(%arg12 : memref<128x128xf32, #tpu.memory_space<vmem>>) offsets(%dma_start3A_69 : memref<128xi32, #tpu.memory_space<vmem>>) semaphore(%arg20 : memref<!tpu.dma_semaphore, #tpu.memory_space<semaphore_mem>>)
      %dma_wait3A_73 = arith.constant 0 : i32
      %dma_wait3A_74 = arith.constant 0 : i32
      %dma_wait3A_75 = tpu.memref_slice %arg8[%dma_wait3A_73, %dma_wait3A_74] : memref<2x128xi32, #tpu.memory_space<vmem>> -> memref<1x128xi32, #tpu.memory_space<vmem>>
      %dma_wait3A_76 = tpu.memref_squeeze %dma_wait3A_75 : memref<1x128xi32, #tpu.memory_space<vmem>> -> memref<128xi32, #tpu.memory_space<vmem>>
      %dma_wait3A_77 = arith.constant 0 : i32
      %dma_wait3A_78 = arith.constant 0 : i32
      %dma_wait3A_79 = tpu.memref_slice %arg2[%dma_wait3A_77, %dma_wait3A_78] : memref<10000x128xf32, #tpu.memory_space<hbm>> -> memref<10000x128xf32, #tpu.memory_space<hbm>>
      tpu.wait_indirect_dma semaphore(%arg20 : memref<!tpu.dma_semaphore, #tpu.memory_space<semaphore_mem>>) src(%dma_wait3A_79 : memref<10000x128xf32, #tpu.memory_space<hbm>>) dst(%arg12 : memref<128x128xf32, #tpu.memory_space<vmem>>)
      %dma_start3A_80 = arith.constant 1 : i32
      %dma_start3A_81 = arith.constant 0 : i32
      %dma_start3A_82 = tpu.memref_slice %arg8[%dma_start3A_80, %dma_start3A_81] : memref<2x128xi32, #tpu.memory_space<vmem>> -> memref<1x128xi32, #tpu.memory_space<vmem>>
      %dma_start3A_83 = tpu.memref_squeeze %dma_start3A_82 : memref<1x128xi32, #tpu.memory_space<vmem>> -> memref<128xi32, #tpu.memory_space<vmem>>
      %dma_start3A_84 = arith.constant 0 : i32
      %dma_start3A_85 = arith.constant 0 : i32
      %dma_start3A_86 = tpu.memref_slice %arg15[%dma_start3A_84, %dma_start3A_85] : memref<10240x128xf32, #tpu.memory_space<vmem_shared>> -> memref<10240x128xf32, #tpu.memory_space<vmem_shared>>
      tpu.enqueue_indirect_dma source(%arg12 : memref<128x128xf32, #tpu.memory_space<vmem>>) target(%dma_start3A_86 : memref<10240x128xf32, #tpu.memory_space<vmem_shared>>) offsets(%dma_start3A_83 : memref<128xi32, #tpu.memory_space<vmem>>) semaphore(%arg22 : memref<!tpu.dma_semaphore, #tpu.memory_space<semaphore_mem>>) {add = true}
      %get3A = arith.constant 1 : i64
      %get3A_87 = arith.index_cast %get3A : i64 to index
      %get3A_88 = arith.constant 0 : index
      %get3A_89 = tpu.vector_load %arg8[%get3A_87, %get3A_88] {strides = array<i32>} : memref<2x128xi32, #tpu.memory_space<vmem>>, vector<16xi32>,
      tpu.vector_store_idx %arg14[%get3A_89], %broadcast_in_dim3A_14 {add = true} : memref<10240xf32, #tpu.memory_space<vmem>>[vector<16xi32>], vector<16xf32>,
      %get3A_90 = arith.constant 1 : i64
      %get3A_91 = arith.index_cast %get3A_90 : i64 to index
      %get3A_92 = arith.constant 16 : index
      %get3A_93 = tpu.vector_load %arg8[%get3A_91, %get3A_92] {strides = array<i32>} : memref<2x128xi32, #tpu.memory_space<vmem>>, vector<16xi32>,
      tpu.vector_store_idx %arg14[%get3A_93], %broadcast_in_dim3A_14 {add = true} : memref<10240xf32, #tpu.memory_space<vmem>>[vector<16xi32>], vector<16xf32>,
      %get3A_94 = arith.constant 1 : i64
      %get3A_95 = arith.index_cast %get3A_94 : i64 to index
      %get3A_96 = arith.constant 32 : index
      %get3A_97 = tpu.vector_load %arg8[%get3A_95, %get3A_96] {strides = array<i32>} : memref<2x128xi32, #tpu.memory_space<vmem>>, vector<16xi32>,
      tpu.vector_store_idx %arg14[%get3A_97], %broadcast_in_dim3A_14 {add = true} : memref<10240xf32, #tpu.memory_space<vmem>>[vector<16xi32>], vector<16xf32>,
      %get3A_98 = arith.constant 1 : i64
      %get3A_99 = arith.index_cast %get3A_98 : i64 to index
      %get3A_100 = arith.constant 48 : index
      %get3A_101 = tpu.vector_load %arg8[%get3A_99, %get3A_100] {strides = array<i32>} : memref<2x128xi32, #tpu.memory_space<vmem>>, vector<16xi32>,
      tpu.vector_store_idx %arg14[%get3A_101], %broadcast_in_dim3A_14 {add = true} : memref<10240xf32, #tpu.memory_space<vmem>>[vector<16xi32>], vector<16xf32>,
      %get3A_102 = arith.constant 1 : i64
      %get3A_103 = arith.index_cast %get3A_102 : i64 to index
      %get3A_104 = arith.constant 64 : index
      %get3A_105 = tpu.vector_load %arg8[%get3A_103, %get3A_104] {strides = array<i32>} : memref<2x128xi32, #tpu.memory_space<vmem>>, vector<16xi32>,
      tpu.vector_store_idx %arg14[%get3A_105], %broadcast_in_dim3A_14 {add = true} : memref<10240xf32, #tpu.memory_space<vmem>>[vector<16xi32>], vector<16xf32>,
      %get3A_106 = arith.constant 1 : i64
      %get3A_107 = arith.index_cast %get3A_106 : i64 to index
      %get3A_108 = arith.constant 80 : index
      %get3A_109 = tpu.vector_load %arg8[%get3A_107, %get3A_108] {strides = array<i32>} : memref<2x128xi32, #tpu.memory_space<vmem>>, vector<16xi32>,
      tpu.vector_store_idx %arg14[%get3A_109], %broadcast_in_dim3A_14 {add = true} : memref<10240xf32, #tpu.memory_space<vmem>>[vector<16xi32>], vector<16xf32>,
      %get3A_110 = arith.constant 1 : i64
      %get3A_111 = arith.index_cast %get3A_110 : i64 to index
      %get3A_112 = arith.constant 96 : index
      %get3A_113 = tpu.vector_load %arg8[%get3A_111, %get3A_112] {strides = array<i32>} : memref<2x128xi32, #tpu.memory_space<vmem>>, vector<16xi32>,
      tpu.vector_store_idx %arg14[%get3A_113], %broadcast_in_dim3A_14 {add = true} : memref<10240xf32, #tpu.memory_space<vmem>>[vector<16xi32>], vector<16xf32>,
      %get3A_114 = arith.constant 1 : i64
      %get3A_115 = arith.index_cast %get3A_114 : i64 to index
      %get3A_116 = arith.constant 112 : index
      %get3A_117 = tpu.vector_load %arg8[%get3A_115, %get3A_116] {strides = array<i32>} : memref<2x128xi32, #tpu.memory_space<vmem>>, vector<16xi32>,
      tpu.vector_store_idx %arg14[%get3A_117], %broadcast_in_dim3A_14 {add = true} : memref<10240xf32, #tpu.memory_space<vmem>>[vector<16xi32>], vector<16xf32>,
      %add3A_118 = arith.constant 1 : i32
      %add3A_119 = arith.addi %add3A_44, %add3A_118 : i32
      %gt3A_120 = arith.constant 0 : i32
      %gt3A_121 = arith.cmpi sgt, %add3A_44, %gt3A_120 : i32
      %convert_element_type3A_122 = arith.extui %gt3A_121 : i1 to i32
      %cond3A_123 = arith.constant 0 : i32
      %cond3A_124 = arith.cmpi ne, %convert_element_type3A_122, %cond3A_123 : i32
      scf.if %cond3A_124 {
        %dma_wait3A_343 = arith.constant 1 : i32
        %dma_wait3A_344 = arith.constant 0 : i32
        %dma_wait3A_345 = tpu.memref_slice %arg11[%dma_wait3A_343, %dma_wait3A_344] : memref<2x128xi32, #tpu.memory_space<vmem>> -> memref<1x128xi32, #tpu.memory_space<vmem>>
        %dma_wait3A_346 = tpu.memref_squeeze %dma_wait3A_345 : memref<1x128xi32, #tpu.memory_space<vmem>> -> memref<128xi32, #tpu.memory_space<vmem>>
        %dma_wait3A_347 = arith.constant 0 : i32
        %dma_wait3A_348 = arith.constant 0 : i32
        %dma_wait3A_349 = tpu.memref_slice %arg15[%dma_wait3A_347, %dma_wait3A_348] : memref<10240x128xf32, #tpu.memory_space<vmem_shared>> -> memref<10240x128xf32, #tpu.memory_space<vmem_shared>>
        tpu.wait_indirect_dma semaphore(%arg23 : memref<!tpu.dma_semaphore, #tpu.memory_space<semaphore_mem>>) src(%arg13 : memref<128x128xf32, #tpu.memory_space<vmem>>) dst(%dma_wait3A_349 : memref<10240x128xf32, #tpu.memory_space<vmem_shared>>)
      } else {
      }
      %add3A_125 = arith.constant 2 : i32
      %add3A_126 = arith.addi %add3A_119, %add3A_125 : i32
      %add3A_127 = arith.addi %select_n3A_13, %add3A_126 : i32
      %mul3A_128 = arith.constant 2 : i32
      %mul3A_129 = arith.muli %add3A_127, %mul3A_128 : i32
      %dma_start3A_130 = arith.constant 0 : i32
      %dma_start3A_131 = tpu.memref_slice %arg3[%mul3A_129, %dma_start3A_130] : memref<5120x128xi32, #tpu.memory_space<hbm>> -> memref<2x128xi32, #tpu.memory_space<hbm>>
      %dma_start3A_132 = arith.constant 0 : i32
      %dma_start3A_133 = tpu.memref_slice %arg3[%mul3A_129, %dma_start3A_132] : memref<5120x128xi32, #tpu.memory_space<hbm>> -> memref<2x128xi32, #tpu.memory_space<hbm>>
      tpu.enqueue_dma source(%dma_start3A_133 : memref<2x128xi32, #tpu.memory_space<hbm>>) target(%arg11 : memref<2x128xi32, #tpu.memory_space<vmem>>) target_semaphore(%arg19 : memref<!tpu.dma_semaphore, #tpu.memory_space<semaphore_mem>>)
      %add3A_134 = arith.addi %select_n3A_13, %add3A_119 : i32
      %mul3A_135 = arith.constant 2 : i32
      %mul3A_136 = arith.muli %add3A_134, %mul3A_135 : i32
      %dma_wait3A_137 = arith.constant 0 : i32
      %dma_wait3A_138 = tpu.memref_slice %arg3[%mul3A_136, %dma_wait3A_137] : memref<5120x128xi32, #tpu.memory_space<hbm>> -> memref<2x128xi32, #tpu.memory_space<hbm>>
      %dma_wait3A_139 = arith.constant 0 : i32
      %dma_wait3A_140 = tpu.memref_slice %arg3[%mul3A_136, %dma_wait3A_139] : memref<5120x128xi32, #tpu.memory_space<hbm>> -> memref<2x128xi32, #tpu.memory_space<hbm>>
      tpu.wait_dma2 semaphore(%arg17 : memref<!tpu.dma_semaphore, #tpu.memory_space<semaphore_mem>>) src(%dma_wait3A_140 : memref<2x128xi32, #tpu.memory_space<hbm>>) dst(%arg9 : memref<2x128xi32, #tpu.memory_space<vmem>>)
      %dma_start3A_141 = arith.constant 0 : i32
      %dma_start3A_142 = arith.constant 0 : i32
      %dma_start3A_143 = tpu.memref_slice %arg9[%dma_start3A_141, %dma_start3A_142] : memref<2x128xi32, #tpu.memory_space<vmem>> -> memref<1x128xi32, #tpu.memory_space<vmem>>
      %dma_start3A_144 = tpu.memref_squeeze %dma_start3A_143 : memref<1x128xi32, #tpu.memory_space<vmem>> -> memref<128xi32, #tpu.memory_space<vmem>>
      %dma_start3A_145 = arith.constant 0 : i32
      %dma_start3A_146 = arith.constant 0 : i32
      %dma_start3A_147 = tpu.memref_slice %arg2[%dma_start3A_145, %dma_start3A_146] : memref<10000x128xf32, #tpu.memory_space<hbm>> -> memref<10000x128xf32, #tpu.memory_space<hbm>>
      tpu.enqueue_indirect_dma source(%dma_start3A_147 : memref<10000x128xf32, #tpu.memory_space<hbm>>) target(%arg13 : memref<128x128xf32, #tpu.memory_space<vmem>>) offsets(%dma_start3A_144 : memref<128xi32, #tpu.memory_space<vmem>>) semaphore(%arg21 : memref<!tpu.dma_semaphore, #tpu.memory_space<semaphore_mem>>)
      %dma_wait3A_148 = arith.constant 0 : i32
      %dma_wait3A_149 = arith.constant 0 : i32
      %dma_wait3A_150 = tpu.memref_slice %arg9[%dma_wait3A_148, %dma_wait3A_149] : memref<2x128xi32, #tpu.memory_space<vmem>> -> memref<1x128xi32, #tpu.memory_space<vmem>>
      %dma_wait3A_151 = tpu.memref_squeeze %dma_wait3A_150 : memref<1x128xi32, #tpu.memory_space<vmem>> -> memref<128xi32, #tpu.memory_space<vmem>>
      %dma_wait3A_152 = arith.constant 0 : i32
      %dma_wait3A_153 = arith.constant 0 : i32
      %dma_wait3A_154 = tpu.memref_slice %arg2[%dma_wait3A_152, %dma_wait3A_153] : memref<10000x128xf32, #tpu.memory_space<hbm>> -> memref<10000x128xf32, #tpu.memory_space<hbm>>
      tpu.wait_indirect_dma semaphore(%arg21 : memref<!tpu.dma_semaphore, #tpu.memory_space<semaphore_mem>>) src(%dma_wait3A_154 : memref<10000x128xf32, #tpu.memory_space<hbm>>) dst(%arg13 : memref<128x128xf32, #tpu.memory_space<vmem>>)
      %dma_start3A_155 = arith.constant 1 : i32
      %dma_start3A_156 = arith.constant 0 : i32
      %dma_start3A_157 = tpu.memref_slice %arg9[%dma_start3A_155, %dma_start3A_156] : memref<2x128xi32, #tpu.memory_space<vmem>> -> memref<1x128xi32, #tpu.memory_space<vmem>>
      %dma_start3A_158 = tpu.memref_squeeze %dma_start3A_157 : memref<1x128xi32, #tpu.memory_space<vmem>> -> memref<128xi32, #tpu.memory_space<vmem>>
      %dma_start3A_159 = arith.constant 0 : i32
      %dma_start3A_160 = arith.constant 0 : i32
      %dma_start3A_161 = tpu.memref_slice %arg15[%dma_start3A_159, %dma_start3A_160] : memref<10240x128xf32, #tpu.memory_space<vmem_shared>> -> memref<10240x128xf32, #tpu.memory_space<vmem_shared>>
      tpu.enqueue_indirect_dma source(%arg13 : memref<128x128xf32, #tpu.memory_space<vmem>>) target(%dma_start3A_161 : memref<10240x128xf32, #tpu.memory_space<vmem_shared>>) offsets(%dma_start3A_158 : memref<128xi32, #tpu.memory_space<vmem>>) semaphore(%arg23 : memref<!tpu.dma_semaphore, #tpu.memory_space<semaphore_mem>>) {add = true}
      %get3A_162 = arith.constant 1 : i64
      %get3A_163 = arith.index_cast %get3A_162 : i64 to index
      %get3A_164 = arith.constant 0 : index
      %get3A_165 = tpu.vector_load %arg9[%get3A_163, %get3A_164] {strides = array<i32>} : memref<2x128xi32, #tpu.memory_space<vmem>>, vector<16xi32>,
      tpu.vector_store_idx %arg14[%get3A_165], %broadcast_in_dim3A_14 {add = true} : memref<10240xf32, #tpu.memory_space<vmem>>[vector<16xi32>], vector<16xf32>,
      %get3A_166 = arith.constant 1 : i64
      %get3A_167 = arith.index_cast %get3A_166 : i64 to index
      %get3A_168 = arith.constant 16 : index
      %get3A_169 = tpu.vector_load %arg9[%get3A_167, %get3A_168] {strides = array<i32>} : memref<2x128xi32, #tpu.memory_space<vmem>>, vector<16xi32>,
      tpu.vector_store_idx %arg14[%get3A_169], %broadcast_in_dim3A_14 {add = true} : memref<10240xf32, #tpu.memory_space<vmem>>[vector<16xi32>], vector<16xf32>,
      %get3A_170 = arith.constant 1 : i64
      %get3A_171 = arith.index_cast %get3A_170 : i64 to index
      %get3A_172 = arith.constant 32 : index
      %get3A_173 = tpu.vector_load %arg9[%get3A_171, %get3A_172] {strides = array<i32>} : memref<2x128xi32, #tpu.memory_space<vmem>>, vector<16xi32>,
      tpu.vector_store_idx %arg14[%get3A_173], %broadcast_in_dim3A_14 {add = true} : memref<10240xf32, #tpu.memory_space<vmem>>[vector<16xi32>], vector<16xf32>,
      %get3A_174 = arith.constant 1 : i64
      %get3A_175 = arith.index_cast %get3A_174 : i64 to index
      %get3A_176 = arith.constant 48 : index
      %get3A_177 = tpu.vector_load %arg9[%get3A_175, %get3A_176] {strides = array<i32>} : memref<2x128xi32, #tpu.memory_space<vmem>>, vector<16xi32>,
      tpu.vector_store_idx %arg14[%get3A_177], %broadcast_in_dim3A_14 {add = true} : memref<10240xf32, #tpu.memory_space<vmem>>[vector<16xi32>], vector<16xf32>,
      %get3A_178 = arith.constant 1 : i64
      %get3A_179 = arith.index_cast %get3A_178 : i64 to index
      %get3A_180 = arith.constant 64 : index
      %get3A_181 = tpu.vector_load %arg9[%get3A_179, %get3A_180] {strides = array<i32>} : memref<2x128xi32, #tpu.memory_space<vmem>>, vector<16xi32>,
      tpu.vector_store_idx %arg14[%get3A_181], %broadcast_in_dim3A_14 {add = true} : memref<10240xf32, #tpu.memory_space<vmem>>[vector<16xi32>], vector<16xf32>,
      %get3A_182 = arith.constant 1 : i64
      %get3A_183 = arith.index_cast %get3A_182 : i64 to index
      %get3A_184 = arith.constant 80 : index
      %get3A_185 = tpu.vector_load %arg9[%get3A_183, %get3A_184] {strides = array<i32>} : memref<2x128xi32, #tpu.memory_space<vmem>>, vector<16xi32>,
      tpu.vector_store_idx %arg14[%get3A_185], %broadcast_in_dim3A_14 {add = true} : memref<10240xf32, #tpu.memory_space<vmem>>[vector<16xi32>], vector<16xf32>,
      %get3A_186 = arith.constant 1 : i64
      %get3A_187 = arith.index_cast %get3A_186 : i64 to index
      %get3A_188 = arith.constant 96 : index
      %get3A_189 = tpu.vector_load %arg9[%get3A_187, %get3A_188] {strides = array<i32>} : memref<2x128xi32, #tpu.memory_space<vmem>>, vector<16xi32>,
      tpu.vector_store_idx %arg14[%get3A_189], %broadcast_in_dim3A_14 {add = true} : memref<10240xf32, #tpu.memory_space<vmem>>[vector<16xi32>], vector<16xf32>,
      %get3A_190 = arith.constant 1 : i64
      %get3A_191 = arith.index_cast %get3A_190 : i64 to index
      %get3A_192 = arith.constant 112 : index
      %get3A_193 = tpu.vector_load %arg9[%get3A_191, %get3A_192] {strides = array<i32>} : memref<2x128xi32, #tpu.memory_space<vmem>>, vector<16xi32>,
      tpu.vector_store_idx %arg14[%get3A_193], %broadcast_in_dim3A_14 {add = true} : memref<10240xf32, #tpu.memory_space<vmem>>[vector<16xi32>], vector<16xf32>,
      %add3A_194 = arith.constant 2 : i32
      %add3A_195 = arith.addi %add3A_44, %add3A_194 : i32
      %dma_wait3A_196 = arith.constant 1 : i32
      %dma_wait3A_197 = arith.constant 0 : i32
      %dma_wait3A_198 = tpu.memref_slice %arg8[%dma_wait3A_196, %dma_wait3A_197] : memref<2x128xi32, #tpu.memory_space<vmem>> -> memref<1x128xi32, #tpu.memory_space<vmem>>
      %dma_wait3A_199 = tpu.memref_squeeze %dma_wait3A_198 : memref<1x128xi32, #tpu.memory_space<vmem>> -> memref<128xi32, #tpu.memory_space<vmem>>
      %dma_wait3A_200 = arith.constant 0 : i32
      %dma_wait3A_201 = arith.constant 0 : i32
      %dma_wait3A_202 = tpu.memref_slice %arg15[%dma_wait3A_200, %dma_wait3A_201] : memref<10240x128xf32, #tpu.memory_space<vmem_shared>> -> memref<10240x128xf32, #tpu.memory_space<vmem_shared>>
      tpu.wait_indirect_dma semaphore(%arg22 : memref<!tpu.dma_semaphore, #tpu.memory_space<semaphore_mem>>) src(%arg12 : memref<128x128xf32, #tpu.memory_space<vmem>>) dst(%dma_wait3A_202 : memref<10240x128xf32, #tpu.memory_space<vmem_shared>>)
      %add3A_203 = arith.constant 2 : i32
      %add3A_204 = arith.addi %add3A_195, %add3A_203 : i32
      %lt3A = arith.cmpi slt, %add3A_204, %select_n3A : i32
      %convert_element_type3A_205 = arith.extui %lt3A : i1 to i32
      %cond3A_206 = arith.constant 0 : i32
      %cond3A_207 = arith.cmpi ne, %convert_element_type3A_205, %cond3A_206 : i32
      scf.if %cond3A_207 {
        %add3A_343 = arith.constant 2 : i32
        %add3A_344 = arith.addi %add3A_195, %add3A_343 : i32
        %add3A_345 = arith.addi %select_n3A_13, %add3A_344 : i32
        %mul3A_346 = arith.constant 2 : i32
        %mul3A_347 = arith.muli %add3A_345, %mul3A_346 : i32
        %dma_start3A_348 = arith.constant 0 : i32
        %dma_start3A_349 = tpu.memref_slice %arg3[%mul3A_347, %dma_start3A_348] : memref<5120x128xi32, #tpu.memory_space<hbm>> -> memref<2x128xi32, #tpu.memory_space<hbm>>
        %dma_start3A_350 = arith.constant 0 : i32
        %dma_start3A_351 = tpu.memref_slice %arg3[%mul3A_347, %dma_start3A_350] : memref<5120x128xi32, #tpu.memory_space<hbm>> -> memref<2x128xi32, #tpu.memory_space<hbm>>
        tpu.enqueue_dma source(%dma_start3A_351 : memref<2x128xi32, #tpu.memory_space<hbm>>) target(%arg8 : memref<2x128xi32, #tpu.memory_space<vmem>>) target_semaphore(%arg16 : memref<!tpu.dma_semaphore, #tpu.memory_space<semaphore_mem>>)
      } else {
      }
      %add3A_208 = arith.addi %select_n3A_13, %add3A_195 : i32
      %mul3A_209 = arith.constant 2 : i32
      %mul3A_210 = arith.muli %add3A_208, %mul3A_209 : i32
      %dma_wait3A_211 = arith.constant 0 : i32
      %dma_wait3A_212 = tpu.memref_slice %arg3[%mul3A_210, %dma_wait3A_211] : memref<5120x128xi32, #tpu.memory_space<hbm>> -> memref<2x128xi32, #tpu.memory_space<hbm>>
      %dma_wait3A_213 = arith.constant 0 : i32
      %dma_wait3A_214 = tpu.memref_slice %arg3[%mul3A_210, %dma_wait3A_213] : memref<5120x128xi32, #tpu.memory_space<hbm>> -> memref<2x128xi32, #tpu.memory_space<hbm>>
      tpu.wait_dma2 semaphore(%arg18 : memref<!tpu.dma_semaphore, #tpu.memory_space<semaphore_mem>>) src(%dma_wait3A_214 : memref<2x128xi32, #tpu.memory_space<hbm>>) dst(%arg10 : memref<2x128xi32, #tpu.memory_space<vmem>>)
      %dma_start3A_215 = arith.constant 0 : i32
      %dma_start3A_216 = arith.constant 0 : i32
      %dma_start3A_217 = tpu.memref_slice %arg10[%dma_start3A_215, %dma_start3A_216] : memref<2x128xi32, #tpu.memory_space<vmem>> -> memref<1x128xi32, #tpu.memory_space<vmem>>
      %dma_start3A_218 = tpu.memref_squeeze %dma_start3A_217 : memref<1x128xi32, #tpu.memory_space<vmem>> -> memref<128xi32, #tpu.memory_space<vmem>>
      %dma_start3A_219 = arith.constant 0 : i32
      %dma_start3A_220 = arith.constant 0 : i32
      %dma_start3A_221 = tpu.memref_slice %arg2[%dma_start3A_219, %dma_start3A_220] : memref<10000x128xf32, #tpu.memory_space<hbm>> -> memref<10000x128xf32, #tpu.memory_space<hbm>>
      tpu.enqueue_indirect_dma source(%dma_start3A_221 : memref<10000x128xf32, #tpu.memory_space<hbm>>) target(%arg12 : memref<128x128xf32, #tpu.memory_space<vmem>>) offsets(%dma_start3A_218 : memref<128xi32, #tpu.memory_space<vmem>>) semaphore(%arg20 : memref<!tpu.dma_semaphore, #tpu.memory_space<semaphore_mem>>)
      %dma_wait3A_222 = arith.constant 0 : i32
      %dma_wait3A_223 = arith.constant 0 : i32
      %dma_wait3A_224 = tpu.memref_slice %arg10[%dma_wait3A_222, %dma_wait3A_223] : memref<2x128xi32, #tpu.memory_space<vmem>> -> memref<1x128xi32, #tpu.memory_space<vmem>>
      %dma_wait3A_225 = tpu.memref_squeeze %dma_wait3A_224 : memref<1x128xi32, #tpu.memory_space<vmem>> -> memref<128xi32, #tpu.memory_space<vmem>>
      %dma_wait3A_226 = arith.constant 0 : i32
      %dma_wait3A_227 = arith.constant 0 : i32
      %dma_wait3A_228 = tpu.memref_slice %arg2[%dma_wait3A_226, %dma_wait3A_227] : memref<10000x128xf32, #tpu.memory_space<hbm>> -> memref<10000x128xf32, #tpu.memory_space<hbm>>
      tpu.wait_indirect_dma semaphore(%arg20 : memref<!tpu.dma_semaphore, #tpu.memory_space<semaphore_mem>>) src(%dma_wait3A_228 : memref<10000x128xf32, #tpu.memory_space<hbm>>) dst(%arg12 : memref<128x128xf32, #tpu.memory_space<vmem>>)
      %dma_start3A_229 = arith.constant 1 : i32
      %dma_start3A_230 = arith.constant 0 : i32
      %dma_start3A_231 = tpu.memref_slice %arg10[%dma_start3A_229, %dma_start3A_230] : memref<2x128xi32, #tpu.memory_space<vmem>> -> memref<1x128xi32, #tpu.memory_space<vmem>>
      %dma_start3A_232 = tpu.memref_squeeze %dma_start3A_231 : memref<1x128xi32, #tpu.memory_space<vmem>> -> memref<128xi32, #tpu.memory_space<vmem>>
      %dma_start3A_233 = arith.constant 0 : i32
      %dma_start3A_234 = arith.constant 0 : i32
      %dma_start3A_235 = tpu.memref_slice %arg15[%dma_start3A_233, %dma_start3A_234] : memref<10240x128xf32, #tpu.memory_space<vmem_shared>> -> memref<10240x128xf32, #tpu.memory_space<vmem_shared>>
      tpu.enqueue_indirect_dma source(%arg12 : memref<128x128xf32, #tpu.memory_space<vmem>>) target(%dma_start3A_235 : memref<10240x128xf32, #tpu.memory_space<vmem_shared>>) offsets(%dma_start3A_232 : memref<128xi32, #tpu.memory_space<vmem>>) semaphore(%arg22 : memref<!tpu.dma_semaphore, #tpu.memory_space<semaphore_mem>>) {add = true}
      %get3A_236 = arith.constant 1 : i64
      %get3A_237 = arith.index_cast %get3A_236 : i64 to index
      %get3A_238 = arith.constant 0 : index
      %get3A_239 = tpu.vector_load %arg10[%get3A_237, %get3A_238] {strides = array<i32>} : memref<2x128xi32, #tpu.memory_space<vmem>>, vector<16xi32>,
      tpu.vector_store_idx %arg14[%get3A_239], %broadcast_in_dim3A_14 {add = true} : memref<10240xf32, #tpu.memory_space<vmem>>[vector<16xi32>], vector<16xf32>,
      %get3A_240 = arith.constant 1 : i64
      %get3A_241 = arith.index_cast %get3A_240 : i64 to index
      %get3A_242 = arith.constant 16 : index
      %get3A_243 = tpu.vector_load %arg10[%get3A_241, %get3A_242] {strides = array<i32>} : memref<2x128xi32, #tpu.memory_space<vmem>>, vector<16xi32>,
      tpu.vector_store_idx %arg14[%get3A_243], %broadcast_in_dim3A_14 {add = true} : memref<10240xf32, #tpu.memory_space<vmem>>[vector<16xi32>], vector<16xf32>,
      %get3A_244 = arith.constant 1 : i64
      %get3A_245 = arith.index_cast %get3A_244 : i64 to index
      %get3A_246 = arith.constant 32 : index
      %get3A_247 = tpu.vector_load %arg10[%get3A_245, %get3A_246] {strides = array<i32>} : memref<2x128xi32, #tpu.memory_space<vmem>>, vector<16xi32>,
      tpu.vector_store_idx %arg14[%get3A_247], %broadcast_in_dim3A_14 {add = true} : memref<10240xf32, #tpu.memory_space<vmem>>[vector<16xi32>], vector<16xf32>,
      %get3A_248 = arith.constant 1 : i64
      %get3A_249 = arith.index_cast %get3A_248 : i64 to index
      %get3A_250 = arith.constant 48 : index
      %get3A_251 = tpu.vector_load %arg10[%get3A_249, %get3A_250] {strides = array<i32>} : memref<2x128xi32, #tpu.memory_space<vmem>>, vector<16xi32>,
      tpu.vector_store_idx %arg14[%get3A_251], %broadcast_in_dim3A_14 {add = true} : memref<10240xf32, #tpu.memory_space<vmem>>[vector<16xi32>], vector<16xf32>,
      %get3A_252 = arith.constant 1 : i64
      %get3A_253 = arith.index_cast %get3A_252 : i64 to index
      %get3A_254 = arith.constant 64 : index
      %get3A_255 = tpu.vector_load %arg10[%get3A_253, %get3A_254] {strides = array<i32>} : memref<2x128xi32, #tpu.memory_space<vmem>>, vector<16xi32>,
      tpu.vector_store_idx %arg14[%get3A_255], %broadcast_in_dim3A_14 {add = true} : memref<10240xf32, #tpu.memory_space<vmem>>[vector<16xi32>], vector<16xf32>,
      %get3A_256 = arith.constant 1 : i64
      %get3A_257 = arith.index_cast %get3A_256 : i64 to index
      %get3A_258 = arith.constant 80 : index
      %get3A_259 = tpu.vector_load %arg10[%get3A_257, %get3A_258] {strides = array<i32>} : memref<2x128xi32, #tpu.memory_space<vmem>>, vector<16xi32>,
      tpu.vector_store_idx %arg14[%get3A_259], %broadcast_in_dim3A_14 {add = true} : memref<10240xf32, #tpu.memory_space<vmem>>[vector<16xi32>], vector<16xf32>,
      %get3A_260 = arith.constant 1 : i64
      %get3A_261 = arith.index_cast %get3A_260 : i64 to index
      %get3A_262 = arith.constant 96 : index
      %get3A_263 = tpu.vector_load %arg10[%get3A_261, %get3A_262] {strides = array<i32>} : memref<2x128xi32, #tpu.memory_space<vmem>>, vector<16xi32>,
      tpu.vector_store_idx %arg14[%get3A_263], %broadcast_in_dim3A_14 {add = true} : memref<10240xf32, #tpu.memory_space<vmem>>[vector<16xi32>], vector<16xf32>,
      %get3A_264 = arith.constant 1 : i64
      %get3A_265 = arith.index_cast %get3A_264 : i64 to index
      %get3A_266 = arith.constant 112 : index
      %get3A_267 = tpu.vector_load %arg10[%get3A_265, %get3A_266] {strides = array<i32>} : memref<2x128xi32, #tpu.memory_space<vmem>>, vector<16xi32>,
      tpu.vector_store_idx %arg14[%get3A_267], %broadcast_in_dim3A_14 {add = true} : memref<10240xf32, #tpu.memory_space<vmem>>[vector<16xi32>], vector<16xf32>,
      %add3A_268 = arith.constant 3 : i32
      %add3A_269 = arith.addi %add3A_44, %add3A_268 : i32
      %dma_wait3A_270 = arith.constant 1 : i32
      %dma_wait3A_271 = arith.constant 0 : i32
      %dma_wait3A_272 = tpu.memref_slice %arg9[%dma_wait3A_270, %dma_wait3A_271] : memref<2x128xi32, #tpu.memory_space<vmem>> -> memref<1x128xi32, #tpu.memory_space<vmem>>
      %dma_wait3A_273 = tpu.memref_squeeze %dma_wait3A_272 : memref<1x128xi32, #tpu.memory_space<vmem>> -> memref<128xi32, #tpu.memory_space<vmem>>
      %dma_wait3A_274 = arith.constant 0 : i32
      %dma_wait3A_275 = arith.constant 0 : i32
      %dma_wait3A_276 = tpu.memref_slice %arg15[%dma_wait3A_274, %dma_wait3A_275] : memref<10240x128xf32, #tpu.memory_space<vmem_shared>> -> memref<10240x128xf32, #tpu.memory_space<vmem_shared>>
      tpu.wait_indirect_dma semaphore(%arg23 : memref<!tpu.dma_semaphore, #tpu.memory_space<semaphore_mem>>) src(%arg13 : memref<128x128xf32, #tpu.memory_space<vmem>>) dst(%dma_wait3A_276 : memref<10240x128xf32, #tpu.memory_space<vmem_shared>>)
      %add3A_277 = arith.constant 2 : i32
      %add3A_278 = arith.addi %add3A_269, %add3A_277 : i32
      %lt3A_279 = arith.cmpi slt, %add3A_278, %select_n3A : i32
      %convert_element_type3A_280 = arith.extui %lt3A_279 : i1 to i32
      %cond3A_281 = arith.constant 0 : i32
      %cond3A_282 = arith.cmpi ne, %convert_element_type3A_280, %cond3A_281 : i32
      scf.if %cond3A_282 {
        %add3A_343 = arith.constant 2 : i32
        %add3A_344 = arith.addi %add3A_269, %add3A_343 : i32
        %add3A_345 = arith.addi %select_n3A_13, %add3A_344 : i32
        %mul3A_346 = arith.constant 2 : i32
        %mul3A_347 = arith.muli %add3A_345, %mul3A_346 : i32
        %dma_start3A_348 = arith.constant 0 : i32
        %dma_start3A_349 = tpu.memref_slice %arg3[%mul3A_347, %dma_start3A_348] : memref<5120x128xi32, #tpu.memory_space<hbm>> -> memref<2x128xi32, #tpu.memory_space<hbm>>
        %dma_start3A_350 = arith.constant 0 : i32
        %dma_start3A_351 = tpu.memref_slice %arg3[%mul3A_347, %dma_start3A_350] : memref<5120x128xi32, #tpu.memory_space<hbm>> -> memref<2x128xi32, #tpu.memory_space<hbm>>
        tpu.enqueue_dma source(%dma_start3A_351 : memref<2x128xi32, #tpu.memory_space<hbm>>) target(%arg9 : memref<2x128xi32, #tpu.memory_space<vmem>>) target_semaphore(%arg17 : memref<!tpu.dma_semaphore, #tpu.memory_space<semaphore_mem>>)
      } else {
      }
      %add3A_283 = arith.addi %select_n3A_13, %add3A_269 : i32
      %mul3A_284 = arith.constant 2 : i32
      %mul3A_285 = arith.muli %add3A_283, %mul3A_284 : i32
      %dma_wait3A_286 = arith.constant 0 : i32
      %dma_wait3A_287 = tpu.memref_slice %arg3[%mul3A_285, %dma_wait3A_286] : memref<5120x128xi32, #tpu.memory_space<hbm>> -> memref<2x128xi32, #tpu.memory_space<hbm>>
      %dma_wait3A_288 = arith.constant 0 : i32
      %dma_wait3A_289 = tpu.memref_slice %arg3[%mul3A_285, %dma_wait3A_288] : memref<5120x128xi32, #tpu.memory_space<hbm>> -> memref<2x128xi32, #tpu.memory_space<hbm>>
      tpu.wait_dma2 semaphore(%arg19 : memref<!tpu.dma_semaphore, #tpu.memory_space<semaphore_mem>>) src(%dma_wait3A_289 : memref<2x128xi32, #tpu.memory_space<hbm>>) dst(%arg11 : memref<2x128xi32, #tpu.memory_space<vmem>>)
      %dma_start3A_290 = arith.constant 0 : i32
      %dma_start3A_291 = arith.constant 0 : i32
      %dma_start3A_292 = tpu.memref_slice %arg11[%dma_start3A_290, %dma_start3A_291] : memref<2x128xi32, #tpu.memory_space<vmem>> -> memref<1x128xi32, #tpu.memory_space<vmem>>
      %dma_start3A_293 = tpu.memref_squeeze %dma_start3A_292 : memref<1x128xi32, #tpu.memory_space<vmem>> -> memref<128xi32, #tpu.memory_space<vmem>>
      %dma_start3A_294 = arith.constant 0 : i32
      %dma_start3A_295 = arith.constant 0 : i32
      %dma_start3A_296 = tpu.memref_slice %arg2[%dma_start3A_294, %dma_start3A_295] : memref<10000x128xf32, #tpu.memory_space<hbm>> -> memref<10000x128xf32, #tpu.memory_space<hbm>>
      tpu.enqueue_indirect_dma source(%dma_start3A_296 : memref<10000x128xf32, #tpu.memory_space<hbm>>) target(%arg13 : memref<128x128xf32, #tpu.memory_space<vmem>>) offsets(%dma_start3A_293 : memref<128xi32, #tpu.memory_space<vmem>>) semaphore(%arg21 : memref<!tpu.dma_semaphore, #tpu.memory_space<semaphore_mem>>)
      %dma_wait3A_297 = arith.constant 0 : i32
      %dma_wait3A_298 = arith.constant 0 : i32
      %dma_wait3A_299 = tpu.memref_slice %arg11[%dma_wait3A_297, %dma_wait3A_298] : memref<2x128xi32, #tpu.memory_space<vmem>> -> memref<1x128xi32, #tpu.memory_space<vmem>>
      %dma_wait3A_300 = tpu.memref_squeeze %dma_wait3A_299 : memref<1x128xi32, #tpu.memory_space<vmem>> -> memref<128xi32, #tpu.memory_space<vmem>>
      %dma_wait3A_301 = arith.constant 0 : i32
      %dma_wait3A_302 = arith.constant 0 : i32
      %dma_wait3A_303 = tpu.memref_slice %arg2[%dma_wait3A_301, %dma_wait3A_302] : memref<10000x128xf32, #tpu.memory_space<hbm>> -> memref<10000x128xf32, #tpu.memory_space<hbm>>
      tpu.wait_indirect_dma semaphore(%arg21 : memref<!tpu.dma_semaphore, #tpu.memory_space<semaphore_mem>>) src(%dma_wait3A_303 : memref<10000x128xf32, #tpu.memory_space<hbm>>) dst(%arg13 : memref<128x128xf32, #tpu.memory_space<vmem>>)
      %dma_start3A_304 = arith.constant 1 : i32
      %dma_start3A_305 = arith.constant 0 : i32
      %dma_start3A_306 = tpu.memref_slice %arg11[%dma_start3A_304, %dma_start3A_305] : memref<2x128xi32, #tpu.memory_space<vmem>> -> memref<1x128xi32, #tpu.memory_space<vmem>>
      %dma_start3A_307 = tpu.memref_squeeze %dma_start3A_306 : memref<1x128xi32, #tpu.memory_space<vmem>> -> memref<128xi32, #tpu.memory_space<vmem>>
      %dma_start3A_308 = arith.constant 0 : i32
      %dma_start3A_309 = arith.constant 0 : i32
      %dma_start3A_310 = tpu.memref_slice %arg15[%dma_start3A_308, %dma_start3A_309] : memref<10240x128xf32, #tpu.memory_space<vmem_shared>> -> memref<10240x128xf32, #tpu.memory_space<vmem_shared>>
      tpu.enqueue_indirect_dma source(%arg13 : memref<128x128xf32, #tpu.memory_space<vmem>>) target(%dma_start3A_310 : memref<10240x128xf32, #tpu.memory_space<vmem_shared>>) offsets(%dma_start3A_307 : memref<128xi32, #tpu.memory_space<vmem>>) semaphore(%arg23 : memref<!tpu.dma_semaphore, #tpu.memory_space<semaphore_mem>>) {add = true}
      %get3A_311 = arith.constant 1 : i64
      %get3A_312 = arith.index_cast %get3A_311 : i64 to index
      %get3A_313 = arith.constant 0 : index
      %get3A_314 = tpu.vector_load %arg11[%get3A_312, %get3A_313] {strides = array<i32>} : memref<2x128xi32, #tpu.memory_space<vmem>>, vector<16xi32>,
      tpu.vector_store_idx %arg14[%get3A_314], %broadcast_in_dim3A_14 {add = true} : memref<10240xf32, #tpu.memory_space<vmem>>[vector<16xi32>], vector<16xf32>,
      %get3A_315 = arith.constant 1 : i64
      %get3A_316 = arith.index_cast %get3A_315 : i64 to index
      %get3A_317 = arith.constant 16 : index
      %get3A_318 = tpu.vector_load %arg11[%get3A_316, %get3A_317] {strides = array<i32>} : memref<2x128xi32, #tpu.memory_space<vmem>>, vector<16xi32>,
      tpu.vector_store_idx %arg14[%get3A_318], %broadcast_in_dim3A_14 {add = true} : memref<10240xf32, #tpu.memory_space<vmem>>[vector<16xi32>], vector<16xf32>,
      %get3A_319 = arith.constant 1 : i64
      %get3A_320 = arith.index_cast %get3A_319 : i64 to index
      %get3A_321 = arith.constant 32 : index
      %get3A_322 = tpu.vector_load %arg11[%get3A_320, %get3A_321] {strides = array<i32>} : memref<2x128xi32, #tpu.memory_space<vmem>>, vector<16xi32>,
      tpu.vector_store_idx %arg14[%get3A_322], %broadcast_in_dim3A_14 {add = true} : memref<10240xf32, #tpu.memory_space<vmem>>[vector<16xi32>], vector<16xf32>,
      %get3A_323 = arith.constant 1 : i64
      %get3A_324 = arith.index_cast %get3A_323 : i64 to index
      %get3A_325 = arith.constant 48 : index
      %get3A_326 = tpu.vector_load %arg11[%get3A_324, %get3A_325] {strides = array<i32>} : memref<2x128xi32, #tpu.memory_space<vmem>>, vector<16xi32>,
      tpu.vector_store_idx %arg14[%get3A_326], %broadcast_in_dim3A_14 {add = true} : memref<10240xf32, #tpu.memory_space<vmem>>[vector<16xi32>], vector<16xf32>,
      %get3A_327 = arith.constant 1 : i64
      %get3A_328 = arith.index_cast %get3A_327 : i64 to index
      %get3A_329 = arith.constant 64 : index
      %get3A_330 = tpu.vector_load %arg11[%get3A_328, %get3A_329] {strides = array<i32>} : memref<2x128xi32, #tpu.memory_space<vmem>>, vector<16xi32>,
      tpu.vector_store_idx %arg14[%get3A_330], %broadcast_in_dim3A_14 {add = true} : memref<10240xf32, #tpu.memory_space<vmem>>[vector<16xi32>], vector<16xf32>,
      %get3A_331 = arith.constant 1 : i64
      %get3A_332 = arith.index_cast %get3A_331 : i64 to index
      %get3A_333 = arith.constant 80 : index
      %get3A_334 = tpu.vector_load %arg11[%get3A_332, %get3A_333] {strides = array<i32>} : memref<2x128xi32, #tpu.memory_space<vmem>>, vector<16xi32>,
      tpu.vector_store_idx %arg14[%get3A_334], %broadcast_in_dim3A_14 {add = true} : memref<10240xf32, #tpu.memory_space<vmem>>[vector<16xi32>], vector<16xf32>,
      %get3A_335 = arith.constant 1 : i64
      %get3A_336 = arith.index_cast %get3A_335 : i64 to index
      %get3A_337 = arith.constant 96 : index
      %get3A_338 = tpu.vector_load %arg11[%get3A_336, %get3A_337] {strides = array<i32>} : memref<2x128xi32, #tpu.memory_space<vmem>>, vector<16xi32>,
      tpu.vector_store_idx %arg14[%get3A_338], %broadcast_in_dim3A_14 {add = true} : memref<10240xf32, #tpu.memory_space<vmem>>[vector<16xi32>], vector<16xf32>,
      %get3A_339 = arith.constant 1 : i64
      %get3A_340 = arith.index_cast %get3A_339 : i64 to index
      %get3A_341 = arith.constant 112 : index
      %get3A_342 = tpu.vector_load %arg11[%get3A_340, %get3A_341] {strides = array<i32>} : memref<2x128xi32, #tpu.memory_space<vmem>>, vector<16xi32>,
      tpu.vector_store_idx %arg14[%get3A_342], %broadcast_in_dim3A_14 {add = true} : memref<10240xf32, #tpu.memory_space<vmem>>[vector<16xi32>], vector<16xf32>,
    }
    %while3A_32 = arith.constant 1 : i32
    scf.for %while3A_42 = %while3A_30 to %while3A_26 step %while3A_32  : i32 {
      %mul3A_43 = arith.muli %while3A_42, %while3A : i32
      %add3A_44 = arith.addi %while3A_23, %mul3A_43 : i32
      %add3A_45 = arith.constant 0 : i32
      %add3A_46 = arith.addi %add3A_44, %add3A_45 : i32
      %gt3A_47 = arith.constant 0 : i32
      %gt3A_48 = arith.cmpi sgt, %add3A_44, %gt3A_47 : i32
      %convert_element_type3A_49 = arith.extui %gt3A_48 : i1 to i32
      %cond3A_50 = arith.constant 0 : i32
      %cond3A_51 = arith.cmpi ne, %convert_element_type3A_49, %cond3A_50 : i32
      scf.if %cond3A_51 {
        %dma_wait3A_343 = arith.constant 1 : i32
        %dma_wait3A_344 = arith.constant 0 : i32
        %dma_wait3A_345 = tpu.memref_slice %arg10[%dma_wait3A_343, %dma_wait3A_344] : memref<2x128xi32, #tpu.memory_space<vmem>> -> memref<1x128xi32, #tpu.memory_space<vmem>>
        %dma_wait3A_346 = tpu.memref_squeeze %dma_wait3A_345 : memref<1x128xi32, #tpu.memory_space<vmem>> -> memref<128xi32, #tpu.memory_space<vmem>>
        %dma_wait3A_347 = arith.constant 0 : i32
        %dma_wait3A_348 = arith.constant 0 : i32
        %dma_wait3A_349 = tpu.memref_slice %arg15[%dma_wait3A_347, %dma_wait3A_348] : memref<10240x128xf32, #tpu.memory_space<vmem_shared>> -> memref<10240x128xf32, #tpu.memory_space<vmem_shared>>
        tpu.wait_indirect_dma semaphore(%arg22 : memref<!tpu.dma_semaphore, #tpu.memory_space<semaphore_mem>>) src(%arg12 : memref<128x128xf32, #tpu.memory_space<vmem>>) dst(%dma_wait3A_349 : memref<10240x128xf32, #tpu.memory_space<vmem_shared>>)
      } else {
      }
      %add3A_52 = arith.constant 2 : i32
      %add3A_53 = arith.addi %add3A_46, %add3A_52 : i32
      %add3A_54 = arith.addi %select_n3A_13, %add3A_53 : i32
      %mul3A_55 = arith.constant 2 : i32
      %mul3A_56 = arith.muli %add3A_54, %mul3A_55 : i32
      %dma_start3A = arith.constant 0 : i32
      %dma_start3A_57 = tpu.memref_slice %arg3[%mul3A_56, %dma_start3A] : memref<5120x128xi32, #tpu.memory_space<hbm>> -> memref<2x128xi32, #tpu.memory_space<hbm>>
      %dma_start3A_58 = arith.constant 0 : i32
      %dma_start3A_59 = tpu.memref_slice %arg3[%mul3A_56, %dma_start3A_58] : memref<5120x128xi32, #tpu.memory_space<hbm>> -> memref<2x128xi32, #tpu.memory_space<hbm>>
      tpu.enqueue_dma source(%dma_start3A_59 : memref<2x128xi32, #tpu.memory_space<hbm>>) target(%arg10 : memref<2x128xi32, #tpu.memory_space<vmem>>) target_semaphore(%arg18 : memref<!tpu.dma_semaphore, #tpu.memory_space<semaphore_mem>>)
      %add3A_60 = arith.addi %select_n3A_13, %add3A_46 : i32
      %mul3A_61 = arith.constant 2 : i32
      %mul3A_62 = arith.muli %add3A_60, %mul3A_61 : i32
      %dma_wait3A = arith.constant 0 : i32
      %dma_wait3A_63 = tpu.memref_slice %arg3[%mul3A_62, %dma_wait3A] : memref<5120x128xi32, #tpu.memory_space<hbm>> -> memref<2x128xi32, #tpu.memory_space<hbm>>
      %dma_wait3A_64 = arith.constant 0 : i32
      %dma_wait3A_65 = tpu.memref_slice %arg3[%mul3A_62, %dma_wait3A_64] : memref<5120x128xi32, #tpu.memory_space<hbm>> -> memref<2x128xi32, #tpu.memory_space<hbm>>
      tpu.wait_dma2 semaphore(%arg16 : memref<!tpu.dma_semaphore, #tpu.memory_space<semaphore_mem>>) src(%dma_wait3A_65 : memref<2x128xi32, #tpu.memory_space<hbm>>) dst(%arg8 : memref<2x128xi32, #tpu.memory_space<vmem>>)
      %dma_start3A_66 = arith.constant 0 : i32
      %dma_start3A_67 = arith.constant 0 : i32
      %dma_start3A_68 = tpu.memref_slice %arg8[%dma_start3A_66, %dma_start3A_67] : memref<2x128xi32, #tpu.memory_space<vmem>> -> memref<1x128xi32, #tpu.memory_space<vmem>>
      %dma_start3A_69 = tpu.memref_squeeze %dma_start3A_68 : memref<1x128xi32, #tpu.memory_space<vmem>> -> memref<128xi32, #tpu.memory_space<vmem>>
      %dma_start3A_70 = arith.constant 0 : i32
      %dma_start3A_71 = arith.constant 0 : i32
      %dma_start3A_72 = tpu.memref_slice %arg2[%dma_start3A_70, %dma_start3A_71] : memref<10000x128xf32, #tpu.memory_space<hbm>> -> memref<10000x128xf32, #tpu.memory_space<hbm>>
      tpu.enqueue_indirect_dma source(%dma_start3A_72 : memref<10000x128xf32, #tpu.memory_space<hbm>>) target(%arg12 : memref<128x128xf32, #tpu.memory_space<vmem>>) offsets(%dma_start3A_69 : memref<128xi32, #tpu.memory_space<vmem>>) semaphore(%arg20 : memref<!tpu.dma_semaphore, #tpu.memory_space<semaphore_mem>>)
      %dma_wait3A_73 = arith.constant 0 : i32
      %dma_wait3A_74 = arith.constant 0 : i32
      %dma_wait3A_75 = tpu.memref_slice %arg8[%dma_wait3A_73, %dma_wait3A_74] : memref<2x128xi32, #tpu.memory_space<vmem>> -> memref<1x128xi32, #tpu.memory_space<vmem>>
      %dma_wait3A_76 = tpu.memref_squeeze %dma_wait3A_75 : memref<1x128xi32, #tpu.memory_space<vmem>> -> memref<128xi32, #tpu.memory_space<vmem>>
      %dma_wait3A_77 = arith.constant 0 : i32
      %dma_wait3A_78 = arith.constant 0 : i32
      %dma_wait3A_79 = tpu.memref_slice %arg2[%dma_wait3A_77, %dma_wait3A_78] : memref<10000x128xf32, #tpu.memory_space<hbm>> -> memref<10000x128xf32, #tpu.memory_space<hbm>>
      tpu.wait_indirect_dma semaphore(%arg20 : memref<!tpu.dma_semaphore, #tpu.memory_space<semaphore_mem>>) src(%dma_wait3A_79 : memref<10000x128xf32, #tpu.memory_space<hbm>>) dst(%arg12 : memref<128x128xf32, #tpu.memory_space<vmem>>)
      %dma_start3A_80 = arith.constant 1 : i32
      %dma_start3A_81 = arith.constant 0 : i32
      %dma_start3A_82 = tpu.memref_slice %arg8[%dma_start3A_80, %dma_start3A_81] : memref<2x128xi32, #tpu.memory_space<vmem>> -> memref<1x128xi32, #tpu.memory_space<vmem>>
      %dma_start3A_83 = tpu.memref_squeeze %dma_start3A_82 : memref<1x128xi32, #tpu.memory_space<vmem>> -> memref<128xi32, #tpu.memory_space<vmem>>
      %dma_start3A_84 = arith.constant 0 : i32
      %dma_start3A_85 = arith.constant 0 : i32
      %dma_start3A_86 = tpu.memref_slice %arg15[%dma_start3A_84, %dma_start3A_85] : memref<10240x128xf32, #tpu.memory_space<vmem_shared>> -> memref<10240x128xf32, #tpu.memory_space<vmem_shared>>
      tpu.enqueue_indirect_dma source(%arg12 : memref<128x128xf32, #tpu.memory_space<vmem>>) target(%dma_start3A_86 : memref<10240x128xf32, #tpu.memory_space<vmem_shared>>) offsets(%dma_start3A_83 : memref<128xi32, #tpu.memory_space<vmem>>) semaphore(%arg22 : memref<!tpu.dma_semaphore, #tpu.memory_space<semaphore_mem>>) {add = true}
      %get3A = arith.constant 1 : i64
      %get3A_87 = arith.index_cast %get3A : i64 to index
      %get3A_88 = arith.constant 0 : index
      %get3A_89 = tpu.vector_load %arg8[%get3A_87, %get3A_88] {strides = array<i32>} : memref<2x128xi32, #tpu.memory_space<vmem>>, vector<16xi32>,
      tpu.vector_store_idx %arg14[%get3A_89], %broadcast_in_dim3A_14 {add = true} : memref<10240xf32, #tpu.memory_space<vmem>>[vector<16xi32>], vector<16xf32>,
      %get3A_90 = arith.constant 1 : i64
      %get3A_91 = arith.index_cast %get3A_90 : i64 to index
      %get3A_92 = arith.constant 16 : index
      %get3A_93 = tpu.vector_load %arg8[%get3A_91, %get3A_92] {strides = array<i32>} : memref<2x128xi32, #tpu.memory_space<vmem>>, vector<16xi32>,
      tpu.vector_store_idx %arg14[%get3A_93], %broadcast_in_dim3A_14 {add = true} : memref<10240xf32, #tpu.memory_space<vmem>>[vector<16xi32>], vector<16xf32>,
      %get3A_94 = arith.constant 1 : i64
      %get3A_95 = arith.index_cast %get3A_94 : i64 to index
      %get3A_96 = arith.constant 32 : index
      %get3A_97 = tpu.vector_load %arg8[%get3A_95, %get3A_96] {strides = array<i32>} : memref<2x128xi32, #tpu.memory_space<vmem>>, vector<16xi32>,
      tpu.vector_store_idx %arg14[%get3A_97], %broadcast_in_dim3A_14 {add = true} : memref<10240xf32, #tpu.memory_space<vmem>>[vector<16xi32>], vector<16xf32>,
      %get3A_98 = arith.constant 1 : i64
      %get3A_99 = arith.index_cast %get3A_98 : i64 to index
      %get3A_100 = arith.constant 48 : index
      %get3A_101 = tpu.vector_load %arg8[%get3A_99, %get3A_100] {strides = array<i32>} : memref<2x128xi32, #tpu.memory_space<vmem>>, vector<16xi32>,
      tpu.vector_store_idx %arg14[%get3A_101], %broadcast_in_dim3A_14 {add = true} : memref<10240xf32, #tpu.memory_space<vmem>>[vector<16xi32>], vector<16xf32>,
      %get3A_102 = arith.constant 1 : i64
      %get3A_103 = arith.index_cast %get3A_102 : i64 to index
      %get3A_104 = arith.constant 64 : index
      %get3A_105 = tpu.vector_load %arg8[%get3A_103, %get3A_104] {strides = array<i32>} : memref<2x128xi32, #tpu.memory_space<vmem>>, vector<16xi32>,
      tpu.vector_store_idx %arg14[%get3A_105], %broadcast_in_dim3A_14 {add = true} : memref<10240xf32, #tpu.memory_space<vmem>>[vector<16xi32>], vector<16xf32>,
      %get3A_106 = arith.constant 1 : i64
      %get3A_107 = arith.index_cast %get3A_106 : i64 to index
      %get3A_108 = arith.constant 80 : index
      %get3A_109 = tpu.vector_load %arg8[%get3A_107, %get3A_108] {strides = array<i32>} : memref<2x128xi32, #tpu.memory_space<vmem>>, vector<16xi32>,
      tpu.vector_store_idx %arg14[%get3A_109], %broadcast_in_dim3A_14 {add = true} : memref<10240xf32, #tpu.memory_space<vmem>>[vector<16xi32>], vector<16xf32>,
      %get3A_110 = arith.constant 1 : i64
      %get3A_111 = arith.index_cast %get3A_110 : i64 to index
      %get3A_112 = arith.constant 96 : index
      %get3A_113 = tpu.vector_load %arg8[%get3A_111, %get3A_112] {strides = array<i32>} : memref<2x128xi32, #tpu.memory_space<vmem>>, vector<16xi32>,
      tpu.vector_store_idx %arg14[%get3A_113], %broadcast_in_dim3A_14 {add = true} : memref<10240xf32, #tpu.memory_space<vmem>>[vector<16xi32>], vector<16xf32>,
      %get3A_114 = arith.constant 1 : i64
      %get3A_115 = arith.index_cast %get3A_114 : i64 to index
      %get3A_116 = arith.constant 112 : index
      %get3A_117 = tpu.vector_load %arg8[%get3A_115, %get3A_116] {strides = array<i32>} : memref<2x128xi32, #tpu.memory_space<vmem>>, vector<16xi32>,
      tpu.vector_store_idx %arg14[%get3A_117], %broadcast_in_dim3A_14 {add = true} : memref<10240xf32, #tpu.memory_space<vmem>>[vector<16xi32>], vector<16xf32>,
      %add3A_118 = arith.constant 1 : i32
      %add3A_119 = arith.addi %add3A_44, %add3A_118 : i32
      %gt3A_120 = arith.constant 0 : i32
      %gt3A_121 = arith.cmpi sgt, %add3A_44, %gt3A_120 : i32
      %convert_element_type3A_122 = arith.extui %gt3A_121 : i1 to i32
      %cond3A_123 = arith.constant 0 : i32
      %cond3A_124 = arith.cmpi ne, %convert_element_type3A_122, %cond3A_123 : i32
      scf.if %cond3A_124 {
        %dma_wait3A_343 = arith.constant 1 : i32
        %dma_wait3A_344 = arith.constant 0 : i32
        %dma_wait3A_345 = tpu.memref_slice %arg11[%dma_wait3A_343, %dma_wait3A_344] : memref<2x128xi32, #tpu.memory_space<vmem>> -> memref<1x128xi32, #tpu.memory_space<vmem>>
        %dma_wait3A_346 = tpu.memref_squeeze %dma_wait3A_345 : memref<1x128xi32, #tpu.memory_space<vmem>> -> memref<128xi32, #tpu.memory_space<vmem>>
        %dma_wait3A_347 = arith.constant 0 : i32
        %dma_wait3A_348 = arith.constant 0 : i32
        %dma_wait3A_349 = tpu.memref_slice %arg15[%dma_wait3A_347, %dma_wait3A_348] : memref<10240x128xf32, #tpu.memory_space<vmem_shared>> -> memref<10240x128xf32, #tpu.memory_space<vmem_shared>>
        tpu.wait_indirect_dma semaphore(%arg23 : memref<!tpu.dma_semaphore, #tpu.memory_space<semaphore_mem>>) src(%arg13 : memref<128x128xf32, #tpu.memory_space<vmem>>) dst(%dma_wait3A_349 : memref<10240x128xf32, #tpu.memory_space<vmem_shared>>)
      } else {
      }
      %add3A_125 = arith.constant 2 : i32
      %add3A_126 = arith.addi %add3A_119, %add3A_125 : i32
      %add3A_127 = arith.addi %select_n3A_13, %add3A_126 : i32
      %mul3A_128 = arith.constant 2 : i32
      %mul3A_129 = arith.muli %add3A_127, %mul3A_128 : i32
      %dma_start3A_130 = arith.constant 0 : i32
      %dma_start3A_131 = tpu.memref_slice %arg3[%mul3A_129, %dma_start3A_130] : memref<5120x128xi32, #tpu.memory_space<hbm>> -> memref<2x128xi32, #tpu.memory_space<hbm>>
      %dma_start3A_132 = arith.constant 0 : i32
      %dma_start3A_133 = tpu.memref_slice %arg3[%mul3A_129, %dma_start3A_132] : memref<5120x128xi32, #tpu.memory_space<hbm>> -> memref<2x128xi32, #tpu.memory_space<hbm>>
      tpu.enqueue_dma source(%dma_start3A_133 : memref<2x128xi32, #tpu.memory_space<hbm>>) target(%arg11 : memref<2x128xi32, #tpu.memory_space<vmem>>) target_semaphore(%arg19 : memref<!tpu.dma_semaphore, #tpu.memory_space<semaphore_mem>>)
      %add3A_134 = arith.addi %select_n3A_13, %add3A_119 : i32
      %mul3A_135 = arith.constant 2 : i32
      %mul3A_136 = arith.muli %add3A_134, %mul3A_135 : i32
      %dma_wait3A_137 = arith.constant 0 : i32
      %dma_wait3A_138 = tpu.memref_slice %arg3[%mul3A_136, %dma_wait3A_137] : memref<5120x128xi32, #tpu.memory_space<hbm>> -> memref<2x128xi32, #tpu.memory_space<hbm>>
      %dma_wait3A_139 = arith.constant 0 : i32
      %dma_wait3A_140 = tpu.memref_slice %arg3[%mul3A_136, %dma_wait3A_139] : memref<5120x128xi32, #tpu.memory_space<hbm>> -> memref<2x128xi32, #tpu.memory_space<hbm>>
      tpu.wait_dma2 semaphore(%arg17 : memref<!tpu.dma_semaphore, #tpu.memory_space<semaphore_mem>>) src(%dma_wait3A_140 : memref<2x128xi32, #tpu.memory_space<hbm>>) dst(%arg9 : memref<2x128xi32, #tpu.memory_space<vmem>>)
      %dma_start3A_141 = arith.constant 0 : i32
      %dma_start3A_142 = arith.constant 0 : i32
      %dma_start3A_143 = tpu.memref_slice %arg9[%dma_start3A_141, %dma_start3A_142] : memref<2x128xi32, #tpu.memory_space<vmem>> -> memref<1x128xi32, #tpu.memory_space<vmem>>
      %dma_start3A_144 = tpu.memref_squeeze %dma_start3A_143 : memref<1x128xi32, #tpu.memory_space<vmem>> -> memref<128xi32, #tpu.memory_space<vmem>>
      %dma_start3A_145 = arith.constant 0 : i32
      %dma_start3A_146 = arith.constant 0 : i32
      %dma_start3A_147 = tpu.memref_slice %arg2[%dma_start3A_145, %dma_start3A_146] : memref<10000x128xf32, #tpu.memory_space<hbm>> -> memref<10000x128xf32, #tpu.memory_space<hbm>>
      tpu.enqueue_indirect_dma source(%dma_start3A_147 : memref<10000x128xf32, #tpu.memory_space<hbm>>) target(%arg13 : memref<128x128xf32, #tpu.memory_space<vmem>>) offsets(%dma_start3A_144 : memref<128xi32, #tpu.memory_space<vmem>>) semaphore(%arg21 : memref<!tpu.dma_semaphore, #tpu.memory_space<semaphore_mem>>)
      %dma_wait3A_148 = arith.constant 0 : i32
      %dma_wait3A_149 = arith.constant 0 : i32
      %dma_wait3A_150 = tpu.memref_slice %arg9[%dma_wait3A_148, %dma_wait3A_149] : memref<2x128xi32, #tpu.memory_space<vmem>> -> memref<1x128xi32, #tpu.memory_space<vmem>>
      %dma_wait3A_151 = tpu.memref_squeeze %dma_wait3A_150 : memref<1x128xi32, #tpu.memory_space<vmem>> -> memref<128xi32, #tpu.memory_space<vmem>>
      %dma_wait3A_152 = arith.constant 0 : i32
      %dma_wait3A_153 = arith.constant 0 : i32
      %dma_wait3A_154 = tpu.memref_slice %arg2[%dma_wait3A_152, %dma_wait3A_153] : memref<10000x128xf32, #tpu.memory_space<hbm>> -> memref<10000x128xf32, #tpu.memory_space<hbm>>
      tpu.wait_indirect_dma semaphore(%arg21 : memref<!tpu.dma_semaphore, #tpu.memory_space<semaphore_mem>>) src(%dma_wait3A_154 : memref<10000x128xf32, #tpu.memory_space<hbm>>) dst(%arg13 : memref<128x128xf32, #tpu.memory_space<vmem>>)
      %dma_start3A_155 = arith.constant 1 : i32
      %dma_start3A_156 = arith.constant 0 : i32
      %dma_start3A_157 = tpu.memref_slice %arg9[%dma_start3A_155, %dma_start3A_156] : memref<2x128xi32, #tpu.memory_space<vmem>> -> memref<1x128xi32, #tpu.memory_space<vmem>>
      %dma_start3A_158 = tpu.memref_squeeze %dma_start3A_157 : memref<1x128xi32, #tpu.memory_space<vmem>> -> memref<128xi32, #tpu.memory_space<vmem>>
      %dma_start3A_159 = arith.constant 0 : i32
      %dma_start3A_160 = arith.constant 0 : i32
      %dma_start3A_161 = tpu.memref_slice %arg15[%dma_start3A_159, %dma_start3A_160] : memref<10240x128xf32, #tpu.memory_space<vmem_shared>> -> memref<10240x128xf32, #tpu.memory_space<vmem_shared>>
      tpu.enqueue_indirect_dma source(%arg13 : memref<128x128xf32, #tpu.memory_space<vmem>>) target(%dma_start3A_161 : memref<10240x128xf32, #tpu.memory_space<vmem_shared>>) offsets(%dma_start3A_158 : memref<128xi32, #tpu.memory_space<vmem>>) semaphore(%arg23 : memref<!tpu.dma_semaphore, #tpu.memory_space<semaphore_mem>>) {add = true}
      %get3A_162 = arith.constant 1 : i64
      %get3A_163 = arith.index_cast %get3A_162 : i64 to index
      %get3A_164 = arith.constant 0 : index
      %get3A_165 = tpu.vector_load %arg9[%get3A_163, %get3A_164] {strides = array<i32>} : memref<2x128xi32, #tpu.memory_space<vmem>>, vector<16xi32>,
      tpu.vector_store_idx %arg14[%get3A_165], %broadcast_in_dim3A_14 {add = true} : memref<10240xf32, #tpu.memory_space<vmem>>[vector<16xi32>], vector<16xf32>,
      %get3A_166 = arith.constant 1 : i64
      %get3A_167 = arith.index_cast %get3A_166 : i64 to index
      %get3A_168 = arith.constant 16 : index
      %get3A_169 = tpu.vector_load %arg9[%get3A_167, %get3A_168] {strides = array<i32>} : memref<2x128xi32, #tpu.memory_space<vmem>>, vector<16xi32>,
      tpu.vector_store_idx %arg14[%get3A_169], %broadcast_in_dim3A_14 {add = true} : memref<10240xf32, #tpu.memory_space<vmem>>[vector<16xi32>], vector<16xf32>,
      %get3A_170 = arith.constant 1 : i64
      %get3A_171 = arith.index_cast %get3A_170 : i64 to index
      %get3A_172 = arith.constant 32 : index
      %get3A_173 = tpu.vector_load %arg9[%get3A_171, %get3A_172] {strides = array<i32>} : memref<2x128xi32, #tpu.memory_space<vmem>>, vector<16xi32>,
      tpu.vector_store_idx %arg14[%get3A_173], %broadcast_in_dim3A_14 {add = true} : memref<10240xf32, #tpu.memory_space<vmem>>[vector<16xi32>], vector<16xf32>,
      %get3A_174 = arith.constant 1 : i64
      %get3A_175 = arith.index_cast %get3A_174 : i64 to index
      %get3A_176 = arith.constant 48 : index
      %get3A_177 = tpu.vector_load %arg9[%get3A_175, %get3A_176] {strides = array<i32>} : memref<2x128xi32, #tpu.memory_space<vmem>>, vector<16xi32>,
      tpu.vector_store_idx %arg14[%get3A_177], %broadcast_in_dim3A_14 {add = true} : memref<10240xf32, #tpu.memory_space<vmem>>[vector<16xi32>], vector<16xf32>,
      %get3A_178 = arith.constant 1 : i64
      %get3A_179 = arith.index_cast %get3A_178 : i64 to index
      %get3A_180 = arith.constant 64 : index
      %get3A_181 = tpu.vector_load %arg9[%get3A_179, %get3A_180] {strides = array<i32>} : memref<2x128xi32, #tpu.memory_space<vmem>>, vector<16xi32>,
      tpu.vector_store_idx %arg14[%get3A_181], %broadcast_in_dim3A_14 {add = true} : memref<10240xf32, #tpu.memory_space<vmem>>[vector<16xi32>], vector<16xf32>,
      %get3A_182 = arith.constant 1 : i64
      %get3A_183 = arith.index_cast %get3A_182 : i64 to index
      %get3A_184 = arith.constant 80 : index
      %get3A_185 = tpu.vector_load %arg9[%get3A_183, %get3A_184] {strides = array<i32>} : memref<2x128xi32, #tpu.memory_space<vmem>>, vector<16xi32>,
      tpu.vector_store_idx %arg14[%get3A_185], %broadcast_in_dim3A_14 {add = true} : memref<10240xf32, #tpu.memory_space<vmem>>[vector<16xi32>], vector<16xf32>,
      %get3A_186 = arith.constant 1 : i64
      %get3A_187 = arith.index_cast %get3A_186 : i64 to index
      %get3A_188 = arith.constant 96 : index
      %get3A_189 = tpu.vector_load %arg9[%get3A_187, %get3A_188] {strides = array<i32>} : memref<2x128xi32, #tpu.memory_space<vmem>>, vector<16xi32>,
      tpu.vector_store_idx %arg14[%get3A_189], %broadcast_in_dim3A_14 {add = true} : memref<10240xf32, #tpu.memory_space<vmem>>[vector<16xi32>], vector<16xf32>,
      %get3A_190 = arith.constant 1 : i64
      %get3A_191 = arith.index_cast %get3A_190 : i64 to index
      %get3A_192 = arith.constant 112 : index
      %get3A_193 = tpu.vector_load %arg9[%get3A_191, %get3A_192] {strides = array<i32>} : memref<2x128xi32, #tpu.memory_space<vmem>>, vector<16xi32>,
      tpu.vector_store_idx %arg14[%get3A_193], %broadcast_in_dim3A_14 {add = true} : memref<10240xf32, #tpu.memory_space<vmem>>[vector<16xi32>], vector<16xf32>,
      %add3A_194 = arith.constant 2 : i32
      %add3A_195 = arith.addi %add3A_44, %add3A_194 : i32
      %dma_wait3A_196 = arith.constant 1 : i32
      %dma_wait3A_197 = arith.constant 0 : i32
      %dma_wait3A_198 = tpu.memref_slice %arg8[%dma_wait3A_196, %dma_wait3A_197] : memref<2x128xi32, #tpu.memory_space<vmem>> -> memref<1x128xi32, #tpu.memory_space<vmem>>
      %dma_wait3A_199 = tpu.memref_squeeze %dma_wait3A_198 : memref<1x128xi32, #tpu.memory_space<vmem>> -> memref<128xi32, #tpu.memory_space<vmem>>
      %dma_wait3A_200 = arith.constant 0 : i32
      %dma_wait3A_201 = arith.constant 0 : i32
      %dma_wait3A_202 = tpu.memref_slice %arg15[%dma_wait3A_200, %dma_wait3A_201] : memref<10240x128xf32, #tpu.memory_space<vmem_shared>> -> memref<10240x128xf32, #tpu.memory_space<vmem_shared>>
      tpu.wait_indirect_dma semaphore(%arg22 : memref<!tpu.dma_semaphore, #tpu.memory_space<semaphore_mem>>) src(%arg12 : memref<128x128xf32, #tpu.memory_space<vmem>>) dst(%dma_wait3A_202 : memref<10240x128xf32, #tpu.memory_space<vmem_shared>>)
      %add3A_203 = arith.constant 2 : i32
      %add3A_204 = arith.addi %add3A_195, %add3A_203 : i32
      %lt3A = arith.cmpi slt, %add3A_204, %select_n3A : i32
      %convert_element_type3A_205 = arith.extui %lt3A : i1 to i32
      %cond3A_206 = arith.constant 0 : i32
      %cond3A_207 = arith.cmpi ne, %convert_element_type3A_205, %cond3A_206 : i32
      scf.if %cond3A_207 {
        %add3A_343 = arith.constant 2 : i32
        %add3A_344 = arith.addi %add3A_195, %add3A_343 : i32
        %add3A_345 = arith.addi %select_n3A_13, %add3A_344 : i32
        %mul3A_346 = arith.constant 2 : i32
        %mul3A_347 = arith.muli %add3A_345, %mul3A_346 : i32
        %dma_start3A_348 = arith.constant 0 : i32
        %dma_start3A_349 = tpu.memref_slice %arg3[%mul3A_347, %dma_start3A_348] : memref<5120x128xi32, #tpu.memory_space<hbm>> -> memref<2x128xi32, #tpu.memory_space<hbm>>
        %dma_start3A_350 = arith.constant 0 : i32
        %dma_start3A_351 = tpu.memref_slice %arg3[%mul3A_347, %dma_start3A_350] : memref<5120x128xi32, #tpu.memory_space<hbm>> -> memref<2x128xi32, #tpu.memory_space<hbm>>
        tpu.enqueue_dma source(%dma_start3A_351 : memref<2x128xi32, #tpu.memory_space<hbm>>) target(%arg8 : memref<2x128xi32, #tpu.memory_space<vmem>>) target_semaphore(%arg16 : memref<!tpu.dma_semaphore, #tpu.memory_space<semaphore_mem>>)
      } else {
      }
      %add3A_208 = arith.addi %select_n3A_13, %add3A_195 : i32
      %mul3A_209 = arith.constant 2 : i32
      %mul3A_210 = arith.muli %add3A_208, %mul3A_209 : i32
      %dma_wait3A_211 = arith.constant 0 : i32
      %dma_wait3A_212 = tpu.memref_slice %arg3[%mul3A_210, %dma_wait3A_211] : memref<5120x128xi32, #tpu.memory_space<hbm>> -> memref<2x128xi32, #tpu.memory_space<hbm>>
      %dma_wait3A_213 = arith.constant 0 : i32
      %dma_wait3A_214 = tpu.memref_slice %arg3[%mul3A_210, %dma_wait3A_213] : memref<5120x128xi32, #tpu.memory_space<hbm>> -> memref<2x128xi32, #tpu.memory_space<hbm>>
      tpu.wait_dma2 semaphore(%arg18 : memref<!tpu.dma_semaphore, #tpu.memory_space<semaphore_mem>>) src(%dma_wait3A_214 : memref<2x128xi32, #tpu.memory_space<hbm>>) dst(%arg10 : memref<2x128xi32, #tpu.memory_space<vmem>>)
      %dma_start3A_215 = arith.constant 0 : i32
      %dma_start3A_216 = arith.constant 0 : i32
      %dma_start3A_217 = tpu.memref_slice %arg10[%dma_start3A_215, %dma_start3A_216] : memref<2x128xi32, #tpu.memory_space<vmem>> -> memref<1x128xi32, #tpu.memory_space<vmem>>
      %dma_start3A_218 = tpu.memref_squeeze %dma_start3A_217 : memref<1x128xi32, #tpu.memory_space<vmem>> -> memref<128xi32, #tpu.memory_space<vmem>>
      %dma_start3A_219 = arith.constant 0 : i32
      %dma_start3A_220 = arith.constant 0 : i32
      %dma_start3A_221 = tpu.memref_slice %arg2[%dma_start3A_219, %dma_start3A_220] : memref<10000x128xf32, #tpu.memory_space<hbm>> -> memref<10000x128xf32, #tpu.memory_space<hbm>>
      tpu.enqueue_indirect_dma source(%dma_start3A_221 : memref<10000x128xf32, #tpu.memory_space<hbm>>) target(%arg12 : memref<128x128xf32, #tpu.memory_space<vmem>>) offsets(%dma_start3A_218 : memref<128xi32, #tpu.memory_space<vmem>>) semaphore(%arg20 : memref<!tpu.dma_semaphore, #tpu.memory_space<semaphore_mem>>)
      %dma_wait3A_222 = arith.constant 0 : i32
      %dma_wait3A_223 = arith.constant 0 : i32
      %dma_wait3A_224 = tpu.memref_slice %arg10[%dma_wait3A_222, %dma_wait3A_223] : memref<2x128xi32, #tpu.memory_space<vmem>> -> memref<1x128xi32, #tpu.memory_space<vmem>>
      %dma_wait3A_225 = tpu.memref_squeeze %dma_wait3A_224 : memref<1x128xi32, #tpu.memory_space<vmem>> -> memref<128xi32, #tpu.memory_space<vmem>>
      %dma_wait3A_226 = arith.constant 0 : i32
      %dma_wait3A_227 = arith.constant 0 : i32
      %dma_wait3A_228 = tpu.memref_slice %arg2[%dma_wait3A_226, %dma_wait3A_227] : memref<10000x128xf32, #tpu.memory_space<hbm>> -> memref<10000x128xf32, #tpu.memory_space<hbm>>
      tpu.wait_indirect_dma semaphore(%arg20 : memref<!tpu.dma_semaphore, #tpu.memory_space<semaphore_mem>>) src(%dma_wait3A_228 : memref<10000x128xf32, #tpu.memory_space<hbm>>) dst(%arg12 : memref<128x128xf32, #tpu.memory_space<vmem>>)
      %dma_start3A_229 = arith.constant 1 : i32
      %dma_start3A_230 = arith.constant 0 : i32
      %dma_start3A_231 = tpu.memref_slice %arg10[%dma_start3A_229, %dma_start3A_230] : memref<2x128xi32, #tpu.memory_space<vmem>> -> memref<1x128xi32, #tpu.memory_space<vmem>>
      %dma_start3A_232 = tpu.memref_squeeze %dma_start3A_231 : memref<1x128xi32, #tpu.memory_space<vmem>> -> memref<128xi32, #tpu.memory_space<vmem>>
      %dma_start3A_233 = arith.constant 0 : i32
      %dma_start3A_234 = arith.constant 0 : i32
      %dma_start3A_235 = tpu.memref_slice %arg15[%dma_start3A_233, %dma_start3A_234] : memref<10240x128xf32, #tpu.memory_space<vmem_shared>> -> memref<10240x128xf32, #tpu.memory_space<vmem_shared>>
      tpu.enqueue_indirect_dma source(%arg12 : memref<128x128xf32, #tpu.memory_space<vmem>>) target(%dma_start3A_235 : memref<10240x128xf32, #tpu.memory_space<vmem_shared>>) offsets(%dma_start3A_232 : memref<128xi32, #tpu.memory_space<vmem>>) semaphore(%arg22 : memref<!tpu.dma_semaphore, #tpu.memory_space<semaphore_mem>>) {add = true}
      %get3A_236 = arith.constant 1 : i64
      %get3A_237 = arith.index_cast %get3A_236 : i64 to index
      %get3A_238 = arith.constant 0 : index
      %get3A_239 = tpu.vector_load %arg10[%get3A_237, %get3A_238] {strides = array<i32>} : memref<2x128xi32, #tpu.memory_space<vmem>>, vector<16xi32>,
      tpu.vector_store_idx %arg14[%get3A_239], %broadcast_in_dim3A_14 {add = true} : memref<10240xf32, #tpu.memory_space<vmem>>[vector<16xi32>], vector<16xf32>,
      %get3A_240 = arith.constant 1 : i64
      %get3A_241 = arith.index_cast %get3A_240 : i64 to index
      %get3A_242 = arith.constant 16 : index
      %get3A_243 = tpu.vector_load %arg10[%get3A_241, %get3A_242] {strides = array<i32>} : memref<2x128xi32, #tpu.memory_space<vmem>>, vector<16xi32>,
      tpu.vector_store_idx %arg14[%get3A_243], %broadcast_in_dim3A_14 {add = true} : memref<10240xf32, #tpu.memory_space<vmem>>[vector<16xi32>], vector<16xf32>,
      %get3A_244 = arith.constant 1 : i64
      %get3A_245 = arith.index_cast %get3A_244 : i64 to index
      %get3A_246 = arith.constant 32 : index
      %get3A_247 = tpu.vector_load %arg10[%get3A_245, %get3A_246] {strides = array<i32>} : memref<2x128xi32, #tpu.memory_space<vmem>>, vector<16xi32>,
      tpu.vector_store_idx %arg14[%get3A_247], %broadcast_in_dim3A_14 {add = true} : memref<10240xf32, #tpu.memory_space<vmem>>[vector<16xi32>], vector<16xf32>,
      %get3A_248 = arith.constant 1 : i64
      %get3A_249 = arith.index_cast %get3A_248 : i64 to index
      %get3A_250 = arith.constant 48 : index
      %get3A_251 = tpu.vector_load %arg10[%get3A_249, %get3A_250] {strides = array<i32>} : memref<2x128xi32, #tpu.memory_space<vmem>>, vector<16xi32>,
      tpu.vector_store_idx %arg14[%get3A_251], %broadcast_in_dim3A_14 {add = true} : memref<10240xf32, #tpu.memory_space<vmem>>[vector<16xi32>], vector<16xf32>,
      %get3A_252 = arith.constant 1 : i64
      %get3A_253 = arith.index_cast %get3A_252 : i64 to index
      %get3A_254 = arith.constant 64 : index
      %get3A_255 = tpu.vector_load %arg10[%get3A_253, %get3A_254] {strides = array<i32>} : memref<2x128xi32, #tpu.memory_space<vmem>>, vector<16xi32>,
      tpu.vector_store_idx %arg14[%get3A_255], %broadcast_in_dim3A_14 {add = true} : memref<10240xf32, #tpu.memory_space<vmem>>[vector<16xi32>], vector<16xf32>,
      %get3A_256 = arith.constant 1 : i64
      %get3A_257 = arith.index_cast %get3A_256 : i64 to index
      %get3A_258 = arith.constant 80 : index
      %get3A_259 = tpu.vector_load %arg10[%get3A_257, %get3A_258] {strides = array<i32>} : memref<2x128xi32, #tpu.memory_space<vmem>>, vector<16xi32>,
      tpu.vector_store_idx %arg14[%get3A_259], %broadcast_in_dim3A_14 {add = true} : memref<10240xf32, #tpu.memory_space<vmem>>[vector<16xi32>], vector<16xf32>,
      %get3A_260 = arith.constant 1 : i64
      %get3A_261 = arith.index_cast %get3A_260 : i64 to index
      %get3A_262 = arith.constant 96 : index
      %get3A_263 = tpu.vector_load %arg10[%get3A_261, %get3A_262] {strides = array<i32>} : memref<2x128xi32, #tpu.memory_space<vmem>>, vector<16xi32>,
      tpu.vector_store_idx %arg14[%get3A_263], %broadcast_in_dim3A_14 {add = true} : memref<10240xf32, #tpu.memory_space<vmem>>[vector<16xi32>], vector<16xf32>,
      %get3A_264 = arith.constant 1 : i64
      %get3A_265 = arith.index_cast %get3A_264 : i64 to index
      %get3A_266 = arith.constant 112 : index
      %get3A_267 = tpu.vector_load %arg10[%get3A_265, %get3A_266] {strides = array<i32>} : memref<2x128xi32, #tpu.memory_space<vmem>>, vector<16xi32>,
      tpu.vector_store_idx %arg14[%get3A_267], %broadcast_in_dim3A_14 {add = true} : memref<10240xf32, #tpu.memory_space<vmem>>[vector<16xi32>], vector<16xf32>,
      %add3A_268 = arith.constant 3 : i32
      %add3A_269 = arith.addi %add3A_44, %add3A_268 : i32
      %dma_wait3A_270 = arith.constant 1 : i32
      %dma_wait3A_271 = arith.constant 0 : i32
      %dma_wait3A_272 = tpu.memref_slice %arg9[%dma_wait3A_270, %dma_wait3A_271] : memref<2x128xi32, #tpu.memory_space<vmem>> -> memref<1x128xi32, #tpu.memory_space<vmem>>
      %dma_wait3A_273 = tpu.memref_squeeze %dma_wait3A_272 : memref<1x128xi32, #tpu.memory_space<vmem>> -> memref<128xi32, #tpu.memory_space<vmem>>
      %dma_wait3A_274 = arith.constant 0 : i32
      %dma_wait3A_275 = arith.constant 0 : i32
      %dma_wait3A_276 = tpu.memref_slice %arg15[%dma_wait3A_274, %dma_wait3A_275] : memref<10240x128xf32, #tpu.memory_space<vmem_shared>> -> memref<10240x128xf32, #tpu.memory_space<vmem_shared>>
      tpu.wait_indirect_dma semaphore(%arg23 : memref<!tpu.dma_semaphore, #tpu.memory_space<semaphore_mem>>) src(%arg13 : memref<128x128xf32, #tpu.memory_space<vmem>>) dst(%dma_wait3A_276 : memref<10240x128xf32, #tpu.memory_space<vmem_shared>>)
      %add3A_277 = arith.constant 2 : i32
      %add3A_278 = arith.addi %add3A_269, %add3A_277 : i32
      %lt3A_279 = arith.cmpi slt, %add3A_278, %select_n3A : i32
      %convert_element_type3A_280 = arith.extui %lt3A_279 : i1 to i32
      %cond3A_281 = arith.constant 0 : i32
      %cond3A_282 = arith.cmpi ne, %convert_element_type3A_280, %cond3A_281 : i32
      scf.if %cond3A_282 {
        %add3A_343 = arith.constant 2 : i32
        %add3A_344 = arith.addi %add3A_269, %add3A_343 : i32
        %add3A_345 = arith.addi %select_n3A_13, %add3A_344 : i32
        %mul3A_346 = arith.constant 2 : i32
        %mul3A_347 = arith.muli %add3A_345, %mul3A_346 : i32
        %dma_start3A_348 = arith.constant 0 : i32
        %dma_start3A_349 = tpu.memref_slice %arg3[%mul3A_347, %dma_start3A_348] : memref<5120x128xi32, #tpu.memory_space<hbm>> -> memref<2x128xi32, #tpu.memory_space<hbm>>
        %dma_start3A_350 = arith.constant 0 : i32
        %dma_start3A_351 = tpu.memref_slice %arg3[%mul3A_347, %dma_start3A_350] : memref<5120x128xi32, #tpu.memory_space<hbm>> -> memref<2x128xi32, #tpu.memory_space<hbm>>
        tpu.enqueue_dma source(%dma_start3A_351 : memref<2x128xi32, #tpu.memory_space<hbm>>) target(%arg9 : memref<2x128xi32, #tpu.memory_space<vmem>>) target_semaphore(%arg17 : memref<!tpu.dma_semaphore, #tpu.memory_space<semaphore_mem>>)
      } else {
      }
      %add3A_283 = arith.addi %select_n3A_13, %add3A_269 : i32
      %mul3A_284 = arith.constant 2 : i32
      %mul3A_285 = arith.muli %add3A_283, %mul3A_284 : i32
      %dma_wait3A_286 = arith.constant 0 : i32
      %dma_wait3A_287 = tpu.memref_slice %arg3[%mul3A_285, %dma_wait3A_286] : memref<5120x128xi32, #tpu.memory_space<hbm>> -> memref<2x128xi32, #tpu.memory_space<hbm>>
      %dma_wait3A_288 = arith.constant 0 : i32
      %dma_wait3A_289 = tpu.memref_slice %arg3[%mul3A_285, %dma_wait3A_288] : memref<5120x128xi32, #tpu.memory_space<hbm>> -> memref<2x128xi32, #tpu.memory_space<hbm>>
      tpu.wait_dma2 semaphore(%arg19 : memref<!tpu.dma_semaphore, #tpu.memory_space<semaphore_mem>>) src(%dma_wait3A_289 : memref<2x128xi32, #tpu.memory_space<hbm>>) dst(%arg11 : memref<2x128xi32, #tpu.memory_space<vmem>>)
      %dma_start3A_290 = arith.constant 0 : i32
      %dma_start3A_291 = arith.constant 0 : i32
      %dma_start3A_292 = tpu.memref_slice %arg11[%dma_start3A_290, %dma_start3A_291] : memref<2x128xi32, #tpu.memory_space<vmem>> -> memref<1x128xi32, #tpu.memory_space<vmem>>
      %dma_start3A_293 = tpu.memref_squeeze %dma_start3A_292 : memref<1x128xi32, #tpu.memory_space<vmem>> -> memref<128xi32, #tpu.memory_space<vmem>>
      %dma_start3A_294 = arith.constant 0 : i32
      %dma_start3A_295 = arith.constant 0 : i32
      %dma_start3A_296 = tpu.memref_slice %arg2[%dma_start3A_294, %dma_start3A_295] : memref<10000x128xf32, #tpu.memory_space<hbm>> -> memref<10000x128xf32, #tpu.memory_space<hbm>>
      tpu.enqueue_indirect_dma source(%dma_start3A_296 : memref<10000x128xf32, #tpu.memory_space<hbm>>) target(%arg13 : memref<128x128xf32, #tpu.memory_space<vmem>>) offsets(%dma_start3A_293 : memref<128xi32, #tpu.memory_space<vmem>>) semaphore(%arg21 : memref<!tpu.dma_semaphore, #tpu.memory_space<semaphore_mem>>)
      %dma_wait3A_297 = arith.constant 0 : i32
      %dma_wait3A_298 = arith.constant 0 : i32
      %dma_wait3A_299 = tpu.memref_slice %arg11[%dma_wait3A_297, %dma_wait3A_298] : memref<2x128xi32, #tpu.memory_space<vmem>> -> memref<1x128xi32, #tpu.memory_space<vmem>>
      %dma_wait3A_300 = tpu.memref_squeeze %dma_wait3A_299 : memref<1x128xi32, #tpu.memory_space<vmem>> -> memref<128xi32, #tpu.memory_space<vmem>>
      %dma_wait3A_301 = arith.constant 0 : i32
      %dma_wait3A_302 = arith.constant 0 : i32
      %dma_wait3A_303 = tpu.memref_slice %arg2[%dma_wait3A_301, %dma_wait3A_302] : memref<10000x128xf32, #tpu.memory_space<hbm>> -> memref<10000x128xf32, #tpu.memory_space<hbm>>
      tpu.wait_indirect_dma semaphore(%arg21 : memref<!tpu.dma_semaphore, #tpu.memory_space<semaphore_mem>>) src(%dma_wait3A_303 : memref<10000x128xf32, #tpu.memory_space<hbm>>) dst(%arg13 : memref<128x128xf32, #tpu.memory_space<vmem>>)
      %dma_start3A_304 = arith.constant 1 : i32
      %dma_start3A_305 = arith.constant 0 : i32
      %dma_start3A_306 = tpu.memref_slice %arg11[%dma_start3A_304, %dma_start3A_305] : memref<2x128xi32, #tpu.memory_space<vmem>> -> memref<1x128xi32, #tpu.memory_space<vmem>>
      %dma_start3A_307 = tpu.memref_squeeze %dma_start3A_306 : memref<1x128xi32, #tpu.memory_space<vmem>> -> memref<128xi32, #tpu.memory_space<vmem>>
      %dma_start3A_308 = arith.constant 0 : i32
      %dma_start3A_309 = arith.constant 0 : i32
      %dma_start3A_310 = tpu.memref_slice %arg15[%dma_start3A_308, %dma_start3A_309] : memref<10240x128xf32, #tpu.memory_space<vmem_shared>> -> memref<10240x128xf32, #tpu.memory_space<vmem_shared>>
      tpu.enqueue_indirect_dma source(%arg13 : memref<128x128xf32, #tpu.memory_space<vmem>>) target(%dma_start3A_310 : memref<10240x128xf32, #tpu.memory_space<vmem_shared>>) offsets(%dma_start3A_307 : memref<128xi32, #tpu.memory_space<vmem>>) semaphore(%arg23 : memref<!tpu.dma_semaphore, #tpu.memory_space<semaphore_mem>>) {add = true}
      %get3A_311 = arith.constant 1 : i64
      %get3A_312 = arith.index_cast %get3A_311 : i64 to index
      %get3A_313 = arith.constant 0 : index
      %get3A_314 = tpu.vector_load %arg11[%get3A_312, %get3A_313] {strides = array<i32>} : memref<2x128xi32, #tpu.memory_space<vmem>>, vector<16xi32>,
      tpu.vector_store_idx %arg14[%get3A_314], %broadcast_in_dim3A_14 {add = true} : memref<10240xf32, #tpu.memory_space<vmem>>[vector<16xi32>], vector<16xf32>,
      %get3A_315 = arith.constant 1 : i64
      %get3A_316 = arith.index_cast %get3A_315 : i64 to index
      %get3A_317 = arith.constant 16 : index
      %get3A_318 = tpu.vector_load %arg11[%get3A_316, %get3A_317] {strides = array<i32>} : memref<2x128xi32, #tpu.memory_space<vmem>>, vector<16xi32>,
      tpu.vector_store_idx %arg14[%get3A_318], %broadcast_in_dim3A_14 {add = true} : memref<10240xf32, #tpu.memory_space<vmem>>[vector<16xi32>], vector<16xf32>,
      %get3A_319 = arith.constant 1 : i64
      %get3A_320 = arith.index_cast %get3A_319 : i64 to index
      %get3A_321 = arith.constant 32 : index
      %get3A_322 = tpu.vector_load %arg11[%get3A_320, %get3A_321] {strides = array<i32>} : memref<2x128xi32, #tpu.memory_space<vmem>>, vector<16xi32>,
      tpu.vector_store_idx %arg14[%get3A_322], %broadcast_in_dim3A_14 {add = true} : memref<10240xf32, #tpu.memory_space<vmem>>[vector<16xi32>], vector<16xf32>,
      %get3A_323 = arith.constant 1 : i64
      %get3A_324 = arith.index_cast %get3A_323 : i64 to index
      %get3A_325 = arith.constant 48 : index
      %get3A_326 = tpu.vector_load %arg11[%get3A_324, %get3A_325] {strides = array<i32>} : memref<2x128xi32, #tpu.memory_space<vmem>>, vector<16xi32>,
      tpu.vector_store_idx %arg14[%get3A_326], %broadcast_in_dim3A_14 {add = true} : memref<10240xf32, #tpu.memory_space<vmem>>[vector<16xi32>], vector<16xf32>,
      %get3A_327 = arith.constant 1 : i64
      %get3A_328 = arith.index_cast %get3A_327 : i64 to index
      %get3A_329 = arith.constant 64 : index
      %get3A_330 = tpu.vector_load %arg11[%get3A_328, %get3A_329] {strides = array<i32>} : memref<2x128xi32, #tpu.memory_space<vmem>>, vector<16xi32>,
      tpu.vector_store_idx %arg14[%get3A_330], %broadcast_in_dim3A_14 {add = true} : memref<10240xf32, #tpu.memory_space<vmem>>[vector<16xi32>], vector<16xf32>,
      %get3A_331 = arith.constant 1 : i64
      %get3A_332 = arith.index_cast %get3A_331 : i64 to index
      %get3A_333 = arith.constant 80 : index
      %get3A_334 = tpu.vector_load %arg11[%get3A_332, %get3A_333] {strides = array<i32>} : memref<2x128xi32, #tpu.memory_space<vmem>>, vector<16xi32>,
      tpu.vector_store_idx %arg14[%get3A_334], %broadcast_in_dim3A_14 {add = true} : memref<10240xf32, #tpu.memory_space<vmem>>[vector<16xi32>], vector<16xf32>,
      %get3A_335 = arith.constant 1 : i64
      %get3A_336 = arith.index_cast %get3A_335 : i64 to index
      %get3A_337 = arith.constant 96 : index
      %get3A_338 = tpu.vector_load %arg11[%get3A_336, %get3A_337] {strides = array<i32>} : memref<2x128xi32, #tpu.memory_space<vmem>>, vector<16xi32>,
      tpu.vector_store_idx %arg14[%get3A_338], %broadcast_in_dim3A_14 {add = true} : memref<10240xf32, #tpu.memory_space<vmem>>[vector<16xi32>], vector<16xf32>,
      %get3A_339 = arith.constant 1 : i64
      %get3A_340 = arith.index_cast %get3A_339 : i64 to index
      %get3A_341 = arith.constant 112 : index
      %get3A_342 = tpu.vector_load %arg11[%get3A_340, %get3A_341] {strides = array<i32>} : memref<2x128xi32, #tpu.memory_space<vmem>>, vector<16xi32>,
      tpu.vector_store_idx %arg14[%get3A_342], %broadcast_in_dim3A_14 {add = true} : memref<10240xf32, #tpu.memory_space<vmem>>[vector<16xi32>], vector<16xf32>,
    }
    %gt3A_33 = arith.constant 0 : i32
    %gt3A_34 = arith.cmpi sgt, %select_n3A, %gt3A_33 : i32
    %convert_element_type3A_35 = arith.extui %gt3A_34 : i1 to i32
    %cond3A_36 = arith.constant 0 : i32
    %cond3A_37 = arith.cmpi ne, %convert_element_type3A_35, %cond3A_36 : i32
    scf.if %cond3A_37 {
      %dma_wait3A = arith.constant 1 : i32
      %dma_wait3A_42 = arith.constant 0 : i32
      %dma_wait3A_43 = tpu.memref_slice %arg10[%dma_wait3A, %dma_wait3A_42] : memref<2x128xi32, #tpu.memory_space<vmem>> -> memref<1x128xi32, #tpu.memory_space<vmem>>
      %dma_wait3A_44 = tpu.memref_squeeze %dma_wait3A_43 : memref<1x128xi32, #tpu.memory_space<vmem>> -> memref<128xi32, #tpu.memory_space<vmem>>
      %dma_wait3A_45 = arith.constant 0 : i32
      %dma_wait3A_46 = arith.constant 0 : i32
      %dma_wait3A_47 = tpu.memref_slice %arg15[%dma_wait3A_45, %dma_wait3A_46] : memref<10240x128xf32, #tpu.memory_space<vmem_shared>> -> memref<10240x128xf32, #tpu.memory_space<vmem_shared>>
      tpu.wait_indirect_dma semaphore(%arg22 : memref<!tpu.dma_semaphore, #tpu.memory_space<semaphore_mem>>) src(%arg12 : memref<128x128xf32, #tpu.memory_space<vmem>>) dst(%dma_wait3A_47 : memref<10240x128xf32, #tpu.memory_space<vmem_shared>>)
      %dma_wait3A_48 = arith.constant 1 : i32
      %dma_wait3A_49 = arith.constant 0 : i32
      %dma_wait3A_50 = tpu.memref_slice %arg11[%dma_wait3A_48, %dma_wait3A_49] : memref<2x128xi32, #tpu.memory_space<vmem>> -> memref<1x128xi32, #tpu.memory_space<vmem>>
      %dma_wait3A_51 = tpu.memref_squeeze %dma_wait3A_50 : memref<1x128xi32, #tpu.memory_space<vmem>> -> memref<128xi32, #tpu.memory_space<vmem>>
      %dma_wait3A_52 = arith.constant 0 : i32
      %dma_wait3A_53 = arith.constant 0 : i32
      %dma_wait3A_54 = tpu.memref_slice %arg15[%dma_wait3A_52, %dma_wait3A_53] : memref<10240x128xf32, #tpu.memory_space<vmem_shared>> -> memref<10240x128xf32, #tpu.memory_space<vmem_shared>>
      tpu.wait_indirect_dma semaphore(%arg23 : memref<!tpu.dma_semaphore, #tpu.memory_space<semaphore_mem>>) src(%arg13 : memref<128x128xf32, #tpu.memory_space<vmem>>) dst(%dma_wait3A_54 : memref<10240x128xf32, #tpu.memory_space<vmem_shared>>)
    } else {
    }
    %barrier3A_38 = arith.constant 0 : index
    tpu.barrier barrier_id(%barrier3A_38)
    %mul3A_39 = arith.constant 10240 : i32
    %mul3A_40 = arith.muli %arg0, %mul3A_39 : i32
    %add3A_41 = arith.addi %mul3A_40, %mul3A_2 : i32
    "tpu.region"() ({
      %run_scoped3A = tpu.sem_alloc : memref<!tpu.dma_semaphore, #tpu.memory_space<semaphore_mem>>
      %dma_start3A = arith.constant 0 : i32
      %dma_start3A_42 = tpu.memref_slice %arg6[%add3A_41, %dma_start3A] : memref<20480x128xf32, #tpu.memory_space<hbm>> -> memref<640x128xf32, #tpu.memory_space<hbm>>
      %dma_start3A_43 = arith.constant 0 : i32
      %dma_start3A_44 = tpu.memref_slice %arg15[%mul3A_2, %dma_start3A_43] : memref<10240x128xf32, #tpu.memory_space<vmem_shared>> -> memref<640x128xf32, #tpu.memory_space<vmem_shared>>
      tpu.enqueue_dma source(%dma_start3A_44 : memref<640x128xf32, #tpu.memory_space<vmem_shared>>) target(%dma_start3A_42 : memref<640x128xf32, #tpu.memory_space<hbm>>) target_semaphore(%run_scoped3A : memref<!tpu.dma_semaphore, #tpu.memory_space<semaphore_mem>>)
      %dma_wait3A = arith.constant 0 : i32
      %dma_wait3A_45 = tpu.memref_slice %arg6[%add3A_41, %dma_wait3A] : memref<20480x128xf32, #tpu.memory_space<hbm>> -> memref<640x128xf32, #tpu.memory_space<hbm>>
      %dma_wait3A_46 = arith.constant 0 : i32
      %dma_wait3A_47 = tpu.memref_slice %arg15[%mul3A_2, %dma_wait3A_46] : memref<10240x128xf32, #tpu.memory_space<vmem_shared>> -> memref<640x128xf32, #tpu.memory_space<vmem_shared>>
      tpu.wait_dma2 semaphore(%run_scoped3A : memref<!tpu.dma_semaphore, #tpu.memory_space<semaphore_mem>>) src(%dma_wait3A_47 : memref<640x128xf32, #tpu.memory_space<vmem_shared>>) dst(%dma_wait3A_45 : memref<640x128xf32, #tpu.memory_space<hbm>>)
      tpu.yield
    }) : () -> ()
    "tpu.region"() ({
      %run_scoped3A = tpu.sem_alloc : memref<!tpu.dma_semaphore, #tpu.memory_space<semaphore_mem>>
      %dma_start3A = arith.constant 0 : i32
      %dma_start3A_42 = tpu.memref_slice %arg7[%add3A, %dma_start3A] : memref<32x10240xf32, #tpu.memory_space<hbm>> -> memref<1x10240xf32, #tpu.memory_space<hbm>>
      %dma_start3A_43 = tpu.memref_squeeze %dma_start3A_42 : memref<1x10240xf32, #tpu.memory_space<hbm>> -> memref<10240xf32, #tpu.memory_space<hbm>>
      %dma_start3A_44 = arith.constant 0 : i32
      %dma_start3A_45 = tpu.memref_slice %arg7[%add3A, %dma_start3A_44] : memref<32x10240xf32, #tpu.memory_space<hbm>> -> memref<1x10240xf32, #tpu.memory_space<hbm>>
      %dma_start3A_46 = tpu.memref_squeeze %dma_start3A_45 : memref<1x10240xf32, #tpu.memory_space<hbm>> -> memref<10240xf32, #tpu.memory_space<hbm>>
      tpu.enqueue_dma source(%arg14 : memref<10240xf32, #tpu.memory_space<vmem>>) target(%dma_start3A_46 : memref<10240xf32, #tpu.memory_space<hbm>>) target_semaphore(%run_scoped3A : memref<!tpu.dma_semaphore, #tpu.memory_space<semaphore_mem>>)
      %dma_wait3A = arith.constant 0 : i32
      %dma_wait3A_47 = tpu.memref_slice %arg7[%add3A, %dma_wait3A] : memref<32x10240xf32, #tpu.memory_space<hbm>> -> memref<1x10240xf32, #tpu.memory_space<hbm>>
      %dma_wait3A_48 = tpu.memref_squeeze %dma_wait3A_47 : memref<1x10240xf32, #tpu.memory_space<hbm>> -> memref<10240xf32, #tpu.memory_space<hbm>>
      %dma_wait3A_49 = arith.constant 0 : i32
      %dma_wait3A_50 = tpu.memref_slice %arg7[%add3A, %dma_wait3A_49] : memref<32x10240xf32, #tpu.memory_space<hbm>> -> memref<1x10240xf32, #tpu.memory_space<hbm>>
      %dma_wait3A_51 = tpu.memref_squeeze %dma_wait3A_50 : memref<1x10240xf32, #tpu.memory_space<hbm>> -> memref<10240xf32, #tpu.memory_space<hbm>>
      tpu.wait_dma2 semaphore(%run_scoped3A : memref<!tpu.dma_semaphore, #tpu.memory_space<semaphore_mem>>) src(%arg14 : memref<10240xf32, #tpu.memory_space<vmem>>) dst(%dma_wait3A_51 : memref<10240xf32, #tpu.memory_space<hbm>>)
      tpu.yield
    }) : () -> ()
    return
  }
}

#map = affine_map<(d0, d1) -> (0, 0)>
module attributes {stable_mosaic.version = 14 : i64} {
  func.func @_sc_agg_body(%arg0: i32, %arg1: i32, %arg2: memref<10000x128xf32, #tpu.memory_space<hbm>>, %arg3: memref<5120x128xi32, #tpu.memory_space<hbm>>, %arg4: memref<640x128xf32, #tpu.memory_space<hbm>>, %arg5: memref<20480x128xf32, #tpu.memory_space<hbm>>, %arg6: memref<2x128xi32, #tpu.memory_space<vmem>>, %arg7: memref<2x128xi32, #tpu.memory_space<vmem>>, %arg8: memref<2x128xi32, #tpu.memory_space<vmem>>, %arg9: memref<2x128xi32, #tpu.memory_space<vmem>>, %arg10: memref<128x128xf32, #tpu.memory_space<vmem>>, %arg11: memref<128x128xf32, #tpu.memory_space<vmem>>, %arg12: memref<10240x128xf32, #tpu.memory_space<vmem_shared>>, %arg13: memref<!tpu.dma_semaphore, #tpu.memory_space<semaphore_mem>>, %arg14: memref<!tpu.dma_semaphore, #tpu.memory_space<semaphore_mem>>, %arg15: memref<!tpu.dma_semaphore, #tpu.memory_space<semaphore_mem>>, %arg16: memref<!tpu.dma_semaphore, #tpu.memory_space<semaphore_mem>>, %arg17: memref<!tpu.dma_semaphore, #tpu.memory_space<semaphore_mem>>, %arg18: memref<!tpu.dma_semaphore, #tpu.memory_space<semaphore_mem>>, %arg19: memref<!tpu.dma_semaphore, #tpu.memory_space<semaphore_mem>>, %arg20: memref<!tpu.dma_semaphore, #tpu.memory_space<semaphore_mem>>) attributes {dimension_semantics = [#tpu.dimension_semantics<core_parallel>, #tpu.dimension_semantics<subcore_parallel>], iteration_bounds = array<i64: 2, 16>, scalar_prefetch = 0 : i64, scratch_operands = 15 : i64, tpu.core_type = #tpu.core_type<sc_vector_subcore>, window_params = [{transform_indices = #map}, {transform_indices = #map}, {transform_indices = #map}, {transform_indices = #map}]} {
    %mul3A = arith.constant 2 : i32
    %mul3A_0 = arith.muli %arg1, %mul3A : i32
    %add3A = arith.addi %mul3A_0, %arg0 : i32
    %mul3A_1 = arith.constant 640 : i32
    %mul3A_2 = arith.muli %arg1, %mul3A_1 : i32
    %eq3A = arith.constant 0 : i32
    %eq3A_3 = arith.cmpi eq, %arg0, %eq3A : i32
    %jit3A = arith.constant 144 : i32
    %jit3A_4 = arith.constant 16 : i32
    %select_n3A = arith.select %eq3A_3, %jit3A, %jit3A_4 : i32
    %eq3A_5 = arith.constant 0 : i32
    %eq3A_6 = arith.cmpi eq, %arg0, %eq3A_5 : i32
    %mul3A_7 = arith.constant 144 : i32
    %mul3A_8 = arith.muli %arg1, %mul3A_7 : i32
    %mul3A_9 = arith.constant 16 : i32
    %mul3A_10 = arith.muli %arg1, %mul3A_9 : i32
    %add3A_11 = arith.constant 2304 : i32
    %add3A_12 = arith.addi %add3A_11, %mul3A_10 : i32
    %select_n3A_13 = arith.select %eq3A_6, %mul3A_8, %add3A_12 : i32
    "tpu.region"() ({
      %run_scoped3A = tpu.sem_alloc : memref<!tpu.dma_semaphore, #tpu.memory_space<semaphore_mem>>
      %dma_start3A = arith.constant 0 : i32
      %dma_start3A_41 = tpu.memref_slice %arg12[%mul3A_2, %dma_start3A] : memref<10240x128xf32, #tpu.memory_space<vmem_shared>> -> memref<640x128xf32, #tpu.memory_space<vmem_shared>>
      tpu.enqueue_dma source(%arg4 : memref<640x128xf32, #tpu.memory_space<hbm>>) target(%dma_start3A_41 : memref<640x128xf32, #tpu.memory_space<vmem_shared>>) target_semaphore(%run_scoped3A : memref<!tpu.dma_semaphore, #tpu.memory_space<semaphore_mem>>)
      %dma_wait3A = arith.constant 0 : i32
      %dma_wait3A_42 = tpu.memref_slice %arg12[%mul3A_2, %dma_wait3A] : memref<10240x128xf32, #tpu.memory_space<vmem_shared>> -> memref<640x128xf32, #tpu.memory_space<vmem_shared>>
      tpu.wait_dma2 semaphore(%run_scoped3A : memref<!tpu.dma_semaphore, #tpu.memory_space<semaphore_mem>>) src(%arg4 : memref<640x128xf32, #tpu.memory_space<hbm>>) dst(%dma_wait3A_42 : memref<640x128xf32, #tpu.memory_space<vmem_shared>>)
      tpu.yield
    }) : () -> ()
    %barrier3A = arith.constant 0 : index
    tpu.barrier barrier_id(%barrier3A)
    %gt3A = arith.constant 0 : i32
    %gt3A_14 = arith.cmpi sgt, %select_n3A, %gt3A : i32
    %convert_element_type3A = arith.extui %gt3A_14 : i1 to i32
    %cond3A = arith.constant 0 : i32
    %cond3A_15 = arith.cmpi ne, %convert_element_type3A, %cond3A : i32
    scf.if %cond3A_15 {
      %add3A_41 = arith.constant 0 : i32
      %add3A_42 = arith.addi %select_n3A_13, %add3A_41 : i32
      %mul3A_43 = arith.constant 2 : i32
      %mul3A_44 = arith.muli %add3A_42, %mul3A_43 : i32
      %dma_start3A = arith.constant 0 : i32
      %dma_start3A_45 = tpu.memref_slice %arg3[%mul3A_44, %dma_start3A] : memref<5120x128xi32, #tpu.memory_space<hbm>> -> memref<2x128xi32, #tpu.memory_space<hbm>>
      %dma_start3A_46 = arith.constant 0 : i32
      %dma_start3A_47 = tpu.memref_slice %arg3[%mul3A_44, %dma_start3A_46] : memref<5120x128xi32, #tpu.memory_space<hbm>> -> memref<2x128xi32, #tpu.memory_space<hbm>>
      tpu.enqueue_dma source(%dma_start3A_47 : memref<2x128xi32, #tpu.memory_space<hbm>>) target(%arg6 : memref<2x128xi32, #tpu.memory_space<vmem>>) target_semaphore(%arg13 : memref<!tpu.dma_semaphore, #tpu.memory_space<semaphore_mem>>)
      %add3A_48 = arith.constant 1 : i32
      %add3A_49 = arith.addi %select_n3A_13, %add3A_48 : i32
      %mul3A_50 = arith.constant 2 : i32
      %mul3A_51 = arith.muli %add3A_49, %mul3A_50 : i32
      %dma_start3A_52 = arith.constant 0 : i32
      %dma_start3A_53 = tpu.memref_slice %arg3[%mul3A_51, %dma_start3A_52] : memref<5120x128xi32, #tpu.memory_space<hbm>> -> memref<2x128xi32, #tpu.memory_space<hbm>>
      %dma_start3A_54 = arith.constant 0 : i32
      %dma_start3A_55 = tpu.memref_slice %arg3[%mul3A_51, %dma_start3A_54] : memref<5120x128xi32, #tpu.memory_space<hbm>> -> memref<2x128xi32, #tpu.memory_space<hbm>>
      tpu.enqueue_dma source(%dma_start3A_55 : memref<2x128xi32, #tpu.memory_space<hbm>>) target(%arg7 : memref<2x128xi32, #tpu.memory_space<vmem>>) target_semaphore(%arg14 : memref<!tpu.dma_semaphore, #tpu.memory_space<semaphore_mem>>)
    } else {
    }
    %sub3A = arith.constant 0 : i32
    %sub3A_16 = arith.subi %select_n3A, %sub3A : i32
    %sub3A_17 = arith.constant 4 : i32
    %sub3A_18 = arith.constant 1 : i32
    %sub3A_19 = arith.subi %sub3A_17, %sub3A_18 : i32
    %add3A_20 = arith.addi %sub3A_16, %sub3A_19 : i32
    %div3A = arith.constant 4 : i32
    %div3A_21 = arith.divsi %add3A_20, %div3A : i32
    %while3A = arith.constant 4 : i32
    %while3A_22 = arith.constant 0 : i32
    %while3A_23 = arith.constant 0 : i32
    %while3A_24 = arith.subi %div3A_21, %while3A_23 : i32
    %while3A_25 = arith.addi %while3A_23, %while3A_24 : i32
    %while3A_26 = arith.constant 1 : i32
    %while3A_27 = arith.divsi %while3A_24, %while3A_26 : i32
    %while3A_28 = arith.muli %while3A_27, %while3A_26 : i32
    %while3A_29 = arith.addi %while3A_23, %while3A_28 : i32
    %while3A_30 = arith.constant 1 : i32
    scf.for %while3A_41 = %while3A_23 to %while3A_29 step %while3A_30  : i32 {
      %mul3A_42 = arith.muli %while3A_41, %while3A : i32
      %add3A_43 = arith.addi %while3A_22, %mul3A_42 : i32
      %add3A_44 = arith.constant 0 : i32
      %add3A_45 = arith.addi %add3A_43, %add3A_44 : i32
      %gt3A_46 = arith.constant 0 : i32
      %gt3A_47 = arith.cmpi sgt, %add3A_43, %gt3A_46 : i32
      %convert_element_type3A_48 = arith.extui %gt3A_47 : i1 to i32
      %cond3A_49 = arith.constant 0 : i32
      %cond3A_50 = arith.cmpi ne, %convert_element_type3A_48, %cond3A_49 : i32
      scf.if %cond3A_50 {
        %dma_wait3A_215 = arith.constant 1 : i32
        %dma_wait3A_216 = arith.constant 0 : i32
        %dma_wait3A_217 = tpu.memref_slice %arg8[%dma_wait3A_215, %dma_wait3A_216] : memref<2x128xi32, #tpu.memory_space<vmem>> -> memref<1x128xi32, #tpu.memory_space<vmem>>
        %dma_wait3A_218 = tpu.memref_squeeze %dma_wait3A_217 : memref<1x128xi32, #tpu.memory_space<vmem>> -> memref<128xi32, #tpu.memory_space<vmem>>
        %dma_wait3A_219 = arith.constant 0 : i32
        %dma_wait3A_220 = arith.constant 0 : i32
        %dma_wait3A_221 = tpu.memref_slice %arg12[%dma_wait3A_219, %dma_wait3A_220] : memref<10240x128xf32, #tpu.memory_space<vmem_shared>> -> memref<10240x128xf32, #tpu.memory_space<vmem_shared>>
        tpu.wait_indirect_dma semaphore(%arg19 : memref<!tpu.dma_semaphore, #tpu.memory_space<semaphore_mem>>) src(%arg10 : memref<128x128xf32, #tpu.memory_space<vmem>>) dst(%dma_wait3A_221 : memref<10240x128xf32, #tpu.memory_space<vmem_shared>>)
      } else {
      }
      %add3A_51 = arith.constant 2 : i32
      %add3A_52 = arith.addi %add3A_45, %add3A_51 : i32
      %add3A_53 = arith.addi %select_n3A_13, %add3A_52 : i32
      %mul3A_54 = arith.constant 2 : i32
      %mul3A_55 = arith.muli %add3A_53, %mul3A_54 : i32
      %dma_start3A = arith.constant 0 : i32
      %dma_start3A_56 = tpu.memref_slice %arg3[%mul3A_55, %dma_start3A] : memref<5120x128xi32, #tpu.memory_space<hbm>> -> memref<2x128xi32, #tpu.memory_space<hbm>>
      %dma_start3A_57 = arith.constant 0 : i32
      %dma_start3A_58 = tpu.memref_slice %arg3[%mul3A_55, %dma_start3A_57] : memref<5120x128xi32, #tpu.memory_space<hbm>> -> memref<2x128xi32, #tpu.memory_space<hbm>>
      tpu.enqueue_dma source(%dma_start3A_58 : memref<2x128xi32, #tpu.memory_space<hbm>>) target(%arg8 : memref<2x128xi32, #tpu.memory_space<vmem>>) target_semaphore(%arg15 : memref<!tpu.dma_semaphore, #tpu.memory_space<semaphore_mem>>)
      %add3A_59 = arith.addi %select_n3A_13, %add3A_45 : i32
      %mul3A_60 = arith.constant 2 : i32
      %mul3A_61 = arith.muli %add3A_59, %mul3A_60 : i32
      %dma_wait3A = arith.constant 0 : i32
      %dma_wait3A_62 = tpu.memref_slice %arg3[%mul3A_61, %dma_wait3A] : memref<5120x128xi32, #tpu.memory_space<hbm>> -> memref<2x128xi32, #tpu.memory_space<hbm>>
      %dma_wait3A_63 = arith.constant 0 : i32
      %dma_wait3A_64 = tpu.memref_slice %arg3[%mul3A_61, %dma_wait3A_63] : memref<5120x128xi32, #tpu.memory_space<hbm>> -> memref<2x128xi32, #tpu.memory_space<hbm>>
      tpu.wait_dma2 semaphore(%arg13 : memref<!tpu.dma_semaphore, #tpu.memory_space<semaphore_mem>>) src(%dma_wait3A_64 : memref<2x128xi32, #tpu.memory_space<hbm>>) dst(%arg6 : memref<2x128xi32, #tpu.memory_space<vmem>>)
      %dma_start3A_65 = arith.constant 0 : i32
      %dma_start3A_66 = arith.constant 0 : i32
      %dma_start3A_67 = tpu.memref_slice %arg6[%dma_start3A_65, %dma_start3A_66] : memref<2x128xi32, #tpu.memory_space<vmem>> -> memref<1x128xi32, #tpu.memory_space<vmem>>
      %dma_start3A_68 = tpu.memref_squeeze %dma_start3A_67 : memref<1x128xi32, #tpu.memory_space<vmem>> -> memref<128xi32, #tpu.memory_space<vmem>>
      %dma_start3A_69 = arith.constant 0 : i32
      %dma_start3A_70 = arith.constant 0 : i32
      %dma_start3A_71 = tpu.memref_slice %arg2[%dma_start3A_69, %dma_start3A_70] : memref<10000x128xf32, #tpu.memory_space<hbm>> -> memref<10000x128xf32, #tpu.memory_space<hbm>>
      tpu.enqueue_indirect_dma source(%dma_start3A_71 : memref<10000x128xf32, #tpu.memory_space<hbm>>) target(%arg10 : memref<128x128xf32, #tpu.memory_space<vmem>>) offsets(%dma_start3A_68 : memref<128xi32, #tpu.memory_space<vmem>>) semaphore(%arg17 : memref<!tpu.dma_semaphore, #tpu.memory_space<semaphore_mem>>)
      %dma_wait3A_72 = arith.constant 0 : i32
      %dma_wait3A_73 = arith.constant 0 : i32
      %dma_wait3A_74 = tpu.memref_slice %arg6[%dma_wait3A_72, %dma_wait3A_73] : memref<2x128xi32, #tpu.memory_space<vmem>> -> memref<1x128xi32, #tpu.memory_space<vmem>>
      %dma_wait3A_75 = tpu.memref_squeeze %dma_wait3A_74 : memref<1x128xi32, #tpu.memory_space<vmem>> -> memref<128xi32, #tpu.memory_space<vmem>>
      %dma_wait3A_76 = arith.constant 0 : i32
      %dma_wait3A_77 = arith.constant 0 : i32
      %dma_wait3A_78 = tpu.memref_slice %arg2[%dma_wait3A_76, %dma_wait3A_77] : memref<10000x128xf32, #tpu.memory_space<hbm>> -> memref<10000x128xf32, #tpu.memory_space<hbm>>
      tpu.wait_indirect_dma semaphore(%arg17 : memref<!tpu.dma_semaphore, #tpu.memory_space<semaphore_mem>>) src(%dma_wait3A_78 : memref<10000x128xf32, #tpu.memory_space<hbm>>) dst(%arg10 : memref<128x128xf32, #tpu.memory_space<vmem>>)
      %dma_start3A_79 = arith.constant 1 : i32
      %dma_start3A_80 = arith.constant 0 : i32
      %dma_start3A_81 = tpu.memref_slice %arg6[%dma_start3A_79, %dma_start3A_80] : memref<2x128xi32, #tpu.memory_space<vmem>> -> memref<1x128xi32, #tpu.memory_space<vmem>>
      %dma_start3A_82 = tpu.memref_squeeze %dma_start3A_81 : memref<1x128xi32, #tpu.memory_space<vmem>> -> memref<128xi32, #tpu.memory_space<vmem>>
      %dma_start3A_83 = arith.constant 0 : i32
      %dma_start3A_84 = arith.constant 0 : i32
      %dma_start3A_85 = tpu.memref_slice %arg12[%dma_start3A_83, %dma_start3A_84] : memref<10240x128xf32, #tpu.memory_space<vmem_shared>> -> memref<10240x128xf32, #tpu.memory_space<vmem_shared>>
      tpu.enqueue_indirect_dma source(%arg10 : memref<128x128xf32, #tpu.memory_space<vmem>>) target(%dma_start3A_85 : memref<10240x128xf32, #tpu.memory_space<vmem_shared>>) offsets(%dma_start3A_82 : memref<128xi32, #tpu.memory_space<vmem>>) semaphore(%arg19 : memref<!tpu.dma_semaphore, #tpu.memory_space<semaphore_mem>>) {add = true}
      %add3A_86 = arith.constant 1 : i32
      %add3A_87 = arith.addi %add3A_43, %add3A_86 : i32
      %gt3A_88 = arith.constant 0 : i32
      %gt3A_89 = arith.cmpi sgt, %add3A_43, %gt3A_88 : i32
      %convert_element_type3A_90 = arith.extui %gt3A_89 : i1 to i32
      %cond3A_91 = arith.constant 0 : i32
      %cond3A_92 = arith.cmpi ne, %convert_element_type3A_90, %cond3A_91 : i32
      scf.if %cond3A_92 {
        %dma_wait3A_215 = arith.constant 1 : i32
        %dma_wait3A_216 = arith.constant 0 : i32
        %dma_wait3A_217 = tpu.memref_slice %arg9[%dma_wait3A_215, %dma_wait3A_216] : memref<2x128xi32, #tpu.memory_space<vmem>> -> memref<1x128xi32, #tpu.memory_space<vmem>>
        %dma_wait3A_218 = tpu.memref_squeeze %dma_wait3A_217 : memref<1x128xi32, #tpu.memory_space<vmem>> -> memref<128xi32, #tpu.memory_space<vmem>>
        %dma_wait3A_219 = arith.constant 0 : i32
        %dma_wait3A_220 = arith.constant 0 : i32
        %dma_wait3A_221 = tpu.memref_slice %arg12[%dma_wait3A_219, %dma_wait3A_220] : memref<10240x128xf32, #tpu.memory_space<vmem_shared>> -> memref<10240x128xf32, #tpu.memory_space<vmem_shared>>
        tpu.wait_indirect_dma semaphore(%arg20 : memref<!tpu.dma_semaphore, #tpu.memory_space<semaphore_mem>>) src(%arg11 : memref<128x128xf32, #tpu.memory_space<vmem>>) dst(%dma_wait3A_221 : memref<10240x128xf32, #tpu.memory_space<vmem_shared>>)
      } else {
      }
      %add3A_93 = arith.constant 2 : i32
      %add3A_94 = arith.addi %add3A_87, %add3A_93 : i32
      %add3A_95 = arith.addi %select_n3A_13, %add3A_94 : i32
      %mul3A_96 = arith.constant 2 : i32
      %mul3A_97 = arith.muli %add3A_95, %mul3A_96 : i32
      %dma_start3A_98 = arith.constant 0 : i32
      %dma_start3A_99 = tpu.memref_slice %arg3[%mul3A_97, %dma_start3A_98] : memref<5120x128xi32, #tpu.memory_space<hbm>> -> memref<2x128xi32, #tpu.memory_space<hbm>>
      %dma_start3A_100 = arith.constant 0 : i32
      %dma_start3A_101 = tpu.memref_slice %arg3[%mul3A_97, %dma_start3A_100] : memref<5120x128xi32, #tpu.memory_space<hbm>> -> memref<2x128xi32, #tpu.memory_space<hbm>>
      tpu.enqueue_dma source(%dma_start3A_101 : memref<2x128xi32, #tpu.memory_space<hbm>>) target(%arg9 : memref<2x128xi32, #tpu.memory_space<vmem>>) target_semaphore(%arg16 : memref<!tpu.dma_semaphore, #tpu.memory_space<semaphore_mem>>)
      %add3A_102 = arith.addi %select_n3A_13, %add3A_87 : i32
      %mul3A_103 = arith.constant 2 : i32
      %mul3A_104 = arith.muli %add3A_102, %mul3A_103 : i32
      %dma_wait3A_105 = arith.constant 0 : i32
      %dma_wait3A_106 = tpu.memref_slice %arg3[%mul3A_104, %dma_wait3A_105] : memref<5120x128xi32, #tpu.memory_space<hbm>> -> memref<2x128xi32, #tpu.memory_space<hbm>>
      %dma_wait3A_107 = arith.constant 0 : i32
      %dma_wait3A_108 = tpu.memref_slice %arg3[%mul3A_104, %dma_wait3A_107] : memref<5120x128xi32, #tpu.memory_space<hbm>> -> memref<2x128xi32, #tpu.memory_space<hbm>>
      tpu.wait_dma2 semaphore(%arg14 : memref<!tpu.dma_semaphore, #tpu.memory_space<semaphore_mem>>) src(%dma_wait3A_108 : memref<2x128xi32, #tpu.memory_space<hbm>>) dst(%arg7 : memref<2x128xi32, #tpu.memory_space<vmem>>)
      %dma_start3A_109 = arith.constant 0 : i32
      %dma_start3A_110 = arith.constant 0 : i32
      %dma_start3A_111 = tpu.memref_slice %arg7[%dma_start3A_109, %dma_start3A_110] : memref<2x128xi32, #tpu.memory_space<vmem>> -> memref<1x128xi32, #tpu.memory_space<vmem>>
      %dma_start3A_112 = tpu.memref_squeeze %dma_start3A_111 : memref<1x128xi32, #tpu.memory_space<vmem>> -> memref<128xi32, #tpu.memory_space<vmem>>
      %dma_start3A_113 = arith.constant 0 : i32
      %dma_start3A_114 = arith.constant 0 : i32
      %dma_start3A_115 = tpu.memref_slice %arg2[%dma_start3A_113, %dma_start3A_114] : memref<10000x128xf32, #tpu.memory_space<hbm>> -> memref<10000x128xf32, #tpu.memory_space<hbm>>
      tpu.enqueue_indirect_dma source(%dma_start3A_115 : memref<10000x128xf32, #tpu.memory_space<hbm>>) target(%arg11 : memref<128x128xf32, #tpu.memory_space<vmem>>) offsets(%dma_start3A_112 : memref<128xi32, #tpu.memory_space<vmem>>) semaphore(%arg18 : memref<!tpu.dma_semaphore, #tpu.memory_space<semaphore_mem>>)
      %dma_wait3A_116 = arith.constant 0 : i32
      %dma_wait3A_117 = arith.constant 0 : i32
      %dma_wait3A_118 = tpu.memref_slice %arg7[%dma_wait3A_116, %dma_wait3A_117] : memref<2x128xi32, #tpu.memory_space<vmem>> -> memref<1x128xi32, #tpu.memory_space<vmem>>
      %dma_wait3A_119 = tpu.memref_squeeze %dma_wait3A_118 : memref<1x128xi32, #tpu.memory_space<vmem>> -> memref<128xi32, #tpu.memory_space<vmem>>
      %dma_wait3A_120 = arith.constant 0 : i32
      %dma_wait3A_121 = arith.constant 0 : i32
      %dma_wait3A_122 = tpu.memref_slice %arg2[%dma_wait3A_120, %dma_wait3A_121] : memref<10000x128xf32, #tpu.memory_space<hbm>> -> memref<10000x128xf32, #tpu.memory_space<hbm>>
      tpu.wait_indirect_dma semaphore(%arg18 : memref<!tpu.dma_semaphore, #tpu.memory_space<semaphore_mem>>) src(%dma_wait3A_122 : memref<10000x128xf32, #tpu.memory_space<hbm>>) dst(%arg11 : memref<128x128xf32, #tpu.memory_space<vmem>>)
      %dma_start3A_123 = arith.constant 1 : i32
      %dma_start3A_124 = arith.constant 0 : i32
      %dma_start3A_125 = tpu.memref_slice %arg7[%dma_start3A_123, %dma_start3A_124] : memref<2x128xi32, #tpu.memory_space<vmem>> -> memref<1x128xi32, #tpu.memory_space<vmem>>
      %dma_start3A_126 = tpu.memref_squeeze %dma_start3A_125 : memref<1x128xi32, #tpu.memory_space<vmem>> -> memref<128xi32, #tpu.memory_space<vmem>>
      %dma_start3A_127 = arith.constant 0 : i32
      %dma_start3A_128 = arith.constant 0 : i32
      %dma_start3A_129 = tpu.memref_slice %arg12[%dma_start3A_127, %dma_start3A_128] : memref<10240x128xf32, #tpu.memory_space<vmem_shared>> -> memref<10240x128xf32, #tpu.memory_space<vmem_shared>>
      tpu.enqueue_indirect_dma source(%arg11 : memref<128x128xf32, #tpu.memory_space<vmem>>) target(%dma_start3A_129 : memref<10240x128xf32, #tpu.memory_space<vmem_shared>>) offsets(%dma_start3A_126 : memref<128xi32, #tpu.memory_space<vmem>>) semaphore(%arg20 : memref<!tpu.dma_semaphore, #tpu.memory_space<semaphore_mem>>) {add = true}
      %add3A_130 = arith.constant 2 : i32
      %add3A_131 = arith.addi %add3A_43, %add3A_130 : i32
      %dma_wait3A_132 = arith.constant 1 : i32
      %dma_wait3A_133 = arith.constant 0 : i32
      %dma_wait3A_134 = tpu.memref_slice %arg6[%dma_wait3A_132, %dma_wait3A_133] : memref<2x128xi32, #tpu.memory_space<vmem>> -> memref<1x128xi32, #tpu.memory_space<vmem>>
      %dma_wait3A_135 = tpu.memref_squeeze %dma_wait3A_134 : memref<1x128xi32, #tpu.memory_space<vmem>> -> memref<128xi32, #tpu.memory_space<vmem>>
      %dma_wait3A_136 = arith.constant 0 : i32
      %dma_wait3A_137 = arith.constant 0 : i32
      %dma_wait3A_138 = tpu.memref_slice %arg12[%dma_wait3A_136, %dma_wait3A_137] : memref<10240x128xf32, #tpu.memory_space<vmem_shared>> -> memref<10240x128xf32, #tpu.memory_space<vmem_shared>>
      tpu.wait_indirect_dma semaphore(%arg19 : memref<!tpu.dma_semaphore, #tpu.memory_space<semaphore_mem>>) src(%arg10 : memref<128x128xf32, #tpu.memory_space<vmem>>) dst(%dma_wait3A_138 : memref<10240x128xf32, #tpu.memory_space<vmem_shared>>)
      %add3A_139 = arith.constant 2 : i32
      %add3A_140 = arith.addi %add3A_131, %add3A_139 : i32
      %lt3A = arith.cmpi slt, %add3A_140, %select_n3A : i32
      %convert_element_type3A_141 = arith.extui %lt3A : i1 to i32
      %cond3A_142 = arith.constant 0 : i32
      %cond3A_143 = arith.cmpi ne, %convert_element_type3A_141, %cond3A_142 : i32
      scf.if %cond3A_143 {
        %add3A_215 = arith.constant 2 : i32
        %add3A_216 = arith.addi %add3A_131, %add3A_215 : i32
        %add3A_217 = arith.addi %select_n3A_13, %add3A_216 : i32
        %mul3A_218 = arith.constant 2 : i32
        %mul3A_219 = arith.muli %add3A_217, %mul3A_218 : i32
        %dma_start3A_220 = arith.constant 0 : i32
        %dma_start3A_221 = tpu.memref_slice %arg3[%mul3A_219, %dma_start3A_220] : memref<5120x128xi32, #tpu.memory_space<hbm>> -> memref<2x128xi32, #tpu.memory_space<hbm>>
        %dma_start3A_222 = arith.constant 0 : i32
        %dma_start3A_223 = tpu.memref_slice %arg3[%mul3A_219, %dma_start3A_222] : memref<5120x128xi32, #tpu.memory_space<hbm>> -> memref<2x128xi32, #tpu.memory_space<hbm>>
        tpu.enqueue_dma source(%dma_start3A_223 : memref<2x128xi32, #tpu.memory_space<hbm>>) target(%arg6 : memref<2x128xi32, #tpu.memory_space<vmem>>) target_semaphore(%arg13 : memref<!tpu.dma_semaphore, #tpu.memory_space<semaphore_mem>>)
      } else {
      }
      %add3A_144 = arith.addi %select_n3A_13, %add3A_131 : i32
      %mul3A_145 = arith.constant 2 : i32
      %mul3A_146 = arith.muli %add3A_144, %mul3A_145 : i32
      %dma_wait3A_147 = arith.constant 0 : i32
      %dma_wait3A_148 = tpu.memref_slice %arg3[%mul3A_146, %dma_wait3A_147] : memref<5120x128xi32, #tpu.memory_space<hbm>> -> memref<2x128xi32, #tpu.memory_space<hbm>>
      %dma_wait3A_149 = arith.constant 0 : i32
      %dma_wait3A_150 = tpu.memref_slice %arg3[%mul3A_146, %dma_wait3A_149] : memref<5120x128xi32, #tpu.memory_space<hbm>> -> memref<2x128xi32, #tpu.memory_space<hbm>>
      tpu.wait_dma2 semaphore(%arg15 : memref<!tpu.dma_semaphore, #tpu.memory_space<semaphore_mem>>) src(%dma_wait3A_150 : memref<2x128xi32, #tpu.memory_space<hbm>>) dst(%arg8 : memref<2x128xi32, #tpu.memory_space<vmem>>)
      %dma_start3A_151 = arith.constant 0 : i32
      %dma_start3A_152 = arith.constant 0 : i32
      %dma_start3A_153 = tpu.memref_slice %arg8[%dma_start3A_151, %dma_start3A_152] : memref<2x128xi32, #tpu.memory_space<vmem>> -> memref<1x128xi32, #tpu.memory_space<vmem>>
      %dma_start3A_154 = tpu.memref_squeeze %dma_start3A_153 : memref<1x128xi32, #tpu.memory_space<vmem>> -> memref<128xi32, #tpu.memory_space<vmem>>
      %dma_start3A_155 = arith.constant 0 : i32
      %dma_start3A_156 = arith.constant 0 : i32
      %dma_start3A_157 = tpu.memref_slice %arg2[%dma_start3A_155, %dma_start3A_156] : memref<10000x128xf32, #tpu.memory_space<hbm>> -> memref<10000x128xf32, #tpu.memory_space<hbm>>
      tpu.enqueue_indirect_dma source(%dma_start3A_157 : memref<10000x128xf32, #tpu.memory_space<hbm>>) target(%arg10 : memref<128x128xf32, #tpu.memory_space<vmem>>) offsets(%dma_start3A_154 : memref<128xi32, #tpu.memory_space<vmem>>) semaphore(%arg17 : memref<!tpu.dma_semaphore, #tpu.memory_space<semaphore_mem>>)
      %dma_wait3A_158 = arith.constant 0 : i32
      %dma_wait3A_159 = arith.constant 0 : i32
      %dma_wait3A_160 = tpu.memref_slice %arg8[%dma_wait3A_158, %dma_wait3A_159] : memref<2x128xi32, #tpu.memory_space<vmem>> -> memref<1x128xi32, #tpu.memory_space<vmem>>
      %dma_wait3A_161 = tpu.memref_squeeze %dma_wait3A_160 : memref<1x128xi32, #tpu.memory_space<vmem>> -> memref<128xi32, #tpu.memory_space<vmem>>
      %dma_wait3A_162 = arith.constant 0 : i32
      %dma_wait3A_163 = arith.constant 0 : i32
      %dma_wait3A_164 = tpu.memref_slice %arg2[%dma_wait3A_162, %dma_wait3A_163] : memref<10000x128xf32, #tpu.memory_space<hbm>> -> memref<10000x128xf32, #tpu.memory_space<hbm>>
      tpu.wait_indirect_dma semaphore(%arg17 : memref<!tpu.dma_semaphore, #tpu.memory_space<semaphore_mem>>) src(%dma_wait3A_164 : memref<10000x128xf32, #tpu.memory_space<hbm>>) dst(%arg10 : memref<128x128xf32, #tpu.memory_space<vmem>>)
      %dma_start3A_165 = arith.constant 1 : i32
      %dma_start3A_166 = arith.constant 0 : i32
      %dma_start3A_167 = tpu.memref_slice %arg8[%dma_start3A_165, %dma_start3A_166] : memref<2x128xi32, #tpu.memory_space<vmem>> -> memref<1x128xi32, #tpu.memory_space<vmem>>
      %dma_start3A_168 = tpu.memref_squeeze %dma_start3A_167 : memref<1x128xi32, #tpu.memory_space<vmem>> -> memref<128xi32, #tpu.memory_space<vmem>>
      %dma_start3A_169 = arith.constant 0 : i32
      %dma_start3A_170 = arith.constant 0 : i32
      %dma_start3A_171 = tpu.memref_slice %arg12[%dma_start3A_169, %dma_start3A_170] : memref<10240x128xf32, #tpu.memory_space<vmem_shared>> -> memref<10240x128xf32, #tpu.memory_space<vmem_shared>>
      tpu.enqueue_indirect_dma source(%arg10 : memref<128x128xf32, #tpu.memory_space<vmem>>) target(%dma_start3A_171 : memref<10240x128xf32, #tpu.memory_space<vmem_shared>>) offsets(%dma_start3A_168 : memref<128xi32, #tpu.memory_space<vmem>>) semaphore(%arg19 : memref<!tpu.dma_semaphore, #tpu.memory_space<semaphore_mem>>) {add = true}
      %add3A_172 = arith.constant 3 : i32
      %add3A_173 = arith.addi %add3A_43, %add3A_172 : i32
      %dma_wait3A_174 = arith.constant 1 : i32
      %dma_wait3A_175 = arith.constant 0 : i32
      %dma_wait3A_176 = tpu.memref_slice %arg7[%dma_wait3A_174, %dma_wait3A_175] : memref<2x128xi32, #tpu.memory_space<vmem>> -> memref<1x128xi32, #tpu.memory_space<vmem>>
      %dma_wait3A_177 = tpu.memref_squeeze %dma_wait3A_176 : memref<1x128xi32, #tpu.memory_space<vmem>> -> memref<128xi32, #tpu.memory_space<vmem>>
      %dma_wait3A_178 = arith.constant 0 : i32
      %dma_wait3A_179 = arith.constant 0 : i32
      %dma_wait3A_180 = tpu.memref_slice %arg12[%dma_wait3A_178, %dma_wait3A_179] : memref<10240x128xf32, #tpu.memory_space<vmem_shared>> -> memref<10240x128xf32, #tpu.memory_space<vmem_shared>>
      tpu.wait_indirect_dma semaphore(%arg20 : memref<!tpu.dma_semaphore, #tpu.memory_space<semaphore_mem>>) src(%arg11 : memref<128x128xf32, #tpu.memory_space<vmem>>) dst(%dma_wait3A_180 : memref<10240x128xf32, #tpu.memory_space<vmem_shared>>)
      %add3A_181 = arith.constant 2 : i32
      %add3A_182 = arith.addi %add3A_173, %add3A_181 : i32
      %lt3A_183 = arith.cmpi slt, %add3A_182, %select_n3A : i32
      %convert_element_type3A_184 = arith.extui %lt3A_183 : i1 to i32
      %cond3A_185 = arith.constant 0 : i32
      %cond3A_186 = arith.cmpi ne, %convert_element_type3A_184, %cond3A_185 : i32
      scf.if %cond3A_186 {
        %add3A_215 = arith.constant 2 : i32
        %add3A_216 = arith.addi %add3A_173, %add3A_215 : i32
        %add3A_217 = arith.addi %select_n3A_13, %add3A_216 : i32
        %mul3A_218 = arith.constant 2 : i32
        %mul3A_219 = arith.muli %add3A_217, %mul3A_218 : i32
        %dma_start3A_220 = arith.constant 0 : i32
        %dma_start3A_221 = tpu.memref_slice %arg3[%mul3A_219, %dma_start3A_220] : memref<5120x128xi32, #tpu.memory_space<hbm>> -> memref<2x128xi32, #tpu.memory_space<hbm>>
        %dma_start3A_222 = arith.constant 0 : i32
        %dma_start3A_223 = tpu.memref_slice %arg3[%mul3A_219, %dma_start3A_222] : memref<5120x128xi32, #tpu.memory_space<hbm>> -> memref<2x128xi32, #tpu.memory_space<hbm>>
        tpu.enqueue_dma source(%dma_start3A_223 : memref<2x128xi32, #tpu.memory_space<hbm>>) target(%arg7 : memref<2x128xi32, #tpu.memory_space<vmem>>) target_semaphore(%arg14 : memref<!tpu.dma_semaphore, #tpu.memory_space<semaphore_mem>>)
      } else {
      }
      %add3A_187 = arith.addi %select_n3A_13, %add3A_173 : i32
      %mul3A_188 = arith.constant 2 : i32
      %mul3A_189 = arith.muli %add3A_187, %mul3A_188 : i32
      %dma_wait3A_190 = arith.constant 0 : i32
      %dma_wait3A_191 = tpu.memref_slice %arg3[%mul3A_189, %dma_wait3A_190] : memref<5120x128xi32, #tpu.memory_space<hbm>> -> memref<2x128xi32, #tpu.memory_space<hbm>>
      %dma_wait3A_192 = arith.constant 0 : i32
      %dma_wait3A_193 = tpu.memref_slice %arg3[%mul3A_189, %dma_wait3A_192] : memref<5120x128xi32, #tpu.memory_space<hbm>> -> memref<2x128xi32, #tpu.memory_space<hbm>>
      tpu.wait_dma2 semaphore(%arg16 : memref<!tpu.dma_semaphore, #tpu.memory_space<semaphore_mem>>) src(%dma_wait3A_193 : memref<2x128xi32, #tpu.memory_space<hbm>>) dst(%arg9 : memref<2x128xi32, #tpu.memory_space<vmem>>)
      %dma_start3A_194 = arith.constant 0 : i32
      %dma_start3A_195 = arith.constant 0 : i32
      %dma_start3A_196 = tpu.memref_slice %arg9[%dma_start3A_194, %dma_start3A_195] : memref<2x128xi32, #tpu.memory_space<vmem>> -> memref<1x128xi32, #tpu.memory_space<vmem>>
      %dma_start3A_197 = tpu.memref_squeeze %dma_start3A_196 : memref<1x128xi32, #tpu.memory_space<vmem>> -> memref<128xi32, #tpu.memory_space<vmem>>
      %dma_start3A_198 = arith.constant 0 : i32
      %dma_start3A_199 = arith.constant 0 : i32
      %dma_start3A_200 = tpu.memref_slice %arg2[%dma_start3A_198, %dma_start3A_199] : memref<10000x128xf32, #tpu.memory_space<hbm>> -> memref<10000x128xf32, #tpu.memory_space<hbm>>
      tpu.enqueue_indirect_dma source(%dma_start3A_200 : memref<10000x128xf32, #tpu.memory_space<hbm>>) target(%arg11 : memref<128x128xf32, #tpu.memory_space<vmem>>) offsets(%dma_start3A_197 : memref<128xi32, #tpu.memory_space<vmem>>) semaphore(%arg18 : memref<!tpu.dma_semaphore, #tpu.memory_space<semaphore_mem>>)
      %dma_wait3A_201 = arith.constant 0 : i32
      %dma_wait3A_202 = arith.constant 0 : i32
      %dma_wait3A_203 = tpu.memref_slice %arg9[%dma_wait3A_201, %dma_wait3A_202] : memref<2x128xi32, #tpu.memory_space<vmem>> -> memref<1x128xi32, #tpu.memory_space<vmem>>
      %dma_wait3A_204 = tpu.memref_squeeze %dma_wait3A_203 : memref<1x128xi32, #tpu.memory_space<vmem>> -> memref<128xi32, #tpu.memory_space<vmem>>
      %dma_wait3A_205 = arith.constant 0 : i32
      %dma_wait3A_206 = arith.constant 0 : i32
      %dma_wait3A_207 = tpu.memref_slice %arg2[%dma_wait3A_205, %dma_wait3A_206] : memref<10000x128xf32, #tpu.memory_space<hbm>> -> memref<10000x128xf32, #tpu.memory_space<hbm>>
      tpu.wait_indirect_dma semaphore(%arg18 : memref<!tpu.dma_semaphore, #tpu.memory_space<semaphore_mem>>) src(%dma_wait3A_207 : memref<10000x128xf32, #tpu.memory_space<hbm>>) dst(%arg11 : memref<128x128xf32, #tpu.memory_space<vmem>>)
      %dma_start3A_208 = arith.constant 1 : i32
      %dma_start3A_209 = arith.constant 0 : i32
      %dma_start3A_210 = tpu.memref_slice %arg9[%dma_start3A_208, %dma_start3A_209] : memref<2x128xi32, #tpu.memory_space<vmem>> -> memref<1x128xi32, #tpu.memory_space<vmem>>
      %dma_start3A_211 = tpu.memref_squeeze %dma_start3A_210 : memref<1x128xi32, #tpu.memory_space<vmem>> -> memref<128xi32, #tpu.memory_space<vmem>>
      %dma_start3A_212 = arith.constant 0 : i32
      %dma_start3A_213 = arith.constant 0 : i32
      %dma_start3A_214 = tpu.memref_slice %arg12[%dma_start3A_212, %dma_start3A_213] : memref<10240x128xf32, #tpu.memory_space<vmem_shared>> -> memref<10240x128xf32, #tpu.memory_space<vmem_shared>>
      tpu.enqueue_indirect_dma source(%arg11 : memref<128x128xf32, #tpu.memory_space<vmem>>) target(%dma_start3A_214 : memref<10240x128xf32, #tpu.memory_space<vmem_shared>>) offsets(%dma_start3A_211 : memref<128xi32, #tpu.memory_space<vmem>>) semaphore(%arg20 : memref<!tpu.dma_semaphore, #tpu.memory_space<semaphore_mem>>) {add = true}
    }
    %while3A_31 = arith.constant 1 : i32
    scf.for %while3A_41 = %while3A_29 to %while3A_25 step %while3A_31  : i32 {
      %mul3A_42 = arith.muli %while3A_41, %while3A : i32
      %add3A_43 = arith.addi %while3A_22, %mul3A_42 : i32
      %add3A_44 = arith.constant 0 : i32
      %add3A_45 = arith.addi %add3A_43, %add3A_44 : i32
      %gt3A_46 = arith.constant 0 : i32
      %gt3A_47 = arith.cmpi sgt, %add3A_43, %gt3A_46 : i32
      %convert_element_type3A_48 = arith.extui %gt3A_47 : i1 to i32
      %cond3A_49 = arith.constant 0 : i32
      %cond3A_50 = arith.cmpi ne, %convert_element_type3A_48, %cond3A_49 : i32
      scf.if %cond3A_50 {
        %dma_wait3A_215 = arith.constant 1 : i32
        %dma_wait3A_216 = arith.constant 0 : i32
        %dma_wait3A_217 = tpu.memref_slice %arg8[%dma_wait3A_215, %dma_wait3A_216] : memref<2x128xi32, #tpu.memory_space<vmem>> -> memref<1x128xi32, #tpu.memory_space<vmem>>
        %dma_wait3A_218 = tpu.memref_squeeze %dma_wait3A_217 : memref<1x128xi32, #tpu.memory_space<vmem>> -> memref<128xi32, #tpu.memory_space<vmem>>
        %dma_wait3A_219 = arith.constant 0 : i32
        %dma_wait3A_220 = arith.constant 0 : i32
        %dma_wait3A_221 = tpu.memref_slice %arg12[%dma_wait3A_219, %dma_wait3A_220] : memref<10240x128xf32, #tpu.memory_space<vmem_shared>> -> memref<10240x128xf32, #tpu.memory_space<vmem_shared>>
        tpu.wait_indirect_dma semaphore(%arg19 : memref<!tpu.dma_semaphore, #tpu.memory_space<semaphore_mem>>) src(%arg10 : memref<128x128xf32, #tpu.memory_space<vmem>>) dst(%dma_wait3A_221 : memref<10240x128xf32, #tpu.memory_space<vmem_shared>>)
      } else {
      }
      %add3A_51 = arith.constant 2 : i32
      %add3A_52 = arith.addi %add3A_45, %add3A_51 : i32
      %add3A_53 = arith.addi %select_n3A_13, %add3A_52 : i32
      %mul3A_54 = arith.constant 2 : i32
      %mul3A_55 = arith.muli %add3A_53, %mul3A_54 : i32
      %dma_start3A = arith.constant 0 : i32
      %dma_start3A_56 = tpu.memref_slice %arg3[%mul3A_55, %dma_start3A] : memref<5120x128xi32, #tpu.memory_space<hbm>> -> memref<2x128xi32, #tpu.memory_space<hbm>>
      %dma_start3A_57 = arith.constant 0 : i32
      %dma_start3A_58 = tpu.memref_slice %arg3[%mul3A_55, %dma_start3A_57] : memref<5120x128xi32, #tpu.memory_space<hbm>> -> memref<2x128xi32, #tpu.memory_space<hbm>>
      tpu.enqueue_dma source(%dma_start3A_58 : memref<2x128xi32, #tpu.memory_space<hbm>>) target(%arg8 : memref<2x128xi32, #tpu.memory_space<vmem>>) target_semaphore(%arg15 : memref<!tpu.dma_semaphore, #tpu.memory_space<semaphore_mem>>)
      %add3A_59 = arith.addi %select_n3A_13, %add3A_45 : i32
      %mul3A_60 = arith.constant 2 : i32
      %mul3A_61 = arith.muli %add3A_59, %mul3A_60 : i32
      %dma_wait3A = arith.constant 0 : i32
      %dma_wait3A_62 = tpu.memref_slice %arg3[%mul3A_61, %dma_wait3A] : memref<5120x128xi32, #tpu.memory_space<hbm>> -> memref<2x128xi32, #tpu.memory_space<hbm>>
      %dma_wait3A_63 = arith.constant 0 : i32
      %dma_wait3A_64 = tpu.memref_slice %arg3[%mul3A_61, %dma_wait3A_63] : memref<5120x128xi32, #tpu.memory_space<hbm>> -> memref<2x128xi32, #tpu.memory_space<hbm>>
      tpu.wait_dma2 semaphore(%arg13 : memref<!tpu.dma_semaphore, #tpu.memory_space<semaphore_mem>>) src(%dma_wait3A_64 : memref<2x128xi32, #tpu.memory_space<hbm>>) dst(%arg6 : memref<2x128xi32, #tpu.memory_space<vmem>>)
      %dma_start3A_65 = arith.constant 0 : i32
      %dma_start3A_66 = arith.constant 0 : i32
      %dma_start3A_67 = tpu.memref_slice %arg6[%dma_start3A_65, %dma_start3A_66] : memref<2x128xi32, #tpu.memory_space<vmem>> -> memref<1x128xi32, #tpu.memory_space<vmem>>
      %dma_start3A_68 = tpu.memref_squeeze %dma_start3A_67 : memref<1x128xi32, #tpu.memory_space<vmem>> -> memref<128xi32, #tpu.memory_space<vmem>>
      %dma_start3A_69 = arith.constant 0 : i32
      %dma_start3A_70 = arith.constant 0 : i32
      %dma_start3A_71 = tpu.memref_slice %arg2[%dma_start3A_69, %dma_start3A_70] : memref<10000x128xf32, #tpu.memory_space<hbm>> -> memref<10000x128xf32, #tpu.memory_space<hbm>>
      tpu.enqueue_indirect_dma source(%dma_start3A_71 : memref<10000x128xf32, #tpu.memory_space<hbm>>) target(%arg10 : memref<128x128xf32, #tpu.memory_space<vmem>>) offsets(%dma_start3A_68 : memref<128xi32, #tpu.memory_space<vmem>>) semaphore(%arg17 : memref<!tpu.dma_semaphore, #tpu.memory_space<semaphore_mem>>)
      %dma_wait3A_72 = arith.constant 0 : i32
      %dma_wait3A_73 = arith.constant 0 : i32
      %dma_wait3A_74 = tpu.memref_slice %arg6[%dma_wait3A_72, %dma_wait3A_73] : memref<2x128xi32, #tpu.memory_space<vmem>> -> memref<1x128xi32, #tpu.memory_space<vmem>>
      %dma_wait3A_75 = tpu.memref_squeeze %dma_wait3A_74 : memref<1x128xi32, #tpu.memory_space<vmem>> -> memref<128xi32, #tpu.memory_space<vmem>>
      %dma_wait3A_76 = arith.constant 0 : i32
      %dma_wait3A_77 = arith.constant 0 : i32
      %dma_wait3A_78 = tpu.memref_slice %arg2[%dma_wait3A_76, %dma_wait3A_77] : memref<10000x128xf32, #tpu.memory_space<hbm>> -> memref<10000x128xf32, #tpu.memory_space<hbm>>
      tpu.wait_indirect_dma semaphore(%arg17 : memref<!tpu.dma_semaphore, #tpu.memory_space<semaphore_mem>>) src(%dma_wait3A_78 : memref<10000x128xf32, #tpu.memory_space<hbm>>) dst(%arg10 : memref<128x128xf32, #tpu.memory_space<vmem>>)
      %dma_start3A_79 = arith.constant 1 : i32
      %dma_start3A_80 = arith.constant 0 : i32
      %dma_start3A_81 = tpu.memref_slice %arg6[%dma_start3A_79, %dma_start3A_80] : memref<2x128xi32, #tpu.memory_space<vmem>> -> memref<1x128xi32, #tpu.memory_space<vmem>>
      %dma_start3A_82 = tpu.memref_squeeze %dma_start3A_81 : memref<1x128xi32, #tpu.memory_space<vmem>> -> memref<128xi32, #tpu.memory_space<vmem>>
      %dma_start3A_83 = arith.constant 0 : i32
      %dma_start3A_84 = arith.constant 0 : i32
      %dma_start3A_85 = tpu.memref_slice %arg12[%dma_start3A_83, %dma_start3A_84] : memref<10240x128xf32, #tpu.memory_space<vmem_shared>> -> memref<10240x128xf32, #tpu.memory_space<vmem_shared>>
      tpu.enqueue_indirect_dma source(%arg10 : memref<128x128xf32, #tpu.memory_space<vmem>>) target(%dma_start3A_85 : memref<10240x128xf32, #tpu.memory_space<vmem_shared>>) offsets(%dma_start3A_82 : memref<128xi32, #tpu.memory_space<vmem>>) semaphore(%arg19 : memref<!tpu.dma_semaphore, #tpu.memory_space<semaphore_mem>>) {add = true}
      %add3A_86 = arith.constant 1 : i32
      %add3A_87 = arith.addi %add3A_43, %add3A_86 : i32
      %gt3A_88 = arith.constant 0 : i32
      %gt3A_89 = arith.cmpi sgt, %add3A_43, %gt3A_88 : i32
      %convert_element_type3A_90 = arith.extui %gt3A_89 : i1 to i32
      %cond3A_91 = arith.constant 0 : i32
      %cond3A_92 = arith.cmpi ne, %convert_element_type3A_90, %cond3A_91 : i32
      scf.if %cond3A_92 {
        %dma_wait3A_215 = arith.constant 1 : i32
        %dma_wait3A_216 = arith.constant 0 : i32
        %dma_wait3A_217 = tpu.memref_slice %arg9[%dma_wait3A_215, %dma_wait3A_216] : memref<2x128xi32, #tpu.memory_space<vmem>> -> memref<1x128xi32, #tpu.memory_space<vmem>>
        %dma_wait3A_218 = tpu.memref_squeeze %dma_wait3A_217 : memref<1x128xi32, #tpu.memory_space<vmem>> -> memref<128xi32, #tpu.memory_space<vmem>>
        %dma_wait3A_219 = arith.constant 0 : i32
        %dma_wait3A_220 = arith.constant 0 : i32
        %dma_wait3A_221 = tpu.memref_slice %arg12[%dma_wait3A_219, %dma_wait3A_220] : memref<10240x128xf32, #tpu.memory_space<vmem_shared>> -> memref<10240x128xf32, #tpu.memory_space<vmem_shared>>
        tpu.wait_indirect_dma semaphore(%arg20 : memref<!tpu.dma_semaphore, #tpu.memory_space<semaphore_mem>>) src(%arg11 : memref<128x128xf32, #tpu.memory_space<vmem>>) dst(%dma_wait3A_221 : memref<10240x128xf32, #tpu.memory_space<vmem_shared>>)
      } else {
      }
      %add3A_93 = arith.constant 2 : i32
      %add3A_94 = arith.addi %add3A_87, %add3A_93 : i32
      %add3A_95 = arith.addi %select_n3A_13, %add3A_94 : i32
      %mul3A_96 = arith.constant 2 : i32
      %mul3A_97 = arith.muli %add3A_95, %mul3A_96 : i32
      %dma_start3A_98 = arith.constant 0 : i32
      %dma_start3A_99 = tpu.memref_slice %arg3[%mul3A_97, %dma_start3A_98] : memref<5120x128xi32, #tpu.memory_space<hbm>> -> memref<2x128xi32, #tpu.memory_space<hbm>>
      %dma_start3A_100 = arith.constant 0 : i32
      %dma_start3A_101 = tpu.memref_slice %arg3[%mul3A_97, %dma_start3A_100] : memref<5120x128xi32, #tpu.memory_space<hbm>> -> memref<2x128xi32, #tpu.memory_space<hbm>>
      tpu.enqueue_dma source(%dma_start3A_101 : memref<2x128xi32, #tpu.memory_space<hbm>>) target(%arg9 : memref<2x128xi32, #tpu.memory_space<vmem>>) target_semaphore(%arg16 : memref<!tpu.dma_semaphore, #tpu.memory_space<semaphore_mem>>)
      %add3A_102 = arith.addi %select_n3A_13, %add3A_87 : i32
      %mul3A_103 = arith.constant 2 : i32
      %mul3A_104 = arith.muli %add3A_102, %mul3A_103 : i32
      %dma_wait3A_105 = arith.constant 0 : i32
      %dma_wait3A_106 = tpu.memref_slice %arg3[%mul3A_104, %dma_wait3A_105] : memref<5120x128xi32, #tpu.memory_space<hbm>> -> memref<2x128xi32, #tpu.memory_space<hbm>>
      %dma_wait3A_107 = arith.constant 0 : i32
      %dma_wait3A_108 = tpu.memref_slice %arg3[%mul3A_104, %dma_wait3A_107] : memref<5120x128xi32, #tpu.memory_space<hbm>> -> memref<2x128xi32, #tpu.memory_space<hbm>>
      tpu.wait_dma2 semaphore(%arg14 : memref<!tpu.dma_semaphore, #tpu.memory_space<semaphore_mem>>) src(%dma_wait3A_108 : memref<2x128xi32, #tpu.memory_space<hbm>>) dst(%arg7 : memref<2x128xi32, #tpu.memory_space<vmem>>)
      %dma_start3A_109 = arith.constant 0 : i32
      %dma_start3A_110 = arith.constant 0 : i32
      %dma_start3A_111 = tpu.memref_slice %arg7[%dma_start3A_109, %dma_start3A_110] : memref<2x128xi32, #tpu.memory_space<vmem>> -> memref<1x128xi32, #tpu.memory_space<vmem>>
      %dma_start3A_112 = tpu.memref_squeeze %dma_start3A_111 : memref<1x128xi32, #tpu.memory_space<vmem>> -> memref<128xi32, #tpu.memory_space<vmem>>
      %dma_start3A_113 = arith.constant 0 : i32
      %dma_start3A_114 = arith.constant 0 : i32
      %dma_start3A_115 = tpu.memref_slice %arg2[%dma_start3A_113, %dma_start3A_114] : memref<10000x128xf32, #tpu.memory_space<hbm>> -> memref<10000x128xf32, #tpu.memory_space<hbm>>
      tpu.enqueue_indirect_dma source(%dma_start3A_115 : memref<10000x128xf32, #tpu.memory_space<hbm>>) target(%arg11 : memref<128x128xf32, #tpu.memory_space<vmem>>) offsets(%dma_start3A_112 : memref<128xi32, #tpu.memory_space<vmem>>) semaphore(%arg18 : memref<!tpu.dma_semaphore, #tpu.memory_space<semaphore_mem>>)
      %dma_wait3A_116 = arith.constant 0 : i32
      %dma_wait3A_117 = arith.constant 0 : i32
      %dma_wait3A_118 = tpu.memref_slice %arg7[%dma_wait3A_116, %dma_wait3A_117] : memref<2x128xi32, #tpu.memory_space<vmem>> -> memref<1x128xi32, #tpu.memory_space<vmem>>
      %dma_wait3A_119 = tpu.memref_squeeze %dma_wait3A_118 : memref<1x128xi32, #tpu.memory_space<vmem>> -> memref<128xi32, #tpu.memory_space<vmem>>
      %dma_wait3A_120 = arith.constant 0 : i32
      %dma_wait3A_121 = arith.constant 0 : i32
      %dma_wait3A_122 = tpu.memref_slice %arg2[%dma_wait3A_120, %dma_wait3A_121] : memref<10000x128xf32, #tpu.memory_space<hbm>> -> memref<10000x128xf32, #tpu.memory_space<hbm>>
      tpu.wait_indirect_dma semaphore(%arg18 : memref<!tpu.dma_semaphore, #tpu.memory_space<semaphore_mem>>) src(%dma_wait3A_122 : memref<10000x128xf32, #tpu.memory_space<hbm>>) dst(%arg11 : memref<128x128xf32, #tpu.memory_space<vmem>>)
      %dma_start3A_123 = arith.constant 1 : i32
      %dma_start3A_124 = arith.constant 0 : i32
      %dma_start3A_125 = tpu.memref_slice %arg7[%dma_start3A_123, %dma_start3A_124] : memref<2x128xi32, #tpu.memory_space<vmem>> -> memref<1x128xi32, #tpu.memory_space<vmem>>
      %dma_start3A_126 = tpu.memref_squeeze %dma_start3A_125 : memref<1x128xi32, #tpu.memory_space<vmem>> -> memref<128xi32, #tpu.memory_space<vmem>>
      %dma_start3A_127 = arith.constant 0 : i32
      %dma_start3A_128 = arith.constant 0 : i32
      %dma_start3A_129 = tpu.memref_slice %arg12[%dma_start3A_127, %dma_start3A_128] : memref<10240x128xf32, #tpu.memory_space<vmem_shared>> -> memref<10240x128xf32, #tpu.memory_space<vmem_shared>>
      tpu.enqueue_indirect_dma source(%arg11 : memref<128x128xf32, #tpu.memory_space<vmem>>) target(%dma_start3A_129 : memref<10240x128xf32, #tpu.memory_space<vmem_shared>>) offsets(%dma_start3A_126 : memref<128xi32, #tpu.memory_space<vmem>>) semaphore(%arg20 : memref<!tpu.dma_semaphore, #tpu.memory_space<semaphore_mem>>) {add = true}
      %add3A_130 = arith.constant 2 : i32
      %add3A_131 = arith.addi %add3A_43, %add3A_130 : i32
      %dma_wait3A_132 = arith.constant 1 : i32
      %dma_wait3A_133 = arith.constant 0 : i32
      %dma_wait3A_134 = tpu.memref_slice %arg6[%dma_wait3A_132, %dma_wait3A_133] : memref<2x128xi32, #tpu.memory_space<vmem>> -> memref<1x128xi32, #tpu.memory_space<vmem>>
      %dma_wait3A_135 = tpu.memref_squeeze %dma_wait3A_134 : memref<1x128xi32, #tpu.memory_space<vmem>> -> memref<128xi32, #tpu.memory_space<vmem>>
      %dma_wait3A_136 = arith.constant 0 : i32
      %dma_wait3A_137 = arith.constant 0 : i32
      %dma_wait3A_138 = tpu.memref_slice %arg12[%dma_wait3A_136, %dma_wait3A_137] : memref<10240x128xf32, #tpu.memory_space<vmem_shared>> -> memref<10240x128xf32, #tpu.memory_space<vmem_shared>>
      tpu.wait_indirect_dma semaphore(%arg19 : memref<!tpu.dma_semaphore, #tpu.memory_space<semaphore_mem>>) src(%arg10 : memref<128x128xf32, #tpu.memory_space<vmem>>) dst(%dma_wait3A_138 : memref<10240x128xf32, #tpu.memory_space<vmem_shared>>)
      %add3A_139 = arith.constant 2 : i32
      %add3A_140 = arith.addi %add3A_131, %add3A_139 : i32
      %lt3A = arith.cmpi slt, %add3A_140, %select_n3A : i32
      %convert_element_type3A_141 = arith.extui %lt3A : i1 to i32
      %cond3A_142 = arith.constant 0 : i32
      %cond3A_143 = arith.cmpi ne, %convert_element_type3A_141, %cond3A_142 : i32
      scf.if %cond3A_143 {
        %add3A_215 = arith.constant 2 : i32
        %add3A_216 = arith.addi %add3A_131, %add3A_215 : i32
        %add3A_217 = arith.addi %select_n3A_13, %add3A_216 : i32
        %mul3A_218 = arith.constant 2 : i32
        %mul3A_219 = arith.muli %add3A_217, %mul3A_218 : i32
        %dma_start3A_220 = arith.constant 0 : i32
        %dma_start3A_221 = tpu.memref_slice %arg3[%mul3A_219, %dma_start3A_220] : memref<5120x128xi32, #tpu.memory_space<hbm>> -> memref<2x128xi32, #tpu.memory_space<hbm>>
        %dma_start3A_222 = arith.constant 0 : i32
        %dma_start3A_223 = tpu.memref_slice %arg3[%mul3A_219, %dma_start3A_222] : memref<5120x128xi32, #tpu.memory_space<hbm>> -> memref<2x128xi32, #tpu.memory_space<hbm>>
        tpu.enqueue_dma source(%dma_start3A_223 : memref<2x128xi32, #tpu.memory_space<hbm>>) target(%arg6 : memref<2x128xi32, #tpu.memory_space<vmem>>) target_semaphore(%arg13 : memref<!tpu.dma_semaphore, #tpu.memory_space<semaphore_mem>>)
      } else {
      }
      %add3A_144 = arith.addi %select_n3A_13, %add3A_131 : i32
      %mul3A_145 = arith.constant 2 : i32
      %mul3A_146 = arith.muli %add3A_144, %mul3A_145 : i32
      %dma_wait3A_147 = arith.constant 0 : i32
      %dma_wait3A_148 = tpu.memref_slice %arg3[%mul3A_146, %dma_wait3A_147] : memref<5120x128xi32, #tpu.memory_space<hbm>> -> memref<2x128xi32, #tpu.memory_space<hbm>>
      %dma_wait3A_149 = arith.constant 0 : i32
      %dma_wait3A_150 = tpu.memref_slice %arg3[%mul3A_146, %dma_wait3A_149] : memref<5120x128xi32, #tpu.memory_space<hbm>> -> memref<2x128xi32, #tpu.memory_space<hbm>>
      tpu.wait_dma2 semaphore(%arg15 : memref<!tpu.dma_semaphore, #tpu.memory_space<semaphore_mem>>) src(%dma_wait3A_150 : memref<2x128xi32, #tpu.memory_space<hbm>>) dst(%arg8 : memref<2x128xi32, #tpu.memory_space<vmem>>)
      %dma_start3A_151 = arith.constant 0 : i32
      %dma_start3A_152 = arith.constant 0 : i32
      %dma_start3A_153 = tpu.memref_slice %arg8[%dma_start3A_151, %dma_start3A_152] : memref<2x128xi32, #tpu.memory_space<vmem>> -> memref<1x128xi32, #tpu.memory_space<vmem>>
      %dma_start3A_154 = tpu.memref_squeeze %dma_start3A_153 : memref<1x128xi32, #tpu.memory_space<vmem>> -> memref<128xi32, #tpu.memory_space<vmem>>
      %dma_start3A_155 = arith.constant 0 : i32
      %dma_start3A_156 = arith.constant 0 : i32
      %dma_start3A_157 = tpu.memref_slice %arg2[%dma_start3A_155, %dma_start3A_156] : memref<10000x128xf32, #tpu.memory_space<hbm>> -> memref<10000x128xf32, #tpu.memory_space<hbm>>
      tpu.enqueue_indirect_dma source(%dma_start3A_157 : memref<10000x128xf32, #tpu.memory_space<hbm>>) target(%arg10 : memref<128x128xf32, #tpu.memory_space<vmem>>) offsets(%dma_start3A_154 : memref<128xi32, #tpu.memory_space<vmem>>) semaphore(%arg17 : memref<!tpu.dma_semaphore, #tpu.memory_space<semaphore_mem>>)
      %dma_wait3A_158 = arith.constant 0 : i32
      %dma_wait3A_159 = arith.constant 0 : i32
      %dma_wait3A_160 = tpu.memref_slice %arg8[%dma_wait3A_158, %dma_wait3A_159] : memref<2x128xi32, #tpu.memory_space<vmem>> -> memref<1x128xi32, #tpu.memory_space<vmem>>
      %dma_wait3A_161 = tpu.memref_squeeze %dma_wait3A_160 : memref<1x128xi32, #tpu.memory_space<vmem>> -> memref<128xi32, #tpu.memory_space<vmem>>
      %dma_wait3A_162 = arith.constant 0 : i32
      %dma_wait3A_163 = arith.constant 0 : i32
      %dma_wait3A_164 = tpu.memref_slice %arg2[%dma_wait3A_162, %dma_wait3A_163] : memref<10000x128xf32, #tpu.memory_space<hbm>> -> memref<10000x128xf32, #tpu.memory_space<hbm>>
      tpu.wait_indirect_dma semaphore(%arg17 : memref<!tpu.dma_semaphore, #tpu.memory_space<semaphore_mem>>) src(%dma_wait3A_164 : memref<10000x128xf32, #tpu.memory_space<hbm>>) dst(%arg10 : memref<128x128xf32, #tpu.memory_space<vmem>>)
      %dma_start3A_165 = arith.constant 1 : i32
      %dma_start3A_166 = arith.constant 0 : i32
      %dma_start3A_167 = tpu.memref_slice %arg8[%dma_start3A_165, %dma_start3A_166] : memref<2x128xi32, #tpu.memory_space<vmem>> -> memref<1x128xi32, #tpu.memory_space<vmem>>
      %dma_start3A_168 = tpu.memref_squeeze %dma_start3A_167 : memref<1x128xi32, #tpu.memory_space<vmem>> -> memref<128xi32, #tpu.memory_space<vmem>>
      %dma_start3A_169 = arith.constant 0 : i32
      %dma_start3A_170 = arith.constant 0 : i32
      %dma_start3A_171 = tpu.memref_slice %arg12[%dma_start3A_169, %dma_start3A_170] : memref<10240x128xf32, #tpu.memory_space<vmem_shared>> -> memref<10240x128xf32, #tpu.memory_space<vmem_shared>>
      tpu.enqueue_indirect_dma source(%arg10 : memref<128x128xf32, #tpu.memory_space<vmem>>) target(%dma_start3A_171 : memref<10240x128xf32, #tpu.memory_space<vmem_shared>>) offsets(%dma_start3A_168 : memref<128xi32, #tpu.memory_space<vmem>>) semaphore(%arg19 : memref<!tpu.dma_semaphore, #tpu.memory_space<semaphore_mem>>) {add = true}
      %add3A_172 = arith.constant 3 : i32
      %add3A_173 = arith.addi %add3A_43, %add3A_172 : i32
      %dma_wait3A_174 = arith.constant 1 : i32
      %dma_wait3A_175 = arith.constant 0 : i32
      %dma_wait3A_176 = tpu.memref_slice %arg7[%dma_wait3A_174, %dma_wait3A_175] : memref<2x128xi32, #tpu.memory_space<vmem>> -> memref<1x128xi32, #tpu.memory_space<vmem>>
      %dma_wait3A_177 = tpu.memref_squeeze %dma_wait3A_176 : memref<1x128xi32, #tpu.memory_space<vmem>> -> memref<128xi32, #tpu.memory_space<vmem>>
      %dma_wait3A_178 = arith.constant 0 : i32
      %dma_wait3A_179 = arith.constant 0 : i32
      %dma_wait3A_180 = tpu.memref_slice %arg12[%dma_wait3A_178, %dma_wait3A_179] : memref<10240x128xf32, #tpu.memory_space<vmem_shared>> -> memref<10240x128xf32, #tpu.memory_space<vmem_shared>>
      tpu.wait_indirect_dma semaphore(%arg20 : memref<!tpu.dma_semaphore, #tpu.memory_space<semaphore_mem>>) src(%arg11 : memref<128x128xf32, #tpu.memory_space<vmem>>) dst(%dma_wait3A_180 : memref<10240x128xf32, #tpu.memory_space<vmem_shared>>)
      %add3A_181 = arith.constant 2 : i32
      %add3A_182 = arith.addi %add3A_173, %add3A_181 : i32
      %lt3A_183 = arith.cmpi slt, %add3A_182, %select_n3A : i32
      %convert_element_type3A_184 = arith.extui %lt3A_183 : i1 to i32
      %cond3A_185 = arith.constant 0 : i32
      %cond3A_186 = arith.cmpi ne, %convert_element_type3A_184, %cond3A_185 : i32
      scf.if %cond3A_186 {
        %add3A_215 = arith.constant 2 : i32
        %add3A_216 = arith.addi %add3A_173, %add3A_215 : i32
        %add3A_217 = arith.addi %select_n3A_13, %add3A_216 : i32
        %mul3A_218 = arith.constant 2 : i32
        %mul3A_219 = arith.muli %add3A_217, %mul3A_218 : i32
        %dma_start3A_220 = arith.constant 0 : i32
        %dma_start3A_221 = tpu.memref_slice %arg3[%mul3A_219, %dma_start3A_220] : memref<5120x128xi32, #tpu.memory_space<hbm>> -> memref<2x128xi32, #tpu.memory_space<hbm>>
        %dma_start3A_222 = arith.constant 0 : i32
        %dma_start3A_223 = tpu.memref_slice %arg3[%mul3A_219, %dma_start3A_222] : memref<5120x128xi32, #tpu.memory_space<hbm>> -> memref<2x128xi32, #tpu.memory_space<hbm>>
        tpu.enqueue_dma source(%dma_start3A_223 : memref<2x128xi32, #tpu.memory_space<hbm>>) target(%arg7 : memref<2x128xi32, #tpu.memory_space<vmem>>) target_semaphore(%arg14 : memref<!tpu.dma_semaphore, #tpu.memory_space<semaphore_mem>>)
      } else {
      }
      %add3A_187 = arith.addi %select_n3A_13, %add3A_173 : i32
      %mul3A_188 = arith.constant 2 : i32
      %mul3A_189 = arith.muli %add3A_187, %mul3A_188 : i32
      %dma_wait3A_190 = arith.constant 0 : i32
      %dma_wait3A_191 = tpu.memref_slice %arg3[%mul3A_189, %dma_wait3A_190] : memref<5120x128xi32, #tpu.memory_space<hbm>> -> memref<2x128xi32, #tpu.memory_space<hbm>>
      %dma_wait3A_192 = arith.constant 0 : i32
      %dma_wait3A_193 = tpu.memref_slice %arg3[%mul3A_189, %dma_wait3A_192] : memref<5120x128xi32, #tpu.memory_space<hbm>> -> memref<2x128xi32, #tpu.memory_space<hbm>>
      tpu.wait_dma2 semaphore(%arg16 : memref<!tpu.dma_semaphore, #tpu.memory_space<semaphore_mem>>) src(%dma_wait3A_193 : memref<2x128xi32, #tpu.memory_space<hbm>>) dst(%arg9 : memref<2x128xi32, #tpu.memory_space<vmem>>)
      %dma_start3A_194 = arith.constant 0 : i32
      %dma_start3A_195 = arith.constant 0 : i32
      %dma_start3A_196 = tpu.memref_slice %arg9[%dma_start3A_194, %dma_start3A_195] : memref<2x128xi32, #tpu.memory_space<vmem>> -> memref<1x128xi32, #tpu.memory_space<vmem>>
      %dma_start3A_197 = tpu.memref_squeeze %dma_start3A_196 : memref<1x128xi32, #tpu.memory_space<vmem>> -> memref<128xi32, #tpu.memory_space<vmem>>
      %dma_start3A_198 = arith.constant 0 : i32
      %dma_start3A_199 = arith.constant 0 : i32
      %dma_start3A_200 = tpu.memref_slice %arg2[%dma_start3A_198, %dma_start3A_199] : memref<10000x128xf32, #tpu.memory_space<hbm>> -> memref<10000x128xf32, #tpu.memory_space<hbm>>
      tpu.enqueue_indirect_dma source(%dma_start3A_200 : memref<10000x128xf32, #tpu.memory_space<hbm>>) target(%arg11 : memref<128x128xf32, #tpu.memory_space<vmem>>) offsets(%dma_start3A_197 : memref<128xi32, #tpu.memory_space<vmem>>) semaphore(%arg18 : memref<!tpu.dma_semaphore, #tpu.memory_space<semaphore_mem>>)
      %dma_wait3A_201 = arith.constant 0 : i32
      %dma_wait3A_202 = arith.constant 0 : i32
      %dma_wait3A_203 = tpu.memref_slice %arg9[%dma_wait3A_201, %dma_wait3A_202] : memref<2x128xi32, #tpu.memory_space<vmem>> -> memref<1x128xi32, #tpu.memory_space<vmem>>
      %dma_wait3A_204 = tpu.memref_squeeze %dma_wait3A_203 : memref<1x128xi32, #tpu.memory_space<vmem>> -> memref<128xi32, #tpu.memory_space<vmem>>
      %dma_wait3A_205 = arith.constant 0 : i32
      %dma_wait3A_206 = arith.constant 0 : i32
      %dma_wait3A_207 = tpu.memref_slice %arg2[%dma_wait3A_205, %dma_wait3A_206] : memref<10000x128xf32, #tpu.memory_space<hbm>> -> memref<10000x128xf32, #tpu.memory_space<hbm>>
      tpu.wait_indirect_dma semaphore(%arg18 : memref<!tpu.dma_semaphore, #tpu.memory_space<semaphore_mem>>) src(%dma_wait3A_207 : memref<10000x128xf32, #tpu.memory_space<hbm>>) dst(%arg11 : memref<128x128xf32, #tpu.memory_space<vmem>>)
      %dma_start3A_208 = arith.constant 1 : i32
      %dma_start3A_209 = arith.constant 0 : i32
      %dma_start3A_210 = tpu.memref_slice %arg9[%dma_start3A_208, %dma_start3A_209] : memref<2x128xi32, #tpu.memory_space<vmem>> -> memref<1x128xi32, #tpu.memory_space<vmem>>
      %dma_start3A_211 = tpu.memref_squeeze %dma_start3A_210 : memref<1x128xi32, #tpu.memory_space<vmem>> -> memref<128xi32, #tpu.memory_space<vmem>>
      %dma_start3A_212 = arith.constant 0 : i32
      %dma_start3A_213 = arith.constant 0 : i32
      %dma_start3A_214 = tpu.memref_slice %arg12[%dma_start3A_212, %dma_start3A_213] : memref<10240x128xf32, #tpu.memory_space<vmem_shared>> -> memref<10240x128xf32, #tpu.memory_space<vmem_shared>>
      tpu.enqueue_indirect_dma source(%arg11 : memref<128x128xf32, #tpu.memory_space<vmem>>) target(%dma_start3A_214 : memref<10240x128xf32, #tpu.memory_space<vmem_shared>>) offsets(%dma_start3A_211 : memref<128xi32, #tpu.memory_space<vmem>>) semaphore(%arg20 : memref<!tpu.dma_semaphore, #tpu.memory_space<semaphore_mem>>) {add = true}
    }
    %gt3A_32 = arith.constant 0 : i32
    %gt3A_33 = arith.cmpi sgt, %select_n3A, %gt3A_32 : i32
    %convert_element_type3A_34 = arith.extui %gt3A_33 : i1 to i32
    %cond3A_35 = arith.constant 0 : i32
    %cond3A_36 = arith.cmpi ne, %convert_element_type3A_34, %cond3A_35 : i32
    scf.if %cond3A_36 {
      %dma_wait3A = arith.constant 1 : i32
      %dma_wait3A_41 = arith.constant 0 : i32
      %dma_wait3A_42 = tpu.memref_slice %arg8[%dma_wait3A, %dma_wait3A_41] : memref<2x128xi32, #tpu.memory_space<vmem>> -> memref<1x128xi32, #tpu.memory_space<vmem>>
      %dma_wait3A_43 = tpu.memref_squeeze %dma_wait3A_42 : memref<1x128xi32, #tpu.memory_space<vmem>> -> memref<128xi32, #tpu.memory_space<vmem>>
      %dma_wait3A_44 = arith.constant 0 : i32
      %dma_wait3A_45 = arith.constant 0 : i32
      %dma_wait3A_46 = tpu.memref_slice %arg12[%dma_wait3A_44, %dma_wait3A_45] : memref<10240x128xf32, #tpu.memory_space<vmem_shared>> -> memref<10240x128xf32, #tpu.memory_space<vmem_shared>>
      tpu.wait_indirect_dma semaphore(%arg19 : memref<!tpu.dma_semaphore, #tpu.memory_space<semaphore_mem>>) src(%arg10 : memref<128x128xf32, #tpu.memory_space<vmem>>) dst(%dma_wait3A_46 : memref<10240x128xf32, #tpu.memory_space<vmem_shared>>)
      %dma_wait3A_47 = arith.constant 1 : i32
      %dma_wait3A_48 = arith.constant 0 : i32
      %dma_wait3A_49 = tpu.memref_slice %arg9[%dma_wait3A_47, %dma_wait3A_48] : memref<2x128xi32, #tpu.memory_space<vmem>> -> memref<1x128xi32, #tpu.memory_space<vmem>>
      %dma_wait3A_50 = tpu.memref_squeeze %dma_wait3A_49 : memref<1x128xi32, #tpu.memory_space<vmem>> -> memref<128xi32, #tpu.memory_space<vmem>>
      %dma_wait3A_51 = arith.constant 0 : i32
      %dma_wait3A_52 = arith.constant 0 : i32
      %dma_wait3A_53 = tpu.memref_slice %arg12[%dma_wait3A_51, %dma_wait3A_52] : memref<10240x128xf32, #tpu.memory_space<vmem_shared>> -> memref<10240x128xf32, #tpu.memory_space<vmem_shared>>
      tpu.wait_indirect_dma semaphore(%arg20 : memref<!tpu.dma_semaphore, #tpu.memory_space<semaphore_mem>>) src(%arg11 : memref<128x128xf32, #tpu.memory_space<vmem>>) dst(%dma_wait3A_53 : memref<10240x128xf32, #tpu.memory_space<vmem_shared>>)
    } else {
    }
    %barrier3A_37 = arith.constant 0 : index
    tpu.barrier barrier_id(%barrier3A_37)
    %mul3A_38 = arith.constant 10240 : i32
    %mul3A_39 = arith.muli %arg0, %mul3A_38 : i32
    %add3A_40 = arith.addi %mul3A_39, %mul3A_2 : i32
    "tpu.region"() ({
      %run_scoped3A = tpu.sem_alloc : memref<!tpu.dma_semaphore, #tpu.memory_space<semaphore_mem>>
      %dma_start3A = arith.constant 0 : i32
      %dma_start3A_41 = tpu.memref_slice %arg5[%add3A_40, %dma_start3A] : memref<20480x128xf32, #tpu.memory_space<hbm>> -> memref<640x128xf32, #tpu.memory_space<hbm>>
      %dma_start3A_42 = arith.constant 0 : i32
      %dma_start3A_43 = tpu.memref_slice %arg12[%mul3A_2, %dma_start3A_42] : memref<10240x128xf32, #tpu.memory_space<vmem_shared>> -> memref<640x128xf32, #tpu.memory_space<vmem_shared>>
      tpu.enqueue_dma source(%dma_start3A_43 : memref<640x128xf32, #tpu.memory_space<vmem_shared>>) target(%dma_start3A_41 : memref<640x128xf32, #tpu.memory_space<hbm>>) target_semaphore(%run_scoped3A : memref<!tpu.dma_semaphore, #tpu.memory_space<semaphore_mem>>)
      %dma_wait3A = arith.constant 0 : i32
      %dma_wait3A_44 = tpu.memref_slice %arg5[%add3A_40, %dma_wait3A] : memref<20480x128xf32, #tpu.memory_space<hbm>> -> memref<640x128xf32, #tpu.memory_space<hbm>>
      %dma_wait3A_45 = arith.constant 0 : i32
      %dma_wait3A_46 = tpu.memref_slice %arg12[%mul3A_2, %dma_wait3A_45] : memref<10240x128xf32, #tpu.memory_space<vmem_shared>> -> memref<640x128xf32, #tpu.memory_space<vmem_shared>>
      tpu.wait_dma2 semaphore(%run_scoped3A : memref<!tpu.dma_semaphore, #tpu.memory_space<semaphore_mem>>) src(%dma_wait3A_46 : memref<640x128xf32, #tpu.memory_space<vmem_shared>>) dst(%dma_wait3A_44 : memref<640x128xf32, #tpu.memory_space<hbm>>)
      tpu.yield
    }) : () -> ()
    return
  }
}

#map = affine_map<(d0, d1) -> (0, 0)>
module attributes {stable_mosaic.version = 14 : i64} {
  func.func @_sc_agg_body(%arg0: i32, %arg1: i32, %arg2: memref<10000x128xf32, #tpu.memory_space<hbm>>, %arg3: memref<5120x128xi32, #tpu.memory_space<hbm>>, %arg4: memref<640x128xf32, #tpu.memory_space<hbm>>, %arg5: memref<20480x128xf32, #tpu.memory_space<hbm>>, %arg6: memref<2x128xi32, #tpu.memory_space<vmem>>, %arg7: memref<2x128xi32, #tpu.memory_space<vmem>>, %arg8: memref<2x128xi32, #tpu.memory_space<vmem>>, %arg9: memref<2x128xi32, #tpu.memory_space<vmem>>, %arg10: memref<128x128xf32, #tpu.memory_space<vmem>>, %arg11: memref<128x128xf32, #tpu.memory_space<vmem>>, %arg12: memref<10240x128xf32, #tpu.memory_space<vmem_shared>>, %arg13: memref<!tpu.dma_semaphore, #tpu.memory_space<semaphore_mem>>, %arg14: memref<!tpu.dma_semaphore, #tpu.memory_space<semaphore_mem>>, %arg15: memref<!tpu.dma_semaphore, #tpu.memory_space<semaphore_mem>>, %arg16: memref<!tpu.dma_semaphore, #tpu.memory_space<semaphore_mem>>, %arg17: memref<!tpu.dma_semaphore, #tpu.memory_space<semaphore_mem>>, %arg18: memref<!tpu.dma_semaphore, #tpu.memory_space<semaphore_mem>>, %arg19: memref<!tpu.dma_semaphore, #tpu.memory_space<semaphore_mem>>, %arg20: memref<!tpu.dma_semaphore, #tpu.memory_space<semaphore_mem>>) attributes {dimension_semantics = [#tpu.dimension_semantics<core_parallel>, #tpu.dimension_semantics<subcore_parallel>], iteration_bounds = array<i64: 2, 16>, scalar_prefetch = 0 : i64, scratch_operands = 15 : i64, tpu.core_type = #tpu.core_type<sc_vector_subcore>, window_params = [{transform_indices = #map}, {transform_indices = #map}, {transform_indices = #map}, {transform_indices = #map}]} {
    %mul3A = arith.constant 2 : i32
    %mul3A_0 = arith.muli %arg1, %mul3A : i32
    %add3A = arith.addi %mul3A_0, %arg0 : i32
    %mul3A_1 = arith.constant 640 : i32
    %mul3A_2 = arith.muli %arg1, %mul3A_1 : i32
    %eq3A = arith.constant 0 : i32
    %eq3A_3 = arith.cmpi eq, %arg0, %eq3A : i32
    %jit3A = arith.constant 144 : i32
    %jit3A_4 = arith.constant 16 : i32
    %select_n3A = arith.select %eq3A_3, %jit3A, %jit3A_4 : i32
    %eq3A_5 = arith.constant 0 : i32
    %eq3A_6 = arith.cmpi eq, %arg0, %eq3A_5 : i32
    %mul3A_7 = arith.constant 144 : i32
    %mul3A_8 = arith.muli %arg1, %mul3A_7 : i32
    %mul3A_9 = arith.constant 16 : i32
    %mul3A_10 = arith.muli %arg1, %mul3A_9 : i32
    %add3A_11 = arith.constant 2304 : i32
    %add3A_12 = arith.addi %add3A_11, %mul3A_10 : i32
    %select_n3A_13 = arith.select %eq3A_6, %mul3A_8, %add3A_12 : i32
    "tpu.region"() ({
      %run_scoped3A = tpu.sem_alloc : memref<!tpu.dma_semaphore, #tpu.memory_space<semaphore_mem>>
      %dma_start3A = arith.constant 0 : i32
      %dma_start3A_41 = tpu.memref_slice %arg12[%mul3A_2, %dma_start3A] : memref<10240x128xf32, #tpu.memory_space<vmem_shared>> -> memref<640x128xf32, #tpu.memory_space<vmem_shared>>
      tpu.enqueue_dma source(%arg4 : memref<640x128xf32, #tpu.memory_space<hbm>>) target(%dma_start3A_41 : memref<640x128xf32, #tpu.memory_space<vmem_shared>>) target_semaphore(%run_scoped3A : memref<!tpu.dma_semaphore, #tpu.memory_space<semaphore_mem>>)
      %dma_wait3A = arith.constant 0 : i32
      %dma_wait3A_42 = tpu.memref_slice %arg12[%mul3A_2, %dma_wait3A] : memref<10240x128xf32, #tpu.memory_space<vmem_shared>> -> memref<640x128xf32, #tpu.memory_space<vmem_shared>>
      tpu.wait_dma2 semaphore(%run_scoped3A : memref<!tpu.dma_semaphore, #tpu.memory_space<semaphore_mem>>) src(%arg4 : memref<640x128xf32, #tpu.memory_space<hbm>>) dst(%dma_wait3A_42 : memref<640x128xf32, #tpu.memory_space<vmem_shared>>)
      tpu.yield
    }) : () -> ()
    %barrier3A = arith.constant 0 : index
    tpu.barrier barrier_id(%barrier3A)
    %gt3A = arith.constant 0 : i32
    %gt3A_14 = arith.cmpi sgt, %select_n3A, %gt3A : i32
    %convert_element_type3A = arith.extui %gt3A_14 : i1 to i32
    %cond3A = arith.constant 0 : i32
    %cond3A_15 = arith.cmpi ne, %convert_element_type3A, %cond3A : i32
    scf.if %cond3A_15 {
      %add3A_41 = arith.constant 0 : i32
      %add3A_42 = arith.addi %select_n3A_13, %add3A_41 : i32
      %mul3A_43 = arith.constant 2 : i32
      %mul3A_44 = arith.muli %add3A_42, %mul3A_43 : i32
      %dma_start3A = arith.constant 0 : i32
      %dma_start3A_45 = tpu.memref_slice %arg3[%mul3A_44, %dma_start3A] : memref<5120x128xi32, #tpu.memory_space<hbm>> -> memref<2x128xi32, #tpu.memory_space<hbm>>
      %dma_start3A_46 = arith.constant 0 : i32
      %dma_start3A_47 = tpu.memref_slice %arg3[%mul3A_44, %dma_start3A_46] : memref<5120x128xi32, #tpu.memory_space<hbm>> -> memref<2x128xi32, #tpu.memory_space<hbm>>
      tpu.enqueue_dma source(%dma_start3A_47 : memref<2x128xi32, #tpu.memory_space<hbm>>) target(%arg6 : memref<2x128xi32, #tpu.memory_space<vmem>>) target_semaphore(%arg13 : memref<!tpu.dma_semaphore, #tpu.memory_space<semaphore_mem>>)
      %add3A_48 = arith.constant 1 : i32
      %add3A_49 = arith.addi %select_n3A_13, %add3A_48 : i32
      %mul3A_50 = arith.constant 2 : i32
      %mul3A_51 = arith.muli %add3A_49, %mul3A_50 : i32
      %dma_start3A_52 = arith.constant 0 : i32
      %dma_start3A_53 = tpu.memref_slice %arg3[%mul3A_51, %dma_start3A_52] : memref<5120x128xi32, #tpu.memory_space<hbm>> -> memref<2x128xi32, #tpu.memory_space<hbm>>
      %dma_start3A_54 = arith.constant 0 : i32
      %dma_start3A_55 = tpu.memref_slice %arg3[%mul3A_51, %dma_start3A_54] : memref<5120x128xi32, #tpu.memory_space<hbm>> -> memref<2x128xi32, #tpu.memory_space<hbm>>
      tpu.enqueue_dma source(%dma_start3A_55 : memref<2x128xi32, #tpu.memory_space<hbm>>) target(%arg7 : memref<2x128xi32, #tpu.memory_space<vmem>>) target_semaphore(%arg14 : memref<!tpu.dma_semaphore, #tpu.memory_space<semaphore_mem>>)
    } else {
    }
    %sub3A = arith.constant 0 : i32
    %sub3A_16 = arith.subi %select_n3A, %sub3A : i32
    %sub3A_17 = arith.constant 4 : i32
    %sub3A_18 = arith.constant 1 : i32
    %sub3A_19 = arith.subi %sub3A_17, %sub3A_18 : i32
    %add3A_20 = arith.addi %sub3A_16, %sub3A_19 : i32
    %div3A = arith.constant 4 : i32
    %div3A_21 = arith.divsi %add3A_20, %div3A : i32
    %while3A = arith.constant 4 : i32
    %while3A_22 = arith.constant 0 : i32
    %while3A_23 = arith.constant 0 : i32
    %while3A_24 = arith.subi %div3A_21, %while3A_23 : i32
    %while3A_25 = arith.addi %while3A_23, %while3A_24 : i32
    %while3A_26 = arith.constant 1 : i32
    %while3A_27 = arith.divsi %while3A_24, %while3A_26 : i32
    %while3A_28 = arith.muli %while3A_27, %while3A_26 : i32
    %while3A_29 = arith.addi %while3A_23, %while3A_28 : i32
    %while3A_30 = arith.constant 1 : i32
    scf.for %while3A_41 = %while3A_23 to %while3A_29 step %while3A_30  : i32 {
      %mul3A_42 = arith.muli %while3A_41, %while3A : i32
      %add3A_43 = arith.addi %while3A_22, %mul3A_42 : i32
      %add3A_44 = arith.constant 0 : i32
      %add3A_45 = arith.addi %add3A_43, %add3A_44 : i32
      %gt3A_46 = arith.constant 0 : i32
      %gt3A_47 = arith.cmpi sgt, %add3A_43, %gt3A_46 : i32
      %convert_element_type3A_48 = arith.extui %gt3A_47 : i1 to i32
      %cond3A_49 = arith.constant 0 : i32
      %cond3A_50 = arith.cmpi ne, %convert_element_type3A_48, %cond3A_49 : i32
      scf.if %cond3A_50 {
        %dma_wait3A_215 = arith.constant 1 : i32
        %dma_wait3A_216 = arith.constant 0 : i32
        %dma_wait3A_217 = tpu.memref_slice %arg8[%dma_wait3A_215, %dma_wait3A_216] : memref<2x128xi32, #tpu.memory_space<vmem>> -> memref<1x128xi32, #tpu.memory_space<vmem>>
        %dma_wait3A_218 = tpu.memref_squeeze %dma_wait3A_217 : memref<1x128xi32, #tpu.memory_space<vmem>> -> memref<128xi32, #tpu.memory_space<vmem>>
        %dma_wait3A_219 = arith.constant 0 : i32
        %dma_wait3A_220 = arith.constant 0 : i32
        %dma_wait3A_221 = tpu.memref_slice %arg12[%dma_wait3A_219, %dma_wait3A_220] : memref<10240x128xf32, #tpu.memory_space<vmem_shared>> -> memref<10240x128xf32, #tpu.memory_space<vmem_shared>>
        tpu.wait_indirect_dma semaphore(%arg19 : memref<!tpu.dma_semaphore, #tpu.memory_space<semaphore_mem>>) src(%arg10 : memref<128x128xf32, #tpu.memory_space<vmem>>) dst(%dma_wait3A_221 : memref<10240x128xf32, #tpu.memory_space<vmem_shared>>)
      } else {
      }
      %add3A_51 = arith.constant 2 : i32
      %add3A_52 = arith.addi %add3A_45, %add3A_51 : i32
      %add3A_53 = arith.addi %select_n3A_13, %add3A_52 : i32
      %mul3A_54 = arith.constant 2 : i32
      %mul3A_55 = arith.muli %add3A_53, %mul3A_54 : i32
      %dma_start3A = arith.constant 0 : i32
      %dma_start3A_56 = tpu.memref_slice %arg3[%mul3A_55, %dma_start3A] : memref<5120x128xi32, #tpu.memory_space<hbm>> -> memref<2x128xi32, #tpu.memory_space<hbm>>
      %dma_start3A_57 = arith.constant 0 : i32
      %dma_start3A_58 = tpu.memref_slice %arg3[%mul3A_55, %dma_start3A_57] : memref<5120x128xi32, #tpu.memory_space<hbm>> -> memref<2x128xi32, #tpu.memory_space<hbm>>
      tpu.enqueue_dma source(%dma_start3A_58 : memref<2x128xi32, #tpu.memory_space<hbm>>) target(%arg8 : memref<2x128xi32, #tpu.memory_space<vmem>>) target_semaphore(%arg15 : memref<!tpu.dma_semaphore, #tpu.memory_space<semaphore_mem>>)
      %add3A_59 = arith.addi %select_n3A_13, %add3A_45 : i32
      %mul3A_60 = arith.constant 2 : i32
      %mul3A_61 = arith.muli %add3A_59, %mul3A_60 : i32
      %dma_wait3A = arith.constant 0 : i32
      %dma_wait3A_62 = tpu.memref_slice %arg3[%mul3A_61, %dma_wait3A] : memref<5120x128xi32, #tpu.memory_space<hbm>> -> memref<2x128xi32, #tpu.memory_space<hbm>>
      %dma_wait3A_63 = arith.constant 0 : i32
      %dma_wait3A_64 = tpu.memref_slice %arg3[%mul3A_61, %dma_wait3A_63] : memref<5120x128xi32, #tpu.memory_space<hbm>> -> memref<2x128xi32, #tpu.memory_space<hbm>>
      tpu.wait_dma2 semaphore(%arg13 : memref<!tpu.dma_semaphore, #tpu.memory_space<semaphore_mem>>) src(%dma_wait3A_64 : memref<2x128xi32, #tpu.memory_space<hbm>>) dst(%arg6 : memref<2x128xi32, #tpu.memory_space<vmem>>)
      %dma_start3A_65 = arith.constant 0 : i32
      %dma_start3A_66 = arith.constant 0 : i32
      %dma_start3A_67 = tpu.memref_slice %arg6[%dma_start3A_65, %dma_start3A_66] : memref<2x128xi32, #tpu.memory_space<vmem>> -> memref<1x128xi32, #tpu.memory_space<vmem>>
      %dma_start3A_68 = tpu.memref_squeeze %dma_start3A_67 : memref<1x128xi32, #tpu.memory_space<vmem>> -> memref<128xi32, #tpu.memory_space<vmem>>
      %dma_start3A_69 = arith.constant 0 : i32
      %dma_start3A_70 = arith.constant 0 : i32
      %dma_start3A_71 = tpu.memref_slice %arg2[%dma_start3A_69, %dma_start3A_70] : memref<10000x128xf32, #tpu.memory_space<hbm>> -> memref<10000x128xf32, #tpu.memory_space<hbm>>
      tpu.enqueue_indirect_dma source(%dma_start3A_71 : memref<10000x128xf32, #tpu.memory_space<hbm>>) target(%arg10 : memref<128x128xf32, #tpu.memory_space<vmem>>) offsets(%dma_start3A_68 : memref<128xi32, #tpu.memory_space<vmem>>) semaphore(%arg17 : memref<!tpu.dma_semaphore, #tpu.memory_space<semaphore_mem>>)
      %dma_wait3A_72 = arith.constant 0 : i32
      %dma_wait3A_73 = arith.constant 0 : i32
      %dma_wait3A_74 = tpu.memref_slice %arg6[%dma_wait3A_72, %dma_wait3A_73] : memref<2x128xi32, #tpu.memory_space<vmem>> -> memref<1x128xi32, #tpu.memory_space<vmem>>
      %dma_wait3A_75 = tpu.memref_squeeze %dma_wait3A_74 : memref<1x128xi32, #tpu.memory_space<vmem>> -> memref<128xi32, #tpu.memory_space<vmem>>
      %dma_wait3A_76 = arith.constant 0 : i32
      %dma_wait3A_77 = arith.constant 0 : i32
      %dma_wait3A_78 = tpu.memref_slice %arg2[%dma_wait3A_76, %dma_wait3A_77] : memref<10000x128xf32, #tpu.memory_space<hbm>> -> memref<10000x128xf32, #tpu.memory_space<hbm>>
      tpu.wait_indirect_dma semaphore(%arg17 : memref<!tpu.dma_semaphore, #tpu.memory_space<semaphore_mem>>) src(%dma_wait3A_78 : memref<10000x128xf32, #tpu.memory_space<hbm>>) dst(%arg10 : memref<128x128xf32, #tpu.memory_space<vmem>>)
      %dma_start3A_79 = arith.constant 1 : i32
      %dma_start3A_80 = arith.constant 0 : i32
      %dma_start3A_81 = tpu.memref_slice %arg6[%dma_start3A_79, %dma_start3A_80] : memref<2x128xi32, #tpu.memory_space<vmem>> -> memref<1x128xi32, #tpu.memory_space<vmem>>
      %dma_start3A_82 = tpu.memref_squeeze %dma_start3A_81 : memref<1x128xi32, #tpu.memory_space<vmem>> -> memref<128xi32, #tpu.memory_space<vmem>>
      %dma_start3A_83 = arith.constant 0 : i32
      %dma_start3A_84 = arith.constant 0 : i32
      %dma_start3A_85 = tpu.memref_slice %arg12[%dma_start3A_83, %dma_start3A_84] : memref<10240x128xf32, #tpu.memory_space<vmem_shared>> -> memref<10240x128xf32, #tpu.memory_space<vmem_shared>>
      tpu.enqueue_indirect_dma source(%arg10 : memref<128x128xf32, #tpu.memory_space<vmem>>) target(%dma_start3A_85 : memref<10240x128xf32, #tpu.memory_space<vmem_shared>>) offsets(%dma_start3A_82 : memref<128xi32, #tpu.memory_space<vmem>>) semaphore(%arg19 : memref<!tpu.dma_semaphore, #tpu.memory_space<semaphore_mem>>) {add = true}
      %add3A_86 = arith.constant 1 : i32
      %add3A_87 = arith.addi %add3A_43, %add3A_86 : i32
      %gt3A_88 = arith.constant 0 : i32
      %gt3A_89 = arith.cmpi sgt, %add3A_43, %gt3A_88 : i32
      %convert_element_type3A_90 = arith.extui %gt3A_89 : i1 to i32
      %cond3A_91 = arith.constant 0 : i32
      %cond3A_92 = arith.cmpi ne, %convert_element_type3A_90, %cond3A_91 : i32
      scf.if %cond3A_92 {
        %dma_wait3A_215 = arith.constant 1 : i32
        %dma_wait3A_216 = arith.constant 0 : i32
        %dma_wait3A_217 = tpu.memref_slice %arg9[%dma_wait3A_215, %dma_wait3A_216] : memref<2x128xi32, #tpu.memory_space<vmem>> -> memref<1x128xi32, #tpu.memory_space<vmem>>
        %dma_wait3A_218 = tpu.memref_squeeze %dma_wait3A_217 : memref<1x128xi32, #tpu.memory_space<vmem>> -> memref<128xi32, #tpu.memory_space<vmem>>
        %dma_wait3A_219 = arith.constant 0 : i32
        %dma_wait3A_220 = arith.constant 0 : i32
        %dma_wait3A_221 = tpu.memref_slice %arg12[%dma_wait3A_219, %dma_wait3A_220] : memref<10240x128xf32, #tpu.memory_space<vmem_shared>> -> memref<10240x128xf32, #tpu.memory_space<vmem_shared>>
        tpu.wait_indirect_dma semaphore(%arg20 : memref<!tpu.dma_semaphore, #tpu.memory_space<semaphore_mem>>) src(%arg11 : memref<128x128xf32, #tpu.memory_space<vmem>>) dst(%dma_wait3A_221 : memref<10240x128xf32, #tpu.memory_space<vmem_shared>>)
      } else {
      }
      %add3A_93 = arith.constant 2 : i32
      %add3A_94 = arith.addi %add3A_87, %add3A_93 : i32
      %add3A_95 = arith.addi %select_n3A_13, %add3A_94 : i32
      %mul3A_96 = arith.constant 2 : i32
      %mul3A_97 = arith.muli %add3A_95, %mul3A_96 : i32
      %dma_start3A_98 = arith.constant 0 : i32
      %dma_start3A_99 = tpu.memref_slice %arg3[%mul3A_97, %dma_start3A_98] : memref<5120x128xi32, #tpu.memory_space<hbm>> -> memref<2x128xi32, #tpu.memory_space<hbm>>
      %dma_start3A_100 = arith.constant 0 : i32
      %dma_start3A_101 = tpu.memref_slice %arg3[%mul3A_97, %dma_start3A_100] : memref<5120x128xi32, #tpu.memory_space<hbm>> -> memref<2x128xi32, #tpu.memory_space<hbm>>
      tpu.enqueue_dma source(%dma_start3A_101 : memref<2x128xi32, #tpu.memory_space<hbm>>) target(%arg9 : memref<2x128xi32, #tpu.memory_space<vmem>>) target_semaphore(%arg16 : memref<!tpu.dma_semaphore, #tpu.memory_space<semaphore_mem>>)
      %add3A_102 = arith.addi %select_n3A_13, %add3A_87 : i32
      %mul3A_103 = arith.constant 2 : i32
      %mul3A_104 = arith.muli %add3A_102, %mul3A_103 : i32
      %dma_wait3A_105 = arith.constant 0 : i32
      %dma_wait3A_106 = tpu.memref_slice %arg3[%mul3A_104, %dma_wait3A_105] : memref<5120x128xi32, #tpu.memory_space<hbm>> -> memref<2x128xi32, #tpu.memory_space<hbm>>
      %dma_wait3A_107 = arith.constant 0 : i32
      %dma_wait3A_108 = tpu.memref_slice %arg3[%mul3A_104, %dma_wait3A_107] : memref<5120x128xi32, #tpu.memory_space<hbm>> -> memref<2x128xi32, #tpu.memory_space<hbm>>
      tpu.wait_dma2 semaphore(%arg14 : memref<!tpu.dma_semaphore, #tpu.memory_space<semaphore_mem>>) src(%dma_wait3A_108 : memref<2x128xi32, #tpu.memory_space<hbm>>) dst(%arg7 : memref<2x128xi32, #tpu.memory_space<vmem>>)
      %dma_start3A_109 = arith.constant 0 : i32
      %dma_start3A_110 = arith.constant 0 : i32
      %dma_start3A_111 = tpu.memref_slice %arg7[%dma_start3A_109, %dma_start3A_110] : memref<2x128xi32, #tpu.memory_space<vmem>> -> memref<1x128xi32, #tpu.memory_space<vmem>>
      %dma_start3A_112 = tpu.memref_squeeze %dma_start3A_111 : memref<1x128xi32, #tpu.memory_space<vmem>> -> memref<128xi32, #tpu.memory_space<vmem>>
      %dma_start3A_113 = arith.constant 0 : i32
      %dma_start3A_114 = arith.constant 0 : i32
      %dma_start3A_115 = tpu.memref_slice %arg2[%dma_start3A_113, %dma_start3A_114] : memref<10000x128xf32, #tpu.memory_space<hbm>> -> memref<10000x128xf32, #tpu.memory_space<hbm>>
      tpu.enqueue_indirect_dma source(%dma_start3A_115 : memref<10000x128xf32, #tpu.memory_space<hbm>>) target(%arg11 : memref<128x128xf32, #tpu.memory_space<vmem>>) offsets(%dma_start3A_112 : memref<128xi32, #tpu.memory_space<vmem>>) semaphore(%arg18 : memref<!tpu.dma_semaphore, #tpu.memory_space<semaphore_mem>>)
      %dma_wait3A_116 = arith.constant 0 : i32
      %dma_wait3A_117 = arith.constant 0 : i32
      %dma_wait3A_118 = tpu.memref_slice %arg7[%dma_wait3A_116, %dma_wait3A_117] : memref<2x128xi32, #tpu.memory_space<vmem>> -> memref<1x128xi32, #tpu.memory_space<vmem>>
      %dma_wait3A_119 = tpu.memref_squeeze %dma_wait3A_118 : memref<1x128xi32, #tpu.memory_space<vmem>> -> memref<128xi32, #tpu.memory_space<vmem>>
      %dma_wait3A_120 = arith.constant 0 : i32
      %dma_wait3A_121 = arith.constant 0 : i32
      %dma_wait3A_122 = tpu.memref_slice %arg2[%dma_wait3A_120, %dma_wait3A_121] : memref<10000x128xf32, #tpu.memory_space<hbm>> -> memref<10000x128xf32, #tpu.memory_space<hbm>>
      tpu.wait_indirect_dma semaphore(%arg18 : memref<!tpu.dma_semaphore, #tpu.memory_space<semaphore_mem>>) src(%dma_wait3A_122 : memref<10000x128xf32, #tpu.memory_space<hbm>>) dst(%arg11 : memref<128x128xf32, #tpu.memory_space<vmem>>)
      %dma_start3A_123 = arith.constant 1 : i32
      %dma_start3A_124 = arith.constant 0 : i32
      %dma_start3A_125 = tpu.memref_slice %arg7[%dma_start3A_123, %dma_start3A_124] : memref<2x128xi32, #tpu.memory_space<vmem>> -> memref<1x128xi32, #tpu.memory_space<vmem>>
      %dma_start3A_126 = tpu.memref_squeeze %dma_start3A_125 : memref<1x128xi32, #tpu.memory_space<vmem>> -> memref<128xi32, #tpu.memory_space<vmem>>
      %dma_start3A_127 = arith.constant 0 : i32
      %dma_start3A_128 = arith.constant 0 : i32
      %dma_start3A_129 = tpu.memref_slice %arg12[%dma_start3A_127, %dma_start3A_128] : memref<10240x128xf32, #tpu.memory_space<vmem_shared>> -> memref<10240x128xf32, #tpu.memory_space<vmem_shared>>
      tpu.enqueue_indirect_dma source(%arg11 : memref<128x128xf32, #tpu.memory_space<vmem>>) target(%dma_start3A_129 : memref<10240x128xf32, #tpu.memory_space<vmem_shared>>) offsets(%dma_start3A_126 : memref<128xi32, #tpu.memory_space<vmem>>) semaphore(%arg20 : memref<!tpu.dma_semaphore, #tpu.memory_space<semaphore_mem>>) {add = true}
      %add3A_130 = arith.constant 2 : i32
      %add3A_131 = arith.addi %add3A_43, %add3A_130 : i32
      %dma_wait3A_132 = arith.constant 1 : i32
      %dma_wait3A_133 = arith.constant 0 : i32
      %dma_wait3A_134 = tpu.memref_slice %arg6[%dma_wait3A_132, %dma_wait3A_133] : memref<2x128xi32, #tpu.memory_space<vmem>> -> memref<1x128xi32, #tpu.memory_space<vmem>>
      %dma_wait3A_135 = tpu.memref_squeeze %dma_wait3A_134 : memref<1x128xi32, #tpu.memory_space<vmem>> -> memref<128xi32, #tpu.memory_space<vmem>>
      %dma_wait3A_136 = arith.constant 0 : i32
      %dma_wait3A_137 = arith.constant 0 : i32
      %dma_wait3A_138 = tpu.memref_slice %arg12[%dma_wait3A_136, %dma_wait3A_137] : memref<10240x128xf32, #tpu.memory_space<vmem_shared>> -> memref<10240x128xf32, #tpu.memory_space<vmem_shared>>
      tpu.wait_indirect_dma semaphore(%arg19 : memref<!tpu.dma_semaphore, #tpu.memory_space<semaphore_mem>>) src(%arg10 : memref<128x128xf32, #tpu.memory_space<vmem>>) dst(%dma_wait3A_138 : memref<10240x128xf32, #tpu.memory_space<vmem_shared>>)
      %add3A_139 = arith.constant 2 : i32
      %add3A_140 = arith.addi %add3A_131, %add3A_139 : i32
      %lt3A = arith.cmpi slt, %add3A_140, %select_n3A : i32
      %convert_element_type3A_141 = arith.extui %lt3A : i1 to i32
      %cond3A_142 = arith.constant 0 : i32
      %cond3A_143 = arith.cmpi ne, %convert_element_type3A_141, %cond3A_142 : i32
      scf.if %cond3A_143 {
        %add3A_215 = arith.constant 2 : i32
        %add3A_216 = arith.addi %add3A_131, %add3A_215 : i32
        %add3A_217 = arith.addi %select_n3A_13, %add3A_216 : i32
        %mul3A_218 = arith.constant 2 : i32
        %mul3A_219 = arith.muli %add3A_217, %mul3A_218 : i32
        %dma_start3A_220 = arith.constant 0 : i32
        %dma_start3A_221 = tpu.memref_slice %arg3[%mul3A_219, %dma_start3A_220] : memref<5120x128xi32, #tpu.memory_space<hbm>> -> memref<2x128xi32, #tpu.memory_space<hbm>>
        %dma_start3A_222 = arith.constant 0 : i32
        %dma_start3A_223 = tpu.memref_slice %arg3[%mul3A_219, %dma_start3A_222] : memref<5120x128xi32, #tpu.memory_space<hbm>> -> memref<2x128xi32, #tpu.memory_space<hbm>>
        tpu.enqueue_dma source(%dma_start3A_223 : memref<2x128xi32, #tpu.memory_space<hbm>>) target(%arg6 : memref<2x128xi32, #tpu.memory_space<vmem>>) target_semaphore(%arg13 : memref<!tpu.dma_semaphore, #tpu.memory_space<semaphore_mem>>)
      } else {
      }
      %add3A_144 = arith.addi %select_n3A_13, %add3A_131 : i32
      %mul3A_145 = arith.constant 2 : i32
      %mul3A_146 = arith.muli %add3A_144, %mul3A_145 : i32
      %dma_wait3A_147 = arith.constant 0 : i32
      %dma_wait3A_148 = tpu.memref_slice %arg3[%mul3A_146, %dma_wait3A_147] : memref<5120x128xi32, #tpu.memory_space<hbm>> -> memref<2x128xi32, #tpu.memory_space<hbm>>
      %dma_wait3A_149 = arith.constant 0 : i32
      %dma_wait3A_150 = tpu.memref_slice %arg3[%mul3A_146, %dma_wait3A_149] : memref<5120x128xi32, #tpu.memory_space<hbm>> -> memref<2x128xi32, #tpu.memory_space<hbm>>
      tpu.wait_dma2 semaphore(%arg15 : memref<!tpu.dma_semaphore, #tpu.memory_space<semaphore_mem>>) src(%dma_wait3A_150 : memref<2x128xi32, #tpu.memory_space<hbm>>) dst(%arg8 : memref<2x128xi32, #tpu.memory_space<vmem>>)
      %dma_start3A_151 = arith.constant 0 : i32
      %dma_start3A_152 = arith.constant 0 : i32
      %dma_start3A_153 = tpu.memref_slice %arg8[%dma_start3A_151, %dma_start3A_152] : memref<2x128xi32, #tpu.memory_space<vmem>> -> memref<1x128xi32, #tpu.memory_space<vmem>>
      %dma_start3A_154 = tpu.memref_squeeze %dma_start3A_153 : memref<1x128xi32, #tpu.memory_space<vmem>> -> memref<128xi32, #tpu.memory_space<vmem>>
      %dma_start3A_155 = arith.constant 0 : i32
      %dma_start3A_156 = arith.constant 0 : i32
      %dma_start3A_157 = tpu.memref_slice %arg2[%dma_start3A_155, %dma_start3A_156] : memref<10000x128xf32, #tpu.memory_space<hbm>> -> memref<10000x128xf32, #tpu.memory_space<hbm>>
      tpu.enqueue_indirect_dma source(%dma_start3A_157 : memref<10000x128xf32, #tpu.memory_space<hbm>>) target(%arg10 : memref<128x128xf32, #tpu.memory_space<vmem>>) offsets(%dma_start3A_154 : memref<128xi32, #tpu.memory_space<vmem>>) semaphore(%arg17 : memref<!tpu.dma_semaphore, #tpu.memory_space<semaphore_mem>>)
      %dma_wait3A_158 = arith.constant 0 : i32
      %dma_wait3A_159 = arith.constant 0 : i32
      %dma_wait3A_160 = tpu.memref_slice %arg8[%dma_wait3A_158, %dma_wait3A_159] : memref<2x128xi32, #tpu.memory_space<vmem>> -> memref<1x128xi32, #tpu.memory_space<vmem>>
      %dma_wait3A_161 = tpu.memref_squeeze %dma_wait3A_160 : memref<1x128xi32, #tpu.memory_space<vmem>> -> memref<128xi32, #tpu.memory_space<vmem>>
      %dma_wait3A_162 = arith.constant 0 : i32
      %dma_wait3A_163 = arith.constant 0 : i32
      %dma_wait3A_164 = tpu.memref_slice %arg2[%dma_wait3A_162, %dma_wait3A_163] : memref<10000x128xf32, #tpu.memory_space<hbm>> -> memref<10000x128xf32, #tpu.memory_space<hbm>>
      tpu.wait_indirect_dma semaphore(%arg17 : memref<!tpu.dma_semaphore, #tpu.memory_space<semaphore_mem>>) src(%dma_wait3A_164 : memref<10000x128xf32, #tpu.memory_space<hbm>>) dst(%arg10 : memref<128x128xf32, #tpu.memory_space<vmem>>)
      %dma_start3A_165 = arith.constant 1 : i32
      %dma_start3A_166 = arith.constant 0 : i32
      %dma_start3A_167 = tpu.memref_slice %arg8[%dma_start3A_165, %dma_start3A_166] : memref<2x128xi32, #tpu.memory_space<vmem>> -> memref<1x128xi32, #tpu.memory_space<vmem>>
      %dma_start3A_168 = tpu.memref_squeeze %dma_start3A_167 : memref<1x128xi32, #tpu.memory_space<vmem>> -> memref<128xi32, #tpu.memory_space<vmem>>
      %dma_start3A_169 = arith.constant 0 : i32
      %dma_start3A_170 = arith.constant 0 : i32
      %dma_start3A_171 = tpu.memref_slice %arg12[%dma_start3A_169, %dma_start3A_170] : memref<10240x128xf32, #tpu.memory_space<vmem_shared>> -> memref<10240x128xf32, #tpu.memory_space<vmem_shared>>
      tpu.enqueue_indirect_dma source(%arg10 : memref<128x128xf32, #tpu.memory_space<vmem>>) target(%dma_start3A_171 : memref<10240x128xf32, #tpu.memory_space<vmem_shared>>) offsets(%dma_start3A_168 : memref<128xi32, #tpu.memory_space<vmem>>) semaphore(%arg19 : memref<!tpu.dma_semaphore, #tpu.memory_space<semaphore_mem>>) {add = true}
      %add3A_172 = arith.constant 3 : i32
      %add3A_173 = arith.addi %add3A_43, %add3A_172 : i32
      %dma_wait3A_174 = arith.constant 1 : i32
      %dma_wait3A_175 = arith.constant 0 : i32
      %dma_wait3A_176 = tpu.memref_slice %arg7[%dma_wait3A_174, %dma_wait3A_175] : memref<2x128xi32, #tpu.memory_space<vmem>> -> memref<1x128xi32, #tpu.memory_space<vmem>>
      %dma_wait3A_177 = tpu.memref_squeeze %dma_wait3A_176 : memref<1x128xi32, #tpu.memory_space<vmem>> -> memref<128xi32, #tpu.memory_space<vmem>>
      %dma_wait3A_178 = arith.constant 0 : i32
      %dma_wait3A_179 = arith.constant 0 : i32
      %dma_wait3A_180 = tpu.memref_slice %arg12[%dma_wait3A_178, %dma_wait3A_179] : memref<10240x128xf32, #tpu.memory_space<vmem_shared>> -> memref<10240x128xf32, #tpu.memory_space<vmem_shared>>
      tpu.wait_indirect_dma semaphore(%arg20 : memref<!tpu.dma_semaphore, #tpu.memory_space<semaphore_mem>>) src(%arg11 : memref<128x128xf32, #tpu.memory_space<vmem>>) dst(%dma_wait3A_180 : memref<10240x128xf32, #tpu.memory_space<vmem_shared>>)
      %add3A_181 = arith.constant 2 : i32
      %add3A_182 = arith.addi %add3A_173, %add3A_181 : i32
      %lt3A_183 = arith.cmpi slt, %add3A_182, %select_n3A : i32
      %convert_element_type3A_184 = arith.extui %lt3A_183 : i1 to i32
      %cond3A_185 = arith.constant 0 : i32
      %cond3A_186 = arith.cmpi ne, %convert_element_type3A_184, %cond3A_185 : i32
      scf.if %cond3A_186 {
        %add3A_215 = arith.constant 2 : i32
        %add3A_216 = arith.addi %add3A_173, %add3A_215 : i32
        %add3A_217 = arith.addi %select_n3A_13, %add3A_216 : i32
        %mul3A_218 = arith.constant 2 : i32
        %mul3A_219 = arith.muli %add3A_217, %mul3A_218 : i32
        %dma_start3A_220 = arith.constant 0 : i32
        %dma_start3A_221 = tpu.memref_slice %arg3[%mul3A_219, %dma_start3A_220] : memref<5120x128xi32, #tpu.memory_space<hbm>> -> memref<2x128xi32, #tpu.memory_space<hbm>>
        %dma_start3A_222 = arith.constant 0 : i32
        %dma_start3A_223 = tpu.memref_slice %arg3[%mul3A_219, %dma_start3A_222] : memref<5120x128xi32, #tpu.memory_space<hbm>> -> memref<2x128xi32, #tpu.memory_space<hbm>>
        tpu.enqueue_dma source(%dma_start3A_223 : memref<2x128xi32, #tpu.memory_space<hbm>>) target(%arg7 : memref<2x128xi32, #tpu.memory_space<vmem>>) target_semaphore(%arg14 : memref<!tpu.dma_semaphore, #tpu.memory_space<semaphore_mem>>)
      } else {
      }
      %add3A_187 = arith.addi %select_n3A_13, %add3A_173 : i32
      %mul3A_188 = arith.constant 2 : i32
      %mul3A_189 = arith.muli %add3A_187, %mul3A_188 : i32
      %dma_wait3A_190 = arith.constant 0 : i32
      %dma_wait3A_191 = tpu.memref_slice %arg3[%mul3A_189, %dma_wait3A_190] : memref<5120x128xi32, #tpu.memory_space<hbm>> -> memref<2x128xi32, #tpu.memory_space<hbm>>
      %dma_wait3A_192 = arith.constant 0 : i32
      %dma_wait3A_193 = tpu.memref_slice %arg3[%mul3A_189, %dma_wait3A_192] : memref<5120x128xi32, #tpu.memory_space<hbm>> -> memref<2x128xi32, #tpu.memory_space<hbm>>
      tpu.wait_dma2 semaphore(%arg16 : memref<!tpu.dma_semaphore, #tpu.memory_space<semaphore_mem>>) src(%dma_wait3A_193 : memref<2x128xi32, #tpu.memory_space<hbm>>) dst(%arg9 : memref<2x128xi32, #tpu.memory_space<vmem>>)
      %dma_start3A_194 = arith.constant 0 : i32
      %dma_start3A_195 = arith.constant 0 : i32
      %dma_start3A_196 = tpu.memref_slice %arg9[%dma_start3A_194, %dma_start3A_195] : memref<2x128xi32, #tpu.memory_space<vmem>> -> memref<1x128xi32, #tpu.memory_space<vmem>>
      %dma_start3A_197 = tpu.memref_squeeze %dma_start3A_196 : memref<1x128xi32, #tpu.memory_space<vmem>> -> memref<128xi32, #tpu.memory_space<vmem>>
      %dma_start3A_198 = arith.constant 0 : i32
      %dma_start3A_199 = arith.constant 0 : i32
      %dma_start3A_200 = tpu.memref_slice %arg2[%dma_start3A_198, %dma_start3A_199] : memref<10000x128xf32, #tpu.memory_space<hbm>> -> memref<10000x128xf32, #tpu.memory_space<hbm>>
      tpu.enqueue_indirect_dma source(%dma_start3A_200 : memref<10000x128xf32, #tpu.memory_space<hbm>>) target(%arg11 : memref<128x128xf32, #tpu.memory_space<vmem>>) offsets(%dma_start3A_197 : memref<128xi32, #tpu.memory_space<vmem>>) semaphore(%arg18 : memref<!tpu.dma_semaphore, #tpu.memory_space<semaphore_mem>>)
      %dma_wait3A_201 = arith.constant 0 : i32
      %dma_wait3A_202 = arith.constant 0 : i32
      %dma_wait3A_203 = tpu.memref_slice %arg9[%dma_wait3A_201, %dma_wait3A_202] : memref<2x128xi32, #tpu.memory_space<vmem>> -> memref<1x128xi32, #tpu.memory_space<vmem>>
      %dma_wait3A_204 = tpu.memref_squeeze %dma_wait3A_203 : memref<1x128xi32, #tpu.memory_space<vmem>> -> memref<128xi32, #tpu.memory_space<vmem>>
      %dma_wait3A_205 = arith.constant 0 : i32
      %dma_wait3A_206 = arith.constant 0 : i32
      %dma_wait3A_207 = tpu.memref_slice %arg2[%dma_wait3A_205, %dma_wait3A_206] : memref<10000x128xf32, #tpu.memory_space<hbm>> -> memref<10000x128xf32, #tpu.memory_space<hbm>>
      tpu.wait_indirect_dma semaphore(%arg18 : memref<!tpu.dma_semaphore, #tpu.memory_space<semaphore_mem>>) src(%dma_wait3A_207 : memref<10000x128xf32, #tpu.memory_space<hbm>>) dst(%arg11 : memref<128x128xf32, #tpu.memory_space<vmem>>)
      %dma_start3A_208 = arith.constant 1 : i32
      %dma_start3A_209 = arith.constant 0 : i32
      %dma_start3A_210 = tpu.memref_slice %arg9[%dma_start3A_208, %dma_start3A_209] : memref<2x128xi32, #tpu.memory_space<vmem>> -> memref<1x128xi32, #tpu.memory_space<vmem>>
      %dma_start3A_211 = tpu.memref_squeeze %dma_start3A_210 : memref<1x128xi32, #tpu.memory_space<vmem>> -> memref<128xi32, #tpu.memory_space<vmem>>
      %dma_start3A_212 = arith.constant 0 : i32
      %dma_start3A_213 = arith.constant 0 : i32
      %dma_start3A_214 = tpu.memref_slice %arg12[%dma_start3A_212, %dma_start3A_213] : memref<10240x128xf32, #tpu.memory_space<vmem_shared>> -> memref<10240x128xf32, #tpu.memory_space<vmem_shared>>
      tpu.enqueue_indirect_dma source(%arg11 : memref<128x128xf32, #tpu.memory_space<vmem>>) target(%dma_start3A_214 : memref<10240x128xf32, #tpu.memory_space<vmem_shared>>) offsets(%dma_start3A_211 : memref<128xi32, #tpu.memory_space<vmem>>) semaphore(%arg20 : memref<!tpu.dma_semaphore, #tpu.memory_space<semaphore_mem>>) {add = true}
    }
    %while3A_31 = arith.constant 1 : i32
    scf.for %while3A_41 = %while3A_29 to %while3A_25 step %while3A_31  : i32 {
      %mul3A_42 = arith.muli %while3A_41, %while3A : i32
      %add3A_43 = arith.addi %while3A_22, %mul3A_42 : i32
      %add3A_44 = arith.constant 0 : i32
      %add3A_45 = arith.addi %add3A_43, %add3A_44 : i32
      %gt3A_46 = arith.constant 0 : i32
      %gt3A_47 = arith.cmpi sgt, %add3A_43, %gt3A_46 : i32
      %convert_element_type3A_48 = arith.extui %gt3A_47 : i1 to i32
      %cond3A_49 = arith.constant 0 : i32
      %cond3A_50 = arith.cmpi ne, %convert_element_type3A_48, %cond3A_49 : i32
      scf.if %cond3A_50 {
        %dma_wait3A_215 = arith.constant 1 : i32
        %dma_wait3A_216 = arith.constant 0 : i32
        %dma_wait3A_217 = tpu.memref_slice %arg8[%dma_wait3A_215, %dma_wait3A_216] : memref<2x128xi32, #tpu.memory_space<vmem>> -> memref<1x128xi32, #tpu.memory_space<vmem>>
        %dma_wait3A_218 = tpu.memref_squeeze %dma_wait3A_217 : memref<1x128xi32, #tpu.memory_space<vmem>> -> memref<128xi32, #tpu.memory_space<vmem>>
        %dma_wait3A_219 = arith.constant 0 : i32
        %dma_wait3A_220 = arith.constant 0 : i32
        %dma_wait3A_221 = tpu.memref_slice %arg12[%dma_wait3A_219, %dma_wait3A_220] : memref<10240x128xf32, #tpu.memory_space<vmem_shared>> -> memref<10240x128xf32, #tpu.memory_space<vmem_shared>>
        tpu.wait_indirect_dma semaphore(%arg19 : memref<!tpu.dma_semaphore, #tpu.memory_space<semaphore_mem>>) src(%arg10 : memref<128x128xf32, #tpu.memory_space<vmem>>) dst(%dma_wait3A_221 : memref<10240x128xf32, #tpu.memory_space<vmem_shared>>)
      } else {
      }
      %add3A_51 = arith.constant 2 : i32
      %add3A_52 = arith.addi %add3A_45, %add3A_51 : i32
      %add3A_53 = arith.addi %select_n3A_13, %add3A_52 : i32
      %mul3A_54 = arith.constant 2 : i32
      %mul3A_55 = arith.muli %add3A_53, %mul3A_54 : i32
      %dma_start3A = arith.constant 0 : i32
      %dma_start3A_56 = tpu.memref_slice %arg3[%mul3A_55, %dma_start3A] : memref<5120x128xi32, #tpu.memory_space<hbm>> -> memref<2x128xi32, #tpu.memory_space<hbm>>
      %dma_start3A_57 = arith.constant 0 : i32
      %dma_start3A_58 = tpu.memref_slice %arg3[%mul3A_55, %dma_start3A_57] : memref<5120x128xi32, #tpu.memory_space<hbm>> -> memref<2x128xi32, #tpu.memory_space<hbm>>
      tpu.enqueue_dma source(%dma_start3A_58 : memref<2x128xi32, #tpu.memory_space<hbm>>) target(%arg8 : memref<2x128xi32, #tpu.memory_space<vmem>>) target_semaphore(%arg15 : memref<!tpu.dma_semaphore, #tpu.memory_space<semaphore_mem>>)
      %add3A_59 = arith.addi %select_n3A_13, %add3A_45 : i32
      %mul3A_60 = arith.constant 2 : i32
      %mul3A_61 = arith.muli %add3A_59, %mul3A_60 : i32
      %dma_wait3A = arith.constant 0 : i32
      %dma_wait3A_62 = tpu.memref_slice %arg3[%mul3A_61, %dma_wait3A] : memref<5120x128xi32, #tpu.memory_space<hbm>> -> memref<2x128xi32, #tpu.memory_space<hbm>>
      %dma_wait3A_63 = arith.constant 0 : i32
      %dma_wait3A_64 = tpu.memref_slice %arg3[%mul3A_61, %dma_wait3A_63] : memref<5120x128xi32, #tpu.memory_space<hbm>> -> memref<2x128xi32, #tpu.memory_space<hbm>>
      tpu.wait_dma2 semaphore(%arg13 : memref<!tpu.dma_semaphore, #tpu.memory_space<semaphore_mem>>) src(%dma_wait3A_64 : memref<2x128xi32, #tpu.memory_space<hbm>>) dst(%arg6 : memref<2x128xi32, #tpu.memory_space<vmem>>)
      %dma_start3A_65 = arith.constant 0 : i32
      %dma_start3A_66 = arith.constant 0 : i32
      %dma_start3A_67 = tpu.memref_slice %arg6[%dma_start3A_65, %dma_start3A_66] : memref<2x128xi32, #tpu.memory_space<vmem>> -> memref<1x128xi32, #tpu.memory_space<vmem>>
      %dma_start3A_68 = tpu.memref_squeeze %dma_start3A_67 : memref<1x128xi32, #tpu.memory_space<vmem>> -> memref<128xi32, #tpu.memory_space<vmem>>
      %dma_start3A_69 = arith.constant 0 : i32
      %dma_start3A_70 = arith.constant 0 : i32
      %dma_start3A_71 = tpu.memref_slice %arg2[%dma_start3A_69, %dma_start3A_70] : memref<10000x128xf32, #tpu.memory_space<hbm>> -> memref<10000x128xf32, #tpu.memory_space<hbm>>
      tpu.enqueue_indirect_dma source(%dma_start3A_71 : memref<10000x128xf32, #tpu.memory_space<hbm>>) target(%arg10 : memref<128x128xf32, #tpu.memory_space<vmem>>) offsets(%dma_start3A_68 : memref<128xi32, #tpu.memory_space<vmem>>) semaphore(%arg17 : memref<!tpu.dma_semaphore, #tpu.memory_space<semaphore_mem>>)
      %dma_wait3A_72 = arith.constant 0 : i32
      %dma_wait3A_73 = arith.constant 0 : i32
      %dma_wait3A_74 = tpu.memref_slice %arg6[%dma_wait3A_72, %dma_wait3A_73] : memref<2x128xi32, #tpu.memory_space<vmem>> -> memref<1x128xi32, #tpu.memory_space<vmem>>
      %dma_wait3A_75 = tpu.memref_squeeze %dma_wait3A_74 : memref<1x128xi32, #tpu.memory_space<vmem>> -> memref<128xi32, #tpu.memory_space<vmem>>
      %dma_wait3A_76 = arith.constant 0 : i32
      %dma_wait3A_77 = arith.constant 0 : i32
      %dma_wait3A_78 = tpu.memref_slice %arg2[%dma_wait3A_76, %dma_wait3A_77] : memref<10000x128xf32, #tpu.memory_space<hbm>> -> memref<10000x128xf32, #tpu.memory_space<hbm>>
      tpu.wait_indirect_dma semaphore(%arg17 : memref<!tpu.dma_semaphore, #tpu.memory_space<semaphore_mem>>) src(%dma_wait3A_78 : memref<10000x128xf32, #tpu.memory_space<hbm>>) dst(%arg10 : memref<128x128xf32, #tpu.memory_space<vmem>>)
      %dma_start3A_79 = arith.constant 1 : i32
      %dma_start3A_80 = arith.constant 0 : i32
      %dma_start3A_81 = tpu.memref_slice %arg6[%dma_start3A_79, %dma_start3A_80] : memref<2x128xi32, #tpu.memory_space<vmem>> -> memref<1x128xi32, #tpu.memory_space<vmem>>
      %dma_start3A_82 = tpu.memref_squeeze %dma_start3A_81 : memref<1x128xi32, #tpu.memory_space<vmem>> -> memref<128xi32, #tpu.memory_space<vmem>>
      %dma_start3A_83 = arith.constant 0 : i32
      %dma_start3A_84 = arith.constant 0 : i32
      %dma_start3A_85 = tpu.memref_slice %arg12[%dma_start3A_83, %dma_start3A_84] : memref<10240x128xf32, #tpu.memory_space<vmem_shared>> -> memref<10240x128xf32, #tpu.memory_space<vmem_shared>>
      tpu.enqueue_indirect_dma source(%arg10 : memref<128x128xf32, #tpu.memory_space<vmem>>) target(%dma_start3A_85 : memref<10240x128xf32, #tpu.memory_space<vmem_shared>>) offsets(%dma_start3A_82 : memref<128xi32, #tpu.memory_space<vmem>>) semaphore(%arg19 : memref<!tpu.dma_semaphore, #tpu.memory_space<semaphore_mem>>) {add = true}
      %add3A_86 = arith.constant 1 : i32
      %add3A_87 = arith.addi %add3A_43, %add3A_86 : i32
      %gt3A_88 = arith.constant 0 : i32
      %gt3A_89 = arith.cmpi sgt, %add3A_43, %gt3A_88 : i32
      %convert_element_type3A_90 = arith.extui %gt3A_89 : i1 to i32
      %cond3A_91 = arith.constant 0 : i32
      %cond3A_92 = arith.cmpi ne, %convert_element_type3A_90, %cond3A_91 : i32
      scf.if %cond3A_92 {
        %dma_wait3A_215 = arith.constant 1 : i32
        %dma_wait3A_216 = arith.constant 0 : i32
        %dma_wait3A_217 = tpu.memref_slice %arg9[%dma_wait3A_215, %dma_wait3A_216] : memref<2x128xi32, #tpu.memory_space<vmem>> -> memref<1x128xi32, #tpu.memory_space<vmem>>
        %dma_wait3A_218 = tpu.memref_squeeze %dma_wait3A_217 : memref<1x128xi32, #tpu.memory_space<vmem>> -> memref<128xi32, #tpu.memory_space<vmem>>
        %dma_wait3A_219 = arith.constant 0 : i32
        %dma_wait3A_220 = arith.constant 0 : i32
        %dma_wait3A_221 = tpu.memref_slice %arg12[%dma_wait3A_219, %dma_wait3A_220] : memref<10240x128xf32, #tpu.memory_space<vmem_shared>> -> memref<10240x128xf32, #tpu.memory_space<vmem_shared>>
        tpu.wait_indirect_dma semaphore(%arg20 : memref<!tpu.dma_semaphore, #tpu.memory_space<semaphore_mem>>) src(%arg11 : memref<128x128xf32, #tpu.memory_space<vmem>>) dst(%dma_wait3A_221 : memref<10240x128xf32, #tpu.memory_space<vmem_shared>>)
      } else {
      }
      %add3A_93 = arith.constant 2 : i32
      %add3A_94 = arith.addi %add3A_87, %add3A_93 : i32
      %add3A_95 = arith.addi %select_n3A_13, %add3A_94 : i32
      %mul3A_96 = arith.constant 2 : i32
      %mul3A_97 = arith.muli %add3A_95, %mul3A_96 : i32
      %dma_start3A_98 = arith.constant 0 : i32
      %dma_start3A_99 = tpu.memref_slice %arg3[%mul3A_97, %dma_start3A_98] : memref<5120x128xi32, #tpu.memory_space<hbm>> -> memref<2x128xi32, #tpu.memory_space<hbm>>
      %dma_start3A_100 = arith.constant 0 : i32
      %dma_start3A_101 = tpu.memref_slice %arg3[%mul3A_97, %dma_start3A_100] : memref<5120x128xi32, #tpu.memory_space<hbm>> -> memref<2x128xi32, #tpu.memory_space<hbm>>
      tpu.enqueue_dma source(%dma_start3A_101 : memref<2x128xi32, #tpu.memory_space<hbm>>) target(%arg9 : memref<2x128xi32, #tpu.memory_space<vmem>>) target_semaphore(%arg16 : memref<!tpu.dma_semaphore, #tpu.memory_space<semaphore_mem>>)
      %add3A_102 = arith.addi %select_n3A_13, %add3A_87 : i32
      %mul3A_103 = arith.constant 2 : i32
      %mul3A_104 = arith.muli %add3A_102, %mul3A_103 : i32
      %dma_wait3A_105 = arith.constant 0 : i32
      %dma_wait3A_106 = tpu.memref_slice %arg3[%mul3A_104, %dma_wait3A_105] : memref<5120x128xi32, #tpu.memory_space<hbm>> -> memref<2x128xi32, #tpu.memory_space<hbm>>
      %dma_wait3A_107 = arith.constant 0 : i32
      %dma_wait3A_108 = tpu.memref_slice %arg3[%mul3A_104, %dma_wait3A_107] : memref<5120x128xi32, #tpu.memory_space<hbm>> -> memref<2x128xi32, #tpu.memory_space<hbm>>
      tpu.wait_dma2 semaphore(%arg14 : memref<!tpu.dma_semaphore, #tpu.memory_space<semaphore_mem>>) src(%dma_wait3A_108 : memref<2x128xi32, #tpu.memory_space<hbm>>) dst(%arg7 : memref<2x128xi32, #tpu.memory_space<vmem>>)
      %dma_start3A_109 = arith.constant 0 : i32
      %dma_start3A_110 = arith.constant 0 : i32
      %dma_start3A_111 = tpu.memref_slice %arg7[%dma_start3A_109, %dma_start3A_110] : memref<2x128xi32, #tpu.memory_space<vmem>> -> memref<1x128xi32, #tpu.memory_space<vmem>>
      %dma_start3A_112 = tpu.memref_squeeze %dma_start3A_111 : memref<1x128xi32, #tpu.memory_space<vmem>> -> memref<128xi32, #tpu.memory_space<vmem>>
      %dma_start3A_113 = arith.constant 0 : i32
      %dma_start3A_114 = arith.constant 0 : i32
      %dma_start3A_115 = tpu.memref_slice %arg2[%dma_start3A_113, %dma_start3A_114] : memref<10000x128xf32, #tpu.memory_space<hbm>> -> memref<10000x128xf32, #tpu.memory_space<hbm>>
      tpu.enqueue_indirect_dma source(%dma_start3A_115 : memref<10000x128xf32, #tpu.memory_space<hbm>>) target(%arg11 : memref<128x128xf32, #tpu.memory_space<vmem>>) offsets(%dma_start3A_112 : memref<128xi32, #tpu.memory_space<vmem>>) semaphore(%arg18 : memref<!tpu.dma_semaphore, #tpu.memory_space<semaphore_mem>>)
      %dma_wait3A_116 = arith.constant 0 : i32
      %dma_wait3A_117 = arith.constant 0 : i32
      %dma_wait3A_118 = tpu.memref_slice %arg7[%dma_wait3A_116, %dma_wait3A_117] : memref<2x128xi32, #tpu.memory_space<vmem>> -> memref<1x128xi32, #tpu.memory_space<vmem>>
      %dma_wait3A_119 = tpu.memref_squeeze %dma_wait3A_118 : memref<1x128xi32, #tpu.memory_space<vmem>> -> memref<128xi32, #tpu.memory_space<vmem>>
      %dma_wait3A_120 = arith.constant 0 : i32
      %dma_wait3A_121 = arith.constant 0 : i32
      %dma_wait3A_122 = tpu.memref_slice %arg2[%dma_wait3A_120, %dma_wait3A_121] : memref<10000x128xf32, #tpu.memory_space<hbm>> -> memref<10000x128xf32, #tpu.memory_space<hbm>>
      tpu.wait_indirect_dma semaphore(%arg18 : memref<!tpu.dma_semaphore, #tpu.memory_space<semaphore_mem>>) src(%dma_wait3A_122 : memref<10000x128xf32, #tpu.memory_space<hbm>>) dst(%arg11 : memref<128x128xf32, #tpu.memory_space<vmem>>)
      %dma_start3A_123 = arith.constant 1 : i32
      %dma_start3A_124 = arith.constant 0 : i32
      %dma_start3A_125 = tpu.memref_slice %arg7[%dma_start3A_123, %dma_start3A_124] : memref<2x128xi32, #tpu.memory_space<vmem>> -> memref<1x128xi32, #tpu.memory_space<vmem>>
      %dma_start3A_126 = tpu.memref_squeeze %dma_start3A_125 : memref<1x128xi32, #tpu.memory_space<vmem>> -> memref<128xi32, #tpu.memory_space<vmem>>
      %dma_start3A_127 = arith.constant 0 : i32
      %dma_start3A_128 = arith.constant 0 : i32
      %dma_start3A_129 = tpu.memref_slice %arg12[%dma_start3A_127, %dma_start3A_128] : memref<10240x128xf32, #tpu.memory_space<vmem_shared>> -> memref<10240x128xf32, #tpu.memory_space<vmem_shared>>
      tpu.enqueue_indirect_dma source(%arg11 : memref<128x128xf32, #tpu.memory_space<vmem>>) target(%dma_start3A_129 : memref<10240x128xf32, #tpu.memory_space<vmem_shared>>) offsets(%dma_start3A_126 : memref<128xi32, #tpu.memory_space<vmem>>) semaphore(%arg20 : memref<!tpu.dma_semaphore, #tpu.memory_space<semaphore_mem>>) {add = true}
      %add3A_130 = arith.constant 2 : i32
      %add3A_131 = arith.addi %add3A_43, %add3A_130 : i32
      %dma_wait3A_132 = arith.constant 1 : i32
      %dma_wait3A_133 = arith.constant 0 : i32
      %dma_wait3A_134 = tpu.memref_slice %arg6[%dma_wait3A_132, %dma_wait3A_133] : memref<2x128xi32, #tpu.memory_space<vmem>> -> memref<1x128xi32, #tpu.memory_space<vmem>>
      %dma_wait3A_135 = tpu.memref_squeeze %dma_wait3A_134 : memref<1x128xi32, #tpu.memory_space<vmem>> -> memref<128xi32, #tpu.memory_space<vmem>>
      %dma_wait3A_136 = arith.constant 0 : i32
      %dma_wait3A_137 = arith.constant 0 : i32
      %dma_wait3A_138 = tpu.memref_slice %arg12[%dma_wait3A_136, %dma_wait3A_137] : memref<10240x128xf32, #tpu.memory_space<vmem_shared>> -> memref<10240x128xf32, #tpu.memory_space<vmem_shared>>
      tpu.wait_indirect_dma semaphore(%arg19 : memref<!tpu.dma_semaphore, #tpu.memory_space<semaphore_mem>>) src(%arg10 : memref<128x128xf32, #tpu.memory_space<vmem>>) dst(%dma_wait3A_138 : memref<10240x128xf32, #tpu.memory_space<vmem_shared>>)
      %add3A_139 = arith.constant 2 : i32
      %add3A_140 = arith.addi %add3A_131, %add3A_139 : i32
      %lt3A = arith.cmpi slt, %add3A_140, %select_n3A : i32
      %convert_element_type3A_141 = arith.extui %lt3A : i1 to i32
      %cond3A_142 = arith.constant 0 : i32
      %cond3A_143 = arith.cmpi ne, %convert_element_type3A_141, %cond3A_142 : i32
      scf.if %cond3A_143 {
        %add3A_215 = arith.constant 2 : i32
        %add3A_216 = arith.addi %add3A_131, %add3A_215 : i32
        %add3A_217 = arith.addi %select_n3A_13, %add3A_216 : i32
        %mul3A_218 = arith.constant 2 : i32
        %mul3A_219 = arith.muli %add3A_217, %mul3A_218 : i32
        %dma_start3A_220 = arith.constant 0 : i32
        %dma_start3A_221 = tpu.memref_slice %arg3[%mul3A_219, %dma_start3A_220] : memref<5120x128xi32, #tpu.memory_space<hbm>> -> memref<2x128xi32, #tpu.memory_space<hbm>>
        %dma_start3A_222 = arith.constant 0 : i32
        %dma_start3A_223 = tpu.memref_slice %arg3[%mul3A_219, %dma_start3A_222] : memref<5120x128xi32, #tpu.memory_space<hbm>> -> memref<2x128xi32, #tpu.memory_space<hbm>>
        tpu.enqueue_dma source(%dma_start3A_223 : memref<2x128xi32, #tpu.memory_space<hbm>>) target(%arg6 : memref<2x128xi32, #tpu.memory_space<vmem>>) target_semaphore(%arg13 : memref<!tpu.dma_semaphore, #tpu.memory_space<semaphore_mem>>)
      } else {
      }
      %add3A_144 = arith.addi %select_n3A_13, %add3A_131 : i32
      %mul3A_145 = arith.constant 2 : i32
      %mul3A_146 = arith.muli %add3A_144, %mul3A_145 : i32
      %dma_wait3A_147 = arith.constant 0 : i32
      %dma_wait3A_148 = tpu.memref_slice %arg3[%mul3A_146, %dma_wait3A_147] : memref<5120x128xi32, #tpu.memory_space<hbm>> -> memref<2x128xi32, #tpu.memory_space<hbm>>
      %dma_wait3A_149 = arith.constant 0 : i32
      %dma_wait3A_150 = tpu.memref_slice %arg3[%mul3A_146, %dma_wait3A_149] : memref<5120x128xi32, #tpu.memory_space<hbm>> -> memref<2x128xi32, #tpu.memory_space<hbm>>
      tpu.wait_dma2 semaphore(%arg15 : memref<!tpu.dma_semaphore, #tpu.memory_space<semaphore_mem>>) src(%dma_wait3A_150 : memref<2x128xi32, #tpu.memory_space<hbm>>) dst(%arg8 : memref<2x128xi32, #tpu.memory_space<vmem>>)
      %dma_start3A_151 = arith.constant 0 : i32
      %dma_start3A_152 = arith.constant 0 : i32
      %dma_start3A_153 = tpu.memref_slice %arg8[%dma_start3A_151, %dma_start3A_152] : memref<2x128xi32, #tpu.memory_space<vmem>> -> memref<1x128xi32, #tpu.memory_space<vmem>>
      %dma_start3A_154 = tpu.memref_squeeze %dma_start3A_153 : memref<1x128xi32, #tpu.memory_space<vmem>> -> memref<128xi32, #tpu.memory_space<vmem>>
      %dma_start3A_155 = arith.constant 0 : i32
      %dma_start3A_156 = arith.constant 0 : i32
      %dma_start3A_157 = tpu.memref_slice %arg2[%dma_start3A_155, %dma_start3A_156] : memref<10000x128xf32, #tpu.memory_space<hbm>> -> memref<10000x128xf32, #tpu.memory_space<hbm>>
      tpu.enqueue_indirect_dma source(%dma_start3A_157 : memref<10000x128xf32, #tpu.memory_space<hbm>>) target(%arg10 : memref<128x128xf32, #tpu.memory_space<vmem>>) offsets(%dma_start3A_154 : memref<128xi32, #tpu.memory_space<vmem>>) semaphore(%arg17 : memref<!tpu.dma_semaphore, #tpu.memory_space<semaphore_mem>>)
      %dma_wait3A_158 = arith.constant 0 : i32
      %dma_wait3A_159 = arith.constant 0 : i32
      %dma_wait3A_160 = tpu.memref_slice %arg8[%dma_wait3A_158, %dma_wait3A_159] : memref<2x128xi32, #tpu.memory_space<vmem>> -> memref<1x128xi32, #tpu.memory_space<vmem>>
      %dma_wait3A_161 = tpu.memref_squeeze %dma_wait3A_160 : memref<1x128xi32, #tpu.memory_space<vmem>> -> memref<128xi32, #tpu.memory_space<vmem>>
      %dma_wait3A_162 = arith.constant 0 : i32
      %dma_wait3A_163 = arith.constant 0 : i32
      %dma_wait3A_164 = tpu.memref_slice %arg2[%dma_wait3A_162, %dma_wait3A_163] : memref<10000x128xf32, #tpu.memory_space<hbm>> -> memref<10000x128xf32, #tpu.memory_space<hbm>>
      tpu.wait_indirect_dma semaphore(%arg17 : memref<!tpu.dma_semaphore, #tpu.memory_space<semaphore_mem>>) src(%dma_wait3A_164 : memref<10000x128xf32, #tpu.memory_space<hbm>>) dst(%arg10 : memref<128x128xf32, #tpu.memory_space<vmem>>)
      %dma_start3A_165 = arith.constant 1 : i32
      %dma_start3A_166 = arith.constant 0 : i32
      %dma_start3A_167 = tpu.memref_slice %arg8[%dma_start3A_165, %dma_start3A_166] : memref<2x128xi32, #tpu.memory_space<vmem>> -> memref<1x128xi32, #tpu.memory_space<vmem>>
      %dma_start3A_168 = tpu.memref_squeeze %dma_start3A_167 : memref<1x128xi32, #tpu.memory_space<vmem>> -> memref<128xi32, #tpu.memory_space<vmem>>
      %dma_start3A_169 = arith.constant 0 : i32
      %dma_start3A_170 = arith.constant 0 : i32
      %dma_start3A_171 = tpu.memref_slice %arg12[%dma_start3A_169, %dma_start3A_170] : memref<10240x128xf32, #tpu.memory_space<vmem_shared>> -> memref<10240x128xf32, #tpu.memory_space<vmem_shared>>
      tpu.enqueue_indirect_dma source(%arg10 : memref<128x128xf32, #tpu.memory_space<vmem>>) target(%dma_start3A_171 : memref<10240x128xf32, #tpu.memory_space<vmem_shared>>) offsets(%dma_start3A_168 : memref<128xi32, #tpu.memory_space<vmem>>) semaphore(%arg19 : memref<!tpu.dma_semaphore, #tpu.memory_space<semaphore_mem>>) {add = true}
      %add3A_172 = arith.constant 3 : i32
      %add3A_173 = arith.addi %add3A_43, %add3A_172 : i32
      %dma_wait3A_174 = arith.constant 1 : i32
      %dma_wait3A_175 = arith.constant 0 : i32
      %dma_wait3A_176 = tpu.memref_slice %arg7[%dma_wait3A_174, %dma_wait3A_175] : memref<2x128xi32, #tpu.memory_space<vmem>> -> memref<1x128xi32, #tpu.memory_space<vmem>>
      %dma_wait3A_177 = tpu.memref_squeeze %dma_wait3A_176 : memref<1x128xi32, #tpu.memory_space<vmem>> -> memref<128xi32, #tpu.memory_space<vmem>>
      %dma_wait3A_178 = arith.constant 0 : i32
      %dma_wait3A_179 = arith.constant 0 : i32
      %dma_wait3A_180 = tpu.memref_slice %arg12[%dma_wait3A_178, %dma_wait3A_179] : memref<10240x128xf32, #tpu.memory_space<vmem_shared>> -> memref<10240x128xf32, #tpu.memory_space<vmem_shared>>
      tpu.wait_indirect_dma semaphore(%arg20 : memref<!tpu.dma_semaphore, #tpu.memory_space<semaphore_mem>>) src(%arg11 : memref<128x128xf32, #tpu.memory_space<vmem>>) dst(%dma_wait3A_180 : memref<10240x128xf32, #tpu.memory_space<vmem_shared>>)
      %add3A_181 = arith.constant 2 : i32
      %add3A_182 = arith.addi %add3A_173, %add3A_181 : i32
      %lt3A_183 = arith.cmpi slt, %add3A_182, %select_n3A : i32
      %convert_element_type3A_184 = arith.extui %lt3A_183 : i1 to i32
      %cond3A_185 = arith.constant 0 : i32
      %cond3A_186 = arith.cmpi ne, %convert_element_type3A_184, %cond3A_185 : i32
      scf.if %cond3A_186 {
        %add3A_215 = arith.constant 2 : i32
        %add3A_216 = arith.addi %add3A_173, %add3A_215 : i32
        %add3A_217 = arith.addi %select_n3A_13, %add3A_216 : i32
        %mul3A_218 = arith.constant 2 : i32
        %mul3A_219 = arith.muli %add3A_217, %mul3A_218 : i32
        %dma_start3A_220 = arith.constant 0 : i32
        %dma_start3A_221 = tpu.memref_slice %arg3[%mul3A_219, %dma_start3A_220] : memref<5120x128xi32, #tpu.memory_space<hbm>> -> memref<2x128xi32, #tpu.memory_space<hbm>>
        %dma_start3A_222 = arith.constant 0 : i32
        %dma_start3A_223 = tpu.memref_slice %arg3[%mul3A_219, %dma_start3A_222] : memref<5120x128xi32, #tpu.memory_space<hbm>> -> memref<2x128xi32, #tpu.memory_space<hbm>>
        tpu.enqueue_dma source(%dma_start3A_223 : memref<2x128xi32, #tpu.memory_space<hbm>>) target(%arg7 : memref<2x128xi32, #tpu.memory_space<vmem>>) target_semaphore(%arg14 : memref<!tpu.dma_semaphore, #tpu.memory_space<semaphore_mem>>)
      } else {
      }
      %add3A_187 = arith.addi %select_n3A_13, %add3A_173 : i32
      %mul3A_188 = arith.constant 2 : i32
      %mul3A_189 = arith.muli %add3A_187, %mul3A_188 : i32
      %dma_wait3A_190 = arith.constant 0 : i32
      %dma_wait3A_191 = tpu.memref_slice %arg3[%mul3A_189, %dma_wait3A_190] : memref<5120x128xi32, #tpu.memory_space<hbm>> -> memref<2x128xi32, #tpu.memory_space<hbm>>
      %dma_wait3A_192 = arith.constant 0 : i32
      %dma_wait3A_193 = tpu.memref_slice %arg3[%mul3A_189, %dma_wait3A_192] : memref<5120x128xi32, #tpu.memory_space<hbm>> -> memref<2x128xi32, #tpu.memory_space<hbm>>
      tpu.wait_dma2 semaphore(%arg16 : memref<!tpu.dma_semaphore, #tpu.memory_space<semaphore_mem>>) src(%dma_wait3A_193 : memref<2x128xi32, #tpu.memory_space<hbm>>) dst(%arg9 : memref<2x128xi32, #tpu.memory_space<vmem>>)
      %dma_start3A_194 = arith.constant 0 : i32
      %dma_start3A_195 = arith.constant 0 : i32
      %dma_start3A_196 = tpu.memref_slice %arg9[%dma_start3A_194, %dma_start3A_195] : memref<2x128xi32, #tpu.memory_space<vmem>> -> memref<1x128xi32, #tpu.memory_space<vmem>>
      %dma_start3A_197 = tpu.memref_squeeze %dma_start3A_196 : memref<1x128xi32, #tpu.memory_space<vmem>> -> memref<128xi32, #tpu.memory_space<vmem>>
      %dma_start3A_198 = arith.constant 0 : i32
      %dma_start3A_199 = arith.constant 0 : i32
      %dma_start3A_200 = tpu.memref_slice %arg2[%dma_start3A_198, %dma_start3A_199] : memref<10000x128xf32, #tpu.memory_space<hbm>> -> memref<10000x128xf32, #tpu.memory_space<hbm>>
      tpu.enqueue_indirect_dma source(%dma_start3A_200 : memref<10000x128xf32, #tpu.memory_space<hbm>>) target(%arg11 : memref<128x128xf32, #tpu.memory_space<vmem>>) offsets(%dma_start3A_197 : memref<128xi32, #tpu.memory_space<vmem>>) semaphore(%arg18 : memref<!tpu.dma_semaphore, #tpu.memory_space<semaphore_mem>>)
      %dma_wait3A_201 = arith.constant 0 : i32
      %dma_wait3A_202 = arith.constant 0 : i32
      %dma_wait3A_203 = tpu.memref_slice %arg9[%dma_wait3A_201, %dma_wait3A_202] : memref<2x128xi32, #tpu.memory_space<vmem>> -> memref<1x128xi32, #tpu.memory_space<vmem>>
      %dma_wait3A_204 = tpu.memref_squeeze %dma_wait3A_203 : memref<1x128xi32, #tpu.memory_space<vmem>> -> memref<128xi32, #tpu.memory_space<vmem>>
      %dma_wait3A_205 = arith.constant 0 : i32
      %dma_wait3A_206 = arith.constant 0 : i32
      %dma_wait3A_207 = tpu.memref_slice %arg2[%dma_wait3A_205, %dma_wait3A_206] : memref<10000x128xf32, #tpu.memory_space<hbm>> -> memref<10000x128xf32, #tpu.memory_space<hbm>>
      tpu.wait_indirect_dma semaphore(%arg18 : memref<!tpu.dma_semaphore, #tpu.memory_space<semaphore_mem>>) src(%dma_wait3A_207 : memref<10000x128xf32, #tpu.memory_space<hbm>>) dst(%arg11 : memref<128x128xf32, #tpu.memory_space<vmem>>)
      %dma_start3A_208 = arith.constant 1 : i32
      %dma_start3A_209 = arith.constant 0 : i32
      %dma_start3A_210 = tpu.memref_slice %arg9[%dma_start3A_208, %dma_start3A_209] : memref<2x128xi32, #tpu.memory_space<vmem>> -> memref<1x128xi32, #tpu.memory_space<vmem>>
      %dma_start3A_211 = tpu.memref_squeeze %dma_start3A_210 : memref<1x128xi32, #tpu.memory_space<vmem>> -> memref<128xi32, #tpu.memory_space<vmem>>
      %dma_start3A_212 = arith.constant 0 : i32
      %dma_start3A_213 = arith.constant 0 : i32
      %dma_start3A_214 = tpu.memref_slice %arg12[%dma_start3A_212, %dma_start3A_213] : memref<10240x128xf32, #tpu.memory_space<vmem_shared>> -> memref<10240x128xf32, #tpu.memory_space<vmem_shared>>
      tpu.enqueue_indirect_dma source(%arg11 : memref<128x128xf32, #tpu.memory_space<vmem>>) target(%dma_start3A_214 : memref<10240x128xf32, #tpu.memory_space<vmem_shared>>) offsets(%dma_start3A_211 : memref<128xi32, #tpu.memory_space<vmem>>) semaphore(%arg20 : memref<!tpu.dma_semaphore, #tpu.memory_space<semaphore_mem>>) {add = true}
    }
    %gt3A_32 = arith.constant 0 : i32
    %gt3A_33 = arith.cmpi sgt, %select_n3A, %gt3A_32 : i32
    %convert_element_type3A_34 = arith.extui %gt3A_33 : i1 to i32
    %cond3A_35 = arith.constant 0 : i32
    %cond3A_36 = arith.cmpi ne, %convert_element_type3A_34, %cond3A_35 : i32
    scf.if %cond3A_36 {
      %dma_wait3A = arith.constant 1 : i32
      %dma_wait3A_41 = arith.constant 0 : i32
      %dma_wait3A_42 = tpu.memref_slice %arg8[%dma_wait3A, %dma_wait3A_41] : memref<2x128xi32, #tpu.memory_space<vmem>> -> memref<1x128xi32, #tpu.memory_space<vmem>>
      %dma_wait3A_43 = tpu.memref_squeeze %dma_wait3A_42 : memref<1x128xi32, #tpu.memory_space<vmem>> -> memref<128xi32, #tpu.memory_space<vmem>>
      %dma_wait3A_44 = arith.constant 0 : i32
      %dma_wait3A_45 = arith.constant 0 : i32
      %dma_wait3A_46 = tpu.memref_slice %arg12[%dma_wait3A_44, %dma_wait3A_45] : memref<10240x128xf32, #tpu.memory_space<vmem_shared>> -> memref<10240x128xf32, #tpu.memory_space<vmem_shared>>
      tpu.wait_indirect_dma semaphore(%arg19 : memref<!tpu.dma_semaphore, #tpu.memory_space<semaphore_mem>>) src(%arg10 : memref<128x128xf32, #tpu.memory_space<vmem>>) dst(%dma_wait3A_46 : memref<10240x128xf32, #tpu.memory_space<vmem_shared>>)
      %dma_wait3A_47 = arith.constant 1 : i32
      %dma_wait3A_48 = arith.constant 0 : i32
      %dma_wait3A_49 = tpu.memref_slice %arg9[%dma_wait3A_47, %dma_wait3A_48] : memref<2x128xi32, #tpu.memory_space<vmem>> -> memref<1x128xi32, #tpu.memory_space<vmem>>
      %dma_wait3A_50 = tpu.memref_squeeze %dma_wait3A_49 : memref<1x128xi32, #tpu.memory_space<vmem>> -> memref<128xi32, #tpu.memory_space<vmem>>
      %dma_wait3A_51 = arith.constant 0 : i32
      %dma_wait3A_52 = arith.constant 0 : i32
      %dma_wait3A_53 = tpu.memref_slice %arg12[%dma_wait3A_51, %dma_wait3A_52] : memref<10240x128xf32, #tpu.memory_space<vmem_shared>> -> memref<10240x128xf32, #tpu.memory_space<vmem_shared>>
      tpu.wait_indirect_dma semaphore(%arg20 : memref<!tpu.dma_semaphore, #tpu.memory_space<semaphore_mem>>) src(%arg11 : memref<128x128xf32, #tpu.memory_space<vmem>>) dst(%dma_wait3A_53 : memref<10240x128xf32, #tpu.memory_space<vmem_shared>>)
    } else {
    }
    %barrier3A_37 = arith.constant 0 : index
    tpu.barrier barrier_id(%barrier3A_37)
    %mul3A_38 = arith.constant 10240 : i32
    %mul3A_39 = arith.muli %arg0, %mul3A_38 : i32
    %add3A_40 = arith.addi %mul3A_39, %mul3A_2 : i32
    "tpu.region"() ({
      %run_scoped3A = tpu.sem_alloc : memref<!tpu.dma_semaphore, #tpu.memory_space<semaphore_mem>>
      %dma_start3A = arith.constant 0 : i32
      %dma_start3A_41 = tpu.memref_slice %arg5[%add3A_40, %dma_start3A] : memref<20480x128xf32, #tpu.memory_space<hbm>> -> memref<640x128xf32, #tpu.memory_space<hbm>>
      %dma_start3A_42 = arith.constant 0 : i32
      %dma_start3A_43 = tpu.memref_slice %arg12[%mul3A_2, %dma_start3A_42] : memref<10240x128xf32, #tpu.memory_space<vmem_shared>> -> memref<640x128xf32, #tpu.memory_space<vmem_shared>>
      tpu.enqueue_dma source(%dma_start3A_43 : memref<640x128xf32, #tpu.memory_space<vmem_shared>>) target(%dma_start3A_41 : memref<640x128xf32, #tpu.memory_space<hbm>>) target_semaphore(%run_scoped3A : memref<!tpu.dma_semaphore, #tpu.memory_space<semaphore_mem>>)
      %dma_wait3A = arith.constant 0 : i32
      %dma_wait3A_44 = tpu.memref_slice %arg5[%add3A_40, %dma_wait3A] : memref<20480x128xf32, #tpu.memory_space<hbm>> -> memref<640x128xf32, #tpu.memory_space<hbm>>
      %dma_wait3A_45 = arith.constant 0 : i32
      %dma_wait3A_46 = tpu.memref_slice %arg12[%mul3A_2, %dma_wait3A_45] : memref<10240x128xf32, #tpu.memory_space<vmem_shared>> -> memref<640x128xf32, #tpu.memory_space<vmem_shared>>
      tpu.wait_dma2 semaphore(%run_scoped3A : memref<!tpu.dma_semaphore, #tpu.memory_space<semaphore_mem>>) src(%dma_wait3A_46 : memref<640x128xf32, #tpu.memory_space<vmem_shared>>) dst(%dma_wait3A_44 : memref<640x128xf32, #tpu.memory_space<hbm>>)
      tpu.yield
    }) : () -> ()
    return
  }
}

module attributes {stable_mosaic.version = 14 : i64} {
  func.func @_tc_layer1_body(%arg0: i32, %arg1: memref<2x1024x128xf32, #tpu.memory_space<vmem>>, %arg2: memref<32x1024xf32, #tpu.memory_space<vmem>>, %arg3: memref<1024x128xf32, #tpu.memory_space<vmem>>, %arg4: memref<128x128xf32, #tpu.memory_space<vmem>>, %arg5: memref<1x128xf32, #tpu.memory_space<vmem>>, %arg6: memref<128x128xf32, #tpu.memory_space<vmem>>, %arg7: memref<1024x128xf32, #tpu.memory_space<vmem>>, %arg8: memref<1024x128xf32, #tpu.memory_space<vmem>>) attributes {dimension_semantics = [#tpu.dimension_semantics<arbitrary>], iteration_bounds = array<i64: 10>, scalar_prefetch = 0 : i64, scratch_operands = 0 : i64, tpu.core_type = #tpu.core_type<tc>, window_params = [{transform_indices = @transform_0, window_bounds = array<i64: 2, 1024, 128>}, {transform_indices = @transform_1, window_bounds = array<i64: 32, 1024>}, {transform_indices = @transform_2, window_bounds = array<i64: 1024, 128>}, {pipeline_mode = #tpu.pipeline_mode<synchronous>, transform_indices = @transform_3, window_bounds = array<i64: 128, 128>}, {pipeline_mode = #tpu.pipeline_mode<synchronous>, transform_indices = @transform_4, window_bounds = array<i64: 1, 128>}, {pipeline_mode = #tpu.pipeline_mode<synchronous>, transform_indices = @transform_5, window_bounds = array<i64: 128, 128>}, {transform_indices = @transform_6, window_bounds = array<i64: 1024, 128>}, {transform_indices = @transform_7, window_bounds = array<i64: 1024, 128>}]} {
    %get3A = arith.constant 0 : index
    %get3A_0 = arith.constant 0 : index
    %get3A_1 = arith.constant 0 : index
    %get3A_2 = vector.load %arg1[%get3A, %get3A_0, %get3A_1] : memref<2x1024x128xf32, #tpu.memory_space<vmem>>, vector<1x1024x128xf32>
    %get3A_3 = vector.shape_cast %get3A_2 : vector<1x1024x128xf32> to vector<1024x128xf32>
    %get3A_4 = arith.constant 1 : index
    %get3A_5 = arith.constant 0 : index
    %get3A_6 = arith.constant 0 : index
    %get3A_7 = vector.load %arg1[%get3A_4, %get3A_5, %get3A_6] : memref<2x1024x128xf32, #tpu.memory_space<vmem>>, vector<1x1024x128xf32>
    %get3A_8 = vector.shape_cast %get3A_7 : vector<1x1024x128xf32> to vector<1024x128xf32>
    %add3A = arith.addf %get3A_3, %get3A_8 : vector<1024x128xf32>
    %get3A_9 = arith.constant 0 : index
    %get3A_10 = arith.constant 0 : index
    %get3A_11 = vector.load %arg2[%get3A_9, %get3A_10] : memref<32x1024xf32, #tpu.memory_space<vmem>>, vector<32x1024xf32>
    %broadcast_in_dim3A = arith.constant 1.000000e+00 : f32
    %broadcast_in_dim3A_12 = vector.broadcast %broadcast_in_dim3A : f32 to vector<32x128xf32>
    %dot_general3A = arith.constant dense<0.000000e+00> : vector<1024x128xf32>
    %dot_general3A_13 = tpu.matmul %get3A_11, %broadcast_in_dim3A_12, %dot_general3A {dimension_numbers = #tpu.dot_dimension_numbers<[0], [0], [1], [1], [0, 1, 1, 1], [], []>, precision = #tpu.contract_precision<fp32>, transpose_lhs_hint = false} : vector<32x1024xf32>, vector<32x128xf32>, vector<1024x128xf32> -> vector<1024x128xf32>
    %max3A = arith.constant 1.000000e+00 : f32
    %max3A_14 = vector.broadcast %max3A : f32 to vector<1024x128xf32>
    %max3A_15 = arith.maximumf %dot_general3A_13, %max3A_14 : vector<1024x128xf32>
    %div3A = arith.constant 1.000000e+00 : f32
    %div3A_16 = vector.broadcast %div3A : f32 to vector<1024x128xf32>
    %div3A_17 = arith.divf %div3A_16, %max3A_15 : vector<1024x128xf32>
    %mul3A = arith.mulf %add3A, %div3A_17 : vector<1024x128xf32>
    %get3A_18 = arith.constant 0 : index
    %get3A_19 = arith.constant 0 : index
    %get3A_20 = vector.load %arg4[%get3A_18, %get3A_19] : memref<128x128xf32, #tpu.memory_space<vmem>>, vector<128x128xf32>
    %dot_general3A_21 = arith.constant dense<0.000000e+00> : vector<1024x128xf32>
    %dot_general3A_22 = tpu.matmul %mul3A, %get3A_20, %dot_general3A_21 {dimension_numbers = #tpu.dot_dimension_numbers<[1], [1], [0], [0], [0, 0, 1, 0], [], []>, transpose_lhs_hint = false} : vector<1024x128xf32>, vector<128x128xf32>, vector<1024x128xf32> -> vector<1024x128xf32>
    %get3A_23 = arith.constant 0 : index
    %get3A_24 = arith.constant 0 : index
    %get3A_25 = vector.load %arg5[%get3A_23, %get3A_24] : memref<1x128xf32, #tpu.memory_space<vmem>>, vector<1x128xf32>
    %add3A_26 = vector.broadcast %get3A_25 : vector<1x128xf32> to vector<1024x128xf32>
    %add3A_27 = arith.addf %dot_general3A_22, %add3A_26 : vector<1024x128xf32>
    %get3A_28 = arith.constant 0 : index
    %get3A_29 = arith.constant 0 : index
    %get3A_30 = vector.load %arg3[%get3A_28, %get3A_29] : memref<1024x128xf32, #tpu.memory_space<vmem>>, vector<1024x128xf32>
    %get3A_31 = arith.constant 0 : index
    %get3A_32 = arith.constant 0 : index
    %get3A_33 = vector.load %arg6[%get3A_31, %get3A_32] : memref<128x128xf32, #tpu.memory_space<vmem>>, vector<128x128xf32>
    %dot_general3A_34 = arith.constant dense<0.000000e+00> : vector<1024x128xf32>
    %dot_general3A_35 = tpu.matmul %get3A_30, %get3A_33, %dot_general3A_34 {dimension_numbers = #tpu.dot_dimension_numbers<[1], [1], [0], [0], [0, 0, 1, 0], [], []>, transpose_lhs_hint = false} : vector<1024x128xf32>, vector<128x128xf32>, vector<1024x128xf32> -> vector<1024x128xf32>
    %add3A_36 = arith.addf %add3A_27, %dot_general3A_35 : vector<1024x128xf32>
    %max3A_37 = arith.constant 0.000000e+00 : f32
    %max3A_38 = vector.broadcast %max3A_37 : f32 to vector<1024x128xf32>
    %max3A_39 = arith.maximumf %add3A_36, %max3A_38 : vector<1024x128xf32>
    %swap3A = arith.constant 0 : index
    %swap3A_40 = arith.constant 0 : index
    %swap3A_41 = vector.load %arg7[%swap3A, %swap3A_40] : memref<1024x128xf32, #tpu.memory_space<vmem>>, vector<1024x128xf32>
    tpu.vector_store %arg7[%swap3A, %swap3A_40], %max3A_39 {strides = array<i32>} : memref<1024x128xf32, #tpu.memory_space<vmem>>, vector<1024x128xf32>,
    %swap3A_42 = arith.constant 0 : index
    %swap3A_43 = arith.constant 0 : index
    %swap3A_44 = vector.load %arg8[%swap3A_42, %swap3A_43] : memref<1024x128xf32, #tpu.memory_space<vmem>>, vector<1024x128xf32>
    tpu.vector_store %arg8[%swap3A_42, %swap3A_43], %div3A_17 {strides = array<i32>} : memref<1024x128xf32, #tpu.memory_space<vmem>>, vector<1024x128xf32>,
    return
  }
  func.func @transform_0(%arg0: i32) -> (i32, i32, i32) {
    %c0_i32 = arith.constant 0 : i32
    %c0_i32_0 = arith.constant 0 : i32
    %c0_i32_1 = arith.constant 0 : i32
    return %c0_i32, %arg0, %c0_i32_0 : i32, i32, i32
  }
  func.func @transform_1(%arg0: i32) -> (i32, i32) {
    %c0_i32 = arith.constant 0 : i32
    %c0_i32_0 = arith.constant 0 : i32
    return %c0_i32, %arg0 : i32, i32
  }
  func.func @transform_2(%arg0: i32) -> (i32, i32) {
    %c0_i32 = arith.constant 0 : i32
    %c0_i32_0 = arith.constant 0 : i32
    return %arg0, %c0_i32 : i32, i32
  }
  func.func @transform_3(%arg0: i32) -> (i32, i32) {
    %c0_i32 = arith.constant 0 : i32
    %c0_i32_0 = arith.constant 0 : i32
    %c0_i32_1 = arith.constant 0 : i32
    return %c0_i32, %c0_i32_0 : i32, i32
  }
  func.func @transform_4(%arg0: i32) -> (i32, i32) {
    %c0_i32 = arith.constant 0 : i32
    %c0_i32_0 = arith.constant 0 : i32
    %c0_i32_1 = arith.constant 0 : i32
    return %c0_i32, %c0_i32_0 : i32, i32
  }
  func.func @transform_5(%arg0: i32) -> (i32, i32) {
    %c0_i32 = arith.constant 0 : i32
    %c0_i32_0 = arith.constant 0 : i32
    %c0_i32_1 = arith.constant 0 : i32
    return %c0_i32, %c0_i32_0 : i32, i32
  }
  func.func @transform_6(%arg0: i32) -> (i32, i32) {
    %c0_i32 = arith.constant 0 : i32
    %c0_i32_0 = arith.constant 0 : i32
    return %arg0, %c0_i32 : i32, i32
  }
  func.func @transform_7(%arg0: i32) -> (i32, i32) {
    %c0_i32 = arith.constant 0 : i32
    %c0_i32_0 = arith.constant 0 : i32
    return %arg0, %c0_i32 : i32, i32
  }
}

module attributes {stable_mosaic.version = 14 : i64} {
  func.func @_tc_layer_body(%arg0: i32, %arg1: memref<2x1024x128xf32, #tpu.memory_space<vmem>>, %arg2: memref<1024x128xf32, #tpu.memory_space<vmem>>, %arg3: memref<1024x128xf32, #tpu.memory_space<vmem>>, %arg4: memref<128x128xf32, #tpu.memory_space<vmem>>, %arg5: memref<1x128xf32, #tpu.memory_space<vmem>>, %arg6: memref<128x128xf32, #tpu.memory_space<vmem>>, %arg7: memref<1024x128xf32, #tpu.memory_space<vmem>>) attributes {dimension_semantics = [#tpu.dimension_semantics<arbitrary>], iteration_bounds = array<i64: 10>, scalar_prefetch = 0 : i64, scratch_operands = 0 : i64, tpu.core_type = #tpu.core_type<tc>, window_params = [{transform_indices = @transform_0, window_bounds = array<i64: 2, 1024, 128>}, {transform_indices = @transform_1, window_bounds = array<i64: 1024, 128>}, {transform_indices = @transform_2, window_bounds = array<i64: 1024, 128>}, {pipeline_mode = #tpu.pipeline_mode<synchronous>, transform_indices = @transform_3, window_bounds = array<i64: 128, 128>}, {pipeline_mode = #tpu.pipeline_mode<synchronous>, transform_indices = @transform_4, window_bounds = array<i64: 1, 128>}, {pipeline_mode = #tpu.pipeline_mode<synchronous>, transform_indices = @transform_5, window_bounds = array<i64: 128, 128>}, {transform_indices = @transform_6, window_bounds = array<i64: 1024, 128>}]} {
    %get3A = arith.constant 0 : index
    %get3A_0 = arith.constant 0 : index
    %get3A_1 = arith.constant 0 : index
    %get3A_2 = vector.load %arg1[%get3A, %get3A_0, %get3A_1] : memref<2x1024x128xf32, #tpu.memory_space<vmem>>, vector<1x1024x128xf32>
    %get3A_3 = vector.shape_cast %get3A_2 : vector<1x1024x128xf32> to vector<1024x128xf32>
    %get3A_4 = arith.constant 1 : index
    %get3A_5 = arith.constant 0 : index
    %get3A_6 = arith.constant 0 : index
    %get3A_7 = vector.load %arg1[%get3A_4, %get3A_5, %get3A_6] : memref<2x1024x128xf32, #tpu.memory_space<vmem>>, vector<1x1024x128xf32>
    %get3A_8 = vector.shape_cast %get3A_7 : vector<1x1024x128xf32> to vector<1024x128xf32>
    %add3A = arith.addf %get3A_3, %get3A_8 : vector<1024x128xf32>
    %get3A_9 = arith.constant 0 : index
    %get3A_10 = arith.constant 0 : index
    %get3A_11 = vector.load %arg2[%get3A_9, %get3A_10] : memref<1024x128xf32, #tpu.memory_space<vmem>>, vector<1024x128xf32>
    %mul3A = arith.mulf %add3A, %get3A_11 : vector<1024x128xf32>
    %get3A_12 = arith.constant 0 : index
    %get3A_13 = arith.constant 0 : index
    %get3A_14 = vector.load %arg4[%get3A_12, %get3A_13] : memref<128x128xf32, #tpu.memory_space<vmem>>, vector<128x128xf32>
    %dot_general3A = arith.constant dense<0.000000e+00> : vector<1024x128xf32>
    %dot_general3A_15 = tpu.matmul %mul3A, %get3A_14, %dot_general3A {dimension_numbers = #tpu.dot_dimension_numbers<[1], [1], [0], [0], [0, 0, 1, 0], [], []>, transpose_lhs_hint = false} : vector<1024x128xf32>, vector<128x128xf32>, vector<1024x128xf32> -> vector<1024x128xf32>
    %get3A_16 = arith.constant 0 : index
    %get3A_17 = arith.constant 0 : index
    %get3A_18 = vector.load %arg5[%get3A_16, %get3A_17] : memref<1x128xf32, #tpu.memory_space<vmem>>, vector<1x128xf32>
    %add3A_19 = vector.broadcast %get3A_18 : vector<1x128xf32> to vector<1024x128xf32>
    %add3A_20 = arith.addf %dot_general3A_15, %add3A_19 : vector<1024x128xf32>
    %get3A_21 = arith.constant 0 : index
    %get3A_22 = arith.constant 0 : index
    %get3A_23 = vector.load %arg3[%get3A_21, %get3A_22] : memref<1024x128xf32, #tpu.memory_space<vmem>>, vector<1024x128xf32>
    %get3A_24 = arith.constant 0 : index
    %get3A_25 = arith.constant 0 : index
    %get3A_26 = vector.load %arg6[%get3A_24, %get3A_25] : memref<128x128xf32, #tpu.memory_space<vmem>>, vector<128x128xf32>
    %dot_general3A_27 = arith.constant dense<0.000000e+00> : vector<1024x128xf32>
    %dot_general3A_28 = tpu.matmul %get3A_23, %get3A_26, %dot_general3A_27 {dimension_numbers = #tpu.dot_dimension_numbers<[1], [1], [0], [0], [0, 0, 1, 0], [], []>, transpose_lhs_hint = false} : vector<1024x128xf32>, vector<128x128xf32>, vector<1024x128xf32> -> vector<1024x128xf32>
    %add3A_29 = arith.addf %add3A_20, %dot_general3A_28 : vector<1024x128xf32>
    %max3A = arith.constant 0.000000e+00 : f32
    %max3A_30 = vector.broadcast %max3A : f32 to vector<1024x128xf32>
    %max3A_31 = arith.maximumf %add3A_29, %max3A_30 : vector<1024x128xf32>
    %swap3A = arith.constant 0 : index
    %swap3A_32 = arith.constant 0 : index
    %swap3A_33 = vector.load %arg7[%swap3A, %swap3A_32] : memref<1024x128xf32, #tpu.memory_space<vmem>>, vector<1024x128xf32>
    tpu.vector_store %arg7[%swap3A, %swap3A_32], %max3A_31 {strides = array<i32>} : memref<1024x128xf32, #tpu.memory_space<vmem>>, vector<1024x128xf32>,
    return
  }
  func.func @transform_0(%arg0: i32) -> (i32, i32, i32) {
    %c0_i32 = arith.constant 0 : i32
    %c0_i32_0 = arith.constant 0 : i32
    %c0_i32_1 = arith.constant 0 : i32
    return %c0_i32, %arg0, %c0_i32_0 : i32, i32, i32
  }
  func.func @transform_1(%arg0: i32) -> (i32, i32) {
    %c0_i32 = arith.constant 0 : i32
    %c0_i32_0 = arith.constant 0 : i32
    return %arg0, %c0_i32 : i32, i32
  }
  func.func @transform_2(%arg0: i32) -> (i32, i32) {
    %c0_i32 = arith.constant 0 : i32
    %c0_i32_0 = arith.constant 0 : i32
    return %arg0, %c0_i32 : i32, i32
  }
  func.func @transform_3(%arg0: i32) -> (i32, i32) {
    %c0_i32 = arith.constant 0 : i32
    %c0_i32_0 = arith.constant 0 : i32
    %c0_i32_1 = arith.constant 0 : i32
    return %c0_i32, %c0_i32_0 : i32, i32
  }
  func.func @transform_4(%arg0: i32) -> (i32, i32) {
    %c0_i32 = arith.constant 0 : i32
    %c0_i32_0 = arith.constant 0 : i32
    %c0_i32_1 = arith.constant 0 : i32
    return %c0_i32, %c0_i32_0 : i32, i32
  }
  func.func @transform_5(%arg0: i32) -> (i32, i32) {
    %c0_i32 = arith.constant 0 : i32
    %c0_i32_0 = arith.constant 0 : i32
    %c0_i32_1 = arith.constant 0 : i32
    return %c0_i32, %c0_i32_0 : i32, i32
  }
  func.func @transform_6(%arg0: i32) -> (i32, i32) {
    %c0_i32 = arith.constant 0 : i32
    %c0_i32_0 = arith.constant 0 : i32
    return %arg0, %c0_i32 : i32, i32
  }
}

module attributes {stable_mosaic.version = 14 : i64} {
  func.func @_tc_final_body(%arg0: i32, %arg1: memref<2x1024x128xf32, #tpu.memory_space<vmem>>, %arg2: memref<1024x128xf32, #tpu.memory_space<vmem>>, %arg3: memref<1024x128xf32, #tpu.memory_space<vmem>>, %arg4: memref<128x128xf32, #tpu.memory_space<vmem>>, %arg5: memref<1x128xf32, #tpu.memory_space<vmem>>, %arg6: memref<128x128xf32, #tpu.memory_space<vmem>>, %arg7: memref<64x128xf32, #tpu.memory_space<vmem>>, %arg8: memref<1x64xf32, #tpu.memory_space<vmem>>, %arg9: memref<1024x128xf32, #tpu.memory_space<vmem>>, %arg10: memref<1024x64xf32, #tpu.memory_space<vmem>>) attributes {dimension_semantics = [#tpu.dimension_semantics<arbitrary>], iteration_bounds = array<i64: 10>, scalar_prefetch = 0 : i64, scratch_operands = 0 : i64, tpu.core_type = #tpu.core_type<tc>, window_params = [{transform_indices = @transform_0, window_bounds = array<i64: 2, 1024, 128>}, {transform_indices = @transform_1, window_bounds = array<i64: 1024, 128>}, {transform_indices = @transform_2, window_bounds = array<i64: 1024, 128>}, {pipeline_mode = #tpu.pipeline_mode<synchronous>, transform_indices = @transform_3, window_bounds = array<i64: 128, 128>}, {pipeline_mode = #tpu.pipeline_mode<synchronous>, transform_indices = @transform_4, window_bounds = array<i64: 1, 128>}, {pipeline_mode = #tpu.pipeline_mode<synchronous>, transform_indices = @transform_5, window_bounds = array<i64: 128, 128>}, {pipeline_mode = #tpu.pipeline_mode<synchronous>, transform_indices = @transform_6, window_bounds = array<i64: 64, 128>}, {pipeline_mode = #tpu.pipeline_mode<synchronous>, transform_indices = @transform_7, window_bounds = array<i64: 1, 64>}, {transform_indices = @transform_8, window_bounds = array<i64: 1024, 128>}, {transform_indices = @transform_9, window_bounds = array<i64: 1024, 64>}]} {
    %get3A = arith.constant 0 : index
    %get3A_0 = arith.constant 0 : index
    %get3A_1 = arith.constant 0 : index
    %get3A_2 = vector.load %arg1[%get3A, %get3A_0, %get3A_1] : memref<2x1024x128xf32, #tpu.memory_space<vmem>>, vector<1x1024x128xf32>
    %get3A_3 = vector.shape_cast %get3A_2 : vector<1x1024x128xf32> to vector<1024x128xf32>
    %get3A_4 = arith.constant 1 : index
    %get3A_5 = arith.constant 0 : index
    %get3A_6 = arith.constant 0 : index
    %get3A_7 = vector.load %arg1[%get3A_4, %get3A_5, %get3A_6] : memref<2x1024x128xf32, #tpu.memory_space<vmem>>, vector<1x1024x128xf32>
    %get3A_8 = vector.shape_cast %get3A_7 : vector<1x1024x128xf32> to vector<1024x128xf32>
    %add3A = arith.addf %get3A_3, %get3A_8 : vector<1024x128xf32>
    %get3A_9 = arith.constant 0 : index
    %get3A_10 = arith.constant 0 : index
    %get3A_11 = vector.load %arg2[%get3A_9, %get3A_10] : memref<1024x128xf32, #tpu.memory_space<vmem>>, vector<1024x128xf32>
    %mul3A = arith.mulf %add3A, %get3A_11 : vector<1024x128xf32>
    %get3A_12 = arith.constant 0 : index
    %get3A_13 = arith.constant 0 : index
    %get3A_14 = vector.load %arg4[%get3A_12, %get3A_13] : memref<128x128xf32, #tpu.memory_space<vmem>>, vector<128x128xf32>
    %dot_general3A = arith.constant dense<0.000000e+00> : vector<1024x128xf32>
    %dot_general3A_15 = tpu.matmul %mul3A, %get3A_14, %dot_general3A {dimension_numbers = #tpu.dot_dimension_numbers<[1], [1], [0], [0], [0, 0, 1, 0], [], []>, transpose_lhs_hint = false} : vector<1024x128xf32>, vector<128x128xf32>, vector<1024x128xf32> -> vector<1024x128xf32>
    %get3A_16 = arith.constant 0 : index
    %get3A_17 = arith.constant 0 : index
    %get3A_18 = vector.load %arg5[%get3A_16, %get3A_17] : memref<1x128xf32, #tpu.memory_space<vmem>>, vector<1x128xf32>
    %add3A_19 = vector.broadcast %get3A_18 : vector<1x128xf32> to vector<1024x128xf32>
    %add3A_20 = arith.addf %dot_general3A_15, %add3A_19 : vector<1024x128xf32>
    %get3A_21 = arith.constant 0 : index
    %get3A_22 = arith.constant 0 : index
    %get3A_23 = vector.load %arg3[%get3A_21, %get3A_22] : memref<1024x128xf32, #tpu.memory_space<vmem>>, vector<1024x128xf32>
    %get3A_24 = arith.constant 0 : index
    %get3A_25 = arith.constant 0 : index
    %get3A_26 = vector.load %arg6[%get3A_24, %get3A_25] : memref<128x128xf32, #tpu.memory_space<vmem>>, vector<128x128xf32>
    %dot_general3A_27 = arith.constant dense<0.000000e+00> : vector<1024x128xf32>
    %dot_general3A_28 = tpu.matmul %get3A_23, %get3A_26, %dot_general3A_27 {dimension_numbers = #tpu.dot_dimension_numbers<[1], [1], [0], [0], [0, 0, 1, 0], [], []>, transpose_lhs_hint = false} : vector<1024x128xf32>, vector<128x128xf32>, vector<1024x128xf32> -> vector<1024x128xf32>
    %add3A_29 = arith.addf %add3A_20, %dot_general3A_28 : vector<1024x128xf32>
    %max3A = arith.constant 0.000000e+00 : f32
    %max3A_30 = vector.broadcast %max3A : f32 to vector<1024x128xf32>
    %max3A_31 = arith.maximumf %add3A_29, %max3A_30 : vector<1024x128xf32>
    %mul3A_32 = arith.mulf %max3A_31, %max3A_31 : vector<1024x128xf32>
    %reduce_sum3A = arith.constant dense<0.000000e+00> : vector<1024xf32>
    %reduce_sum3A_33 = vector.multi_reduction <add>, %mul3A_32, %reduce_sum3A [1] : vector<1024x128xf32> to vector<1024xf32>
    %broadcast_in_dim3A = vector.shape_cast %reduce_sum3A_33 : vector<1024xf32> to vector<1024x1xf32>
    %sqrt3A = math.sqrt %broadcast_in_dim3A : vector<1024x1xf32>
    %max3A_34 = arith.constant 9.99999996E-13 : f32
    %max3A_35 = vector.broadcast %max3A_34 : f32 to vector<1024x1xf32>
    %max3A_36 = arith.maximumf %sqrt3A, %max3A_35 : vector<1024x1xf32>
    %div3A = vector.broadcast %max3A_36 : vector<1024x1xf32> to vector<1024x128xf32>
    %div3A_37 = arith.divf %max3A_31, %div3A : vector<1024x128xf32>
    %swap3A = arith.constant 0 : index
    %swap3A_38 = arith.constant 0 : index
    %swap3A_39 = vector.load %arg9[%swap3A, %swap3A_38] : memref<1024x128xf32, #tpu.memory_space<vmem>>, vector<1024x128xf32>
    tpu.vector_store %arg9[%swap3A, %swap3A_38], %div3A_37 {strides = array<i32>} : memref<1024x128xf32, #tpu.memory_space<vmem>>, vector<1024x128xf32>,
    %get3A_40 = arith.constant 0 : index
    %get3A_41 = arith.constant 0 : index
    %get3A_42 = vector.load %arg7[%get3A_40, %get3A_41] : memref<64x128xf32, #tpu.memory_space<vmem>>, vector<64x128xf32>
    %dot_general3A_43 = arith.constant dense<0.000000e+00> : vector<1024x64xf32>
    %dot_general3A_44 = tpu.matmul %div3A_37, %get3A_42, %dot_general3A_43 {dimension_numbers = #tpu.dot_dimension_numbers<[1], [1], [0], [0], [0, 0, 1, 0], [], []>, transpose_lhs_hint = false} : vector<1024x128xf32>, vector<64x128xf32>, vector<1024x64xf32> -> vector<1024x64xf32>
    %get3A_45 = arith.constant 0 : index
    %get3A_46 = arith.constant 0 : index
    %get3A_47 = vector.load %arg8[%get3A_45, %get3A_46] : memref<1x64xf32, #tpu.memory_space<vmem>>, vector<1x64xf32>
    %add3A_48 = vector.broadcast %get3A_47 : vector<1x64xf32> to vector<1024x64xf32>
    %add3A_49 = arith.addf %dot_general3A_44, %add3A_48 : vector<1024x64xf32>
    %swap3A_50 = arith.constant 0 : index
    %swap3A_51 = arith.constant 0 : index
    %swap3A_52 = vector.load %arg10[%swap3A_50, %swap3A_51] : memref<1024x64xf32, #tpu.memory_space<vmem>>, vector<1024x64xf32>
    tpu.vector_store %arg10[%swap3A_50, %swap3A_51], %add3A_49 {strides = array<i32>} : memref<1024x64xf32, #tpu.memory_space<vmem>>, vector<1024x64xf32>,
    return
  }
  func.func @transform_0(%arg0: i32) -> (i32, i32, i32) {
    %c0_i32 = arith.constant 0 : i32
    %c0_i32_0 = arith.constant 0 : i32
    %c0_i32_1 = arith.constant 0 : i32
    return %c0_i32, %arg0, %c0_i32_0 : i32, i32, i32
  }
  func.func @transform_1(%arg0: i32) -> (i32, i32) {
    %c0_i32 = arith.constant 0 : i32
    %c0_i32_0 = arith.constant 0 : i32
    return %arg0, %c0_i32 : i32, i32
  }
  func.func @transform_2(%arg0: i32) -> (i32, i32) {
    %c0_i32 = arith.constant 0 : i32
    %c0_i32_0 = arith.constant 0 : i32
    return %arg0, %c0_i32 : i32, i32
  }
  func.func @transform_3(%arg0: i32) -> (i32, i32) {
    %c0_i32 = arith.constant 0 : i32
    %c0_i32_0 = arith.constant 0 : i32
    %c0_i32_1 = arith.constant 0 : i32
    return %c0_i32, %c0_i32_0 : i32, i32
  }
  func.func @transform_4(%arg0: i32) -> (i32, i32) {
    %c0_i32 = arith.constant 0 : i32
    %c0_i32_0 = arith.constant 0 : i32
    %c0_i32_1 = arith.constant 0 : i32
    return %c0_i32, %c0_i32_0 : i32, i32
  }
  func.func @transform_5(%arg0: i32) -> (i32, i32) {
    %c0_i32 = arith.constant 0 : i32
    %c0_i32_0 = arith.constant 0 : i32
    %c0_i32_1 = arith.constant 0 : i32
    return %c0_i32, %c0_i32_0 : i32, i32
  }
  func.func @transform_6(%arg0: i32) -> (i32, i32) {
    %c0_i32 = arith.constant 0 : i32
    %c0_i32_0 = arith.constant 0 : i32
    %c0_i32_1 = arith.constant 0 : i32
    return %c0_i32, %c0_i32_0 : i32, i32
  }
  func.func @transform_7(%arg0: i32) -> (i32, i32) {
    %c0_i32 = arith.constant 0 : i32
    %c0_i32_0 = arith.constant 0 : i32
    %c0_i32_1 = arith.constant 0 : i32
    return %c0_i32, %c0_i32_0 : i32, i32
  }
  func.func @transform_8(%arg0: i32) -> (i32, i32) {
    %c0_i32 = arith.constant 0 : i32
    %c0_i32_0 = arith.constant 0 : i32
    return %arg0, %c0_i32 : i32, i32
  }
  func.func @transform_9(%arg0: i32) -> (i32, i32) {
    %c0_i32 = arith.constant 0 : i32
    %c0_i32_0 = arith.constant 0 : i32
    return %arg0, %c0_i32 : i32, i32
  }
}

</mosaic_0001>

<sc_bundles>
// kernel: kernel.11.cloned.1.call-start
scs
__scs_entry_jumppad:
0x0: {  	(pc) =	sbr.rel $0x88, $3  }
0x1: {  	(tag) =	ssettag $0x0;
	lr =	simm.s32 $0x1  }
0x2: {  	[smem:$0x3F94] =	sst lr;
	_ =	strace $0xD0000000  }
0x3: {  	_ = 	snop  }
0x4: {  	_ = 	snop  }
0x5: {  	_ = 	snop  }
0x6: {  	_ = 	snop  }
0x7: {  	_ = 	snop  }
__scs_overlays_trampoline_lowered:
0x8: {  	[smem:$0x3FA3] =	sst s0  }
0x9: {  	[smem:$0x3FA4] =	sst s1  }
0xa: {  	[smem:$0x3FA5] =	sst s2  }
0xb: {  	[smem:$0x3FA6] =	sst s3  }
0xc: {  	[smem:$0x3FA7] =	sst s4  }
0xd: {  	[smem:$0x3FA8] =	sst s5  }
0xe: {  	[smem:$0x3FA9] =	sst s6  }
0xf: {  	[smem:$0x3FAA] =	sst s7  }
0x10: {  	[smem:$0x3FAB] =	sst s8  }
0x11: {  	[smem:$0x3FAC] =	sst s9;
	s0 =	simm.s32 @!p0 $0x0  }
0x12: {  	s1 =	sld [smem:$0x3F92];
	s0 =	simm.s32 @p0 $0x1  }
0x13: {  	[smem:$0x3FAD] =	sst s0;
	s0 =	simm.s32 @!p1 $0x0  }
0x14: {  	s2 =	sld [smem:$0x3F91];
	s0 =	simm.s32 @p1 $0x1  }
0x15: {  	[smem:$0x3FAE] =	sst s0;
	s0 =	simm.s32 @!p2 $0x0  }
0x16: {  	s3 =	sld [smem:$0x3FDB];
	s0 =	simm.s32 @p2 $0x1  }
0x17: {  	s4 =	simm.s32 $0x1BF5;
	[smem:$0x3FB0] =	sst s0  }
0x18: {  	s0 =	sld [smem:$0x3F93];
	_ =	swait.ge [sflag:s4], $0x0  }
0x19: {  	s7 =	sld [smem:$0x3F94]  }
0x1a: {  	s8 =	sadd.s32 $0xFFFFE003, lr  }
0x1b: {  	s9 =	sadd.s32 $0xFFFFFEF7, lr;
	s5 =	simm.s32 $0xFFFFFFFF;
	p2 =	slt.u32 s8, $0xFFFFF086  }
0x1c: {  	p1 =	slt.u32 s9, $0xF7A;
	s5 =	simm.s32 @!p2 $0x0  }
0x1d: {  	s5 =	simm.s32 @p1 $0x1;
	p0 =	seq.s32 s7, s2  }
0x1e: {  	s7 =	smul.u32 @!p0 $0xF7A, s2;
	p2 =	seq.s32 @!p0 s5, $0x0  }
0x1f: {  	s9 =	smul.u32 $0xF7A, s1;
	s8 =	simm.s32 @!p0 $0x1BF5;
	p2 =	por !p2, p0  }
0x20: {  	[sflag:s8] =	ssyncset.s32 @!p0 $0xFFFFF086;
	s6 =	sadd.s32 @!p0 s3, s7;
	s7 =	simm.s32 @!p0 $0x108  }
0x21: {  	s3 =	sadd.s32 s3, s9;
	s6 =	sadd.s32 @!p0 $0x88, s6;
	s7 =	simm.s32 @p2 $0x1082  }
0x22: {  	[simem:s7], [sflag:s8] =	dma.local @!p0 [hbm:s6], $0xF7A  }
0x23: {  	s9 =	sor.u32 $0xD0000000, s2;
	s6 =	simm.s32 $0x108;
	_ =	swait.ge @!p0 [sflag:s8], $0x0  }
0x24: {  	s3 =	sadd.s32 $0x88, s3;
	s6 =	simm.s32 @!p1 $0x1082;
	[sflag:s4] =	ssyncset.s32 $0xFFFFF086  }
0x25: {  	[simem:s6], [sflag:s4] =	dma.local [hbm:s3], $0xF7A  }
0x26: {  	[smem:$0x3F94] =	sst s1;
	(tag) =	ssettag s2;
	_ =	strace s9  }
0x27: {  	s1 =	sld [smem:$0x3FA4]  }
0x28: {  	s2 =	sld [smem:$0x3FA5]  }
0x29: {  	s4 =	sld [smem:$0x3FA7]  }
0x2a: {  	p0 =	seq.s32 s5, $0x0;
	s5 =	sld [smem:$0x3FA8]  }
0x2b: {  	s6 =	sld [smem:$0x3FA9]  }
0x2c: {  	s7 =	sld [smem:$0x3FAA]  }
0x2d: {  	s3 =	simm.s32 $0x108;
	s8 =	sld [smem:$0x3FAB]  }
0x2e: {  	s3 =	simm.s32 @!p0 $0x1082;
	s9 =	sld [smem:$0x3FAC]  }
0x2f: {  	lr =	sadd.s32 s0, s3;
	s0 =	sld [smem:$0x3FA3]  }
0x30: {  	s3 =	sld [smem:$0x3FA6]  }
0x31: {  	[smem:$0x3FAF] =	sst s10  }
0x32: {  	s10 =	sld [smem:$0x3FAD];
	_ =	sdelay $0x3  }
0x33: {  	p0 =	seq.s32 s10, $0x1;
	s10 =	sld [smem:$0x3FAF];
	_ =	sdelay $0x3  }
0x34: {  	[smem:$0x3FAF] =	sst s10  }
0x35: {  	s10 =	sld [smem:$0x3FAE];
	_ =	sdelay $0x3  }
0x36: {  	p1 =	seq.s32 s10, $0x1;
	s10 =	sld [smem:$0x3FAF];
	_ =	sdelay $0x3  }
0x37: {  	[smem:$0x3FAF] =	sst s10  }
0x38: {  	s10 =	sld [smem:$0x3FB0]  }
0x39: {  	_ = 	snop;
	(pc) =	sbr.ind lr, $3  }
0x3a: {  	_ = 	snop  }
0x3b: {  	_ = 	snop  }
0x3c: {  	p2 =	seq.s32 s10, $0x1;
	s10 =	sld [smem:$0x3FAF]  }
0x3d: {  	_ =	shalt  }
0x3e: {  	_ =	shalt  }
0x3f: {  	_ =	shalt  }
0x40: {  	_ =	shalt  }
0x41: {  	_ =	shalt  }
0x42: {  	_ =	shalt  }
0x43: {  	_ =	shalt  }
0x44: {  	_ =	shalt  }
0x45: {  	_ =	shalt  }
0x46: {  	_ =	shalt  }
0x47: {  	_ =	shalt  }
0x48: {  	_ =	shalt  }
0x49: {  	_ =	shalt  }
0x4a: {  	_ =	shalt  }
0x4b: {  	_ =	shalt  }
0x4c: {  	_ =	shalt  }
0x4d: {  	_ =	shalt  }
0x4e: {  	_ =	shalt  }
0x4f: {  	_ =	shalt  }
0x50: {  	_ =	shalt  }
0x51: {  	_ =	shalt  }
0x52: {  	_ =	shalt  }
0x53: {  	_ =	shalt  }
0x54: {  	_ =	shalt  }
0x55: {  	_ =	shalt  }
0x56: {  	_ =	shalt  }
0x57: {  	_ =	shalt  }
0x58: {  	_ =	shalt  }
0x59: {  	_ =	shalt  }
0x5a: {  	_ =	shalt  }
0x5b: {  	_ =	shalt  }
0x5c: {  	_ =	shalt  }
0x5d: {  	_ =	shalt  }
0x5e: {  	_ =	shalt  }
0x5f: {  	_ =	shalt  }
0x60: {  	_ =	shalt  }
0x61: {  	_ =	shalt  }
0x62: {  	_ =	shalt  }
0x63: {  	_ =	shalt  }
0x64: {  	_ =	shalt  }
0x65: {  	_ =	shalt  }
0x66: {  	_ =	shalt  }
0x67: {  	_ =	shalt  }
0x68: {  	_ =	shalt  }
0x69: {  	_ =	shalt  }
0x6a: {  	_ =	shalt  }
0x6b: {  	_ =	shalt  }
0x6c: {  	_ =	shalt  }
0x6d: {  	_ =	shalt  }
0x6e: {  	_ =	shalt  }
0x6f: {  	_ =	shalt  }
0x70: {  	_ =	shalt  }
0x71: {  	_ =	shalt  }
0x72: {  	_ =	shalt  }
0x73: {  	_ =	shalt  }
0x74: {  	_ =	shalt  }
0x75: {  	_ =	shalt  }
0x76: {  	_ =	shalt  }
0x77: {  	_ =	shalt  }
0x78: {  	_ =	shalt  }
0x79: {  	_ =	shalt  }
0x7a: {  	_ =	shalt  }
0x7b: {  	_ =	shalt  }
0x7c: {  	_ =	shalt  }
0x7d: {  	_ =	shalt  }
0x7e: {  	_ =	shalt  }
0x7f: {  	_ =	shalt  }
0x80: {  	_ =	shalt  }
0x81: {  	_ =	shalt  }
0x82: {  	_ =	shalt  }
0x83: {  	_ =	shalt  }
0x84: {  	_ =	shalt  }
0x85: {  	_ =	shalt  }
0x86: {  	_ =	shalt  }
0x87: {  	_ =	shalt  }
.Lfunc_end0:
.L_simem_size_0:
called_computation.1_lowered:
.L_overlay_start_0:
0x88: {  	s2 =	sld [smem:$0x3FD9]  }
0x89: {  	s3 =	sld [smem:$0x3FFE];
	_ =	sdelay $0x1  }
0x8a: {  	s1 =	srdreg.scid  }
0x8b: {  	s0 =	sand.u32 $0x1, s1  }
0x8c: {  	s14 =	sshll.u32 s0, $0xA;
	s2 =	sadd.s32 s3, s2  }
0x8d: {  	s2 =	sadd.s32 s2, s14  }
0x8e: {  	[smem:$0x3FBB] =	sst s2  }
0x8f: {  	_ = 	snop  }
0x90: {  	s2 =	sld [smem:$0x3FD0];
	_ =	sdelay $0x2  }
0x91: {  	s15 =	simm.s32 $0xA;
	s4 =	simm.s32 $0x10  }
0x92: {  	[smem:s4], [sflag:s15] =	dma.local [hbm:s2], $0x1  }
0x93: {  	_ =	swait.eq [sflag:s15], $0x1  }
0x94: {  	[sflag:s15] =	ssyncset.done $0x0  }
0x95: {  	[sflag:s15] =	ssyncadd.s32 $0xFFFFFFFF  }
0x96: {  	s16 =	sld [smem:$0x10];
	(tm) =	ssettm $0x1  }
0x97: {  	s17 =	sld [smem:$0x3FFB];
	_ =	sdelay $0x3  }
0x98: {  	_ =	strace s17  }
0x99: {  	s3 =	sld [smem:$0x3FFC];
	_ =	sdelay $0x3  }
0x9a: {  	_ =	strace s3  }
0x9b: {  	s3 =	sld [smem:$0x3FFD];
	_ =	sdelay $0x3  }
0x9c: {  	_ =	strace s3  }
0x9d: {  	_ =	strace $0x8FFFFFFF  }
0x9e: {  	s18 =	sld [smem:$0x3FDB];
	_ =	sdelay $0x1  }
0x9f: {  	s19 =	simm.s32 $_scs_section_size  }
0xa0: {  	s5 =	simm.s32 $_size__tile_overlayer_lowered;
	s6 =	simm.s32 $_tile_overlayer_lowered  }
0xa1: {  	s22 =	simm.s32 $0x1BFF;
	s21 =	sshll.u32 s6, $0x1;
	s3 =	sadd.s32 s19, s18  }
0xa2: {  	s7 =	simm.s32 $0x0;
	s20 =	sshll.u32 s5, $0x1;
	s5 =	sadd.s32 s21, s3  }
0xa3: {  	[timem:s7], [sflag:s22] =	dma.local [hbm:s5], s20  }
0xa4: {  	_ =	swait.ge [sflag:s22], s20  }
0xa5: {  	s4 =	ssub.s32 $0x0, s20;
	[sflag:s22] =	ssyncset.done $0x0  }
0xa6: {  	[sflag:s22] =	ssyncadd.s32 s4;
	_ =	sdelay $0x1  }
0xa7: {  	s23 =	simm.s32 $0x1B8B  }
0xa8: {  	_ =	swait.ge [sflag:s23], $0x1  }
0xa9: {  	[sflag:s23] =	ssyncset.done $0x0  }
0xaa: {  	s25 =	simm.s32 $0x1B8E;
	s24 =	sld [smem:$0x3FFE];
	[sflag:s23] =	ssyncadd.s32 $0xFFFFFFFF  }
0xab: {  	s26 =	simm.s32 $execute0_lowered;
	[smem:$0x3FD2] =	sst s25  }
0xac: {  	s5 =	sshll.u32 s26, $0x1;
	_ =	strace $0x80000049;
	[dreg:$0x1] =	wrdreg $0xFFFFFFFF  }
0xad: {  	s28 =	simm.s32 $_size_execute0_lowered;
	s3 =	sadd.s32 s3, s5;
	[dreg:$0x0] =	wrdreg $0x0  }
0xae: {  	s5 =	sshll.u32 s28, $0x1;
	[dreg:$0x2] =	wrdreg s3  }
0xaf: {  	[dreg:$0x3] =	wrdreg s5  }
0xb0: {  	[dreg:$0x4] =	wrdreg $0xC0  }
0xb1: {  	_ =	task [dreg:s7], $0x5FFFF  }
0xb2: {  	[dreg:$0x1] =	wrdreg $0xFFFFFFFF  }
0xb3: {  	[dreg:$0x0] =	wrdreg $0x60  }
0xb4: {  	[dreg:$0x2] =	wrdreg s16  }
0xb5: {  	[dreg:$0x3] =	wrdreg s24  }
0xb6: {  	[dreg:$0x4] =	wrdreg $0x84000  }
0xb7: {  	[dreg:$0x5] =	wrdreg $0x9  }
0xb8: {  	_ =	task.clear_ibuf [dreg:s7], $0x6FFFF;
	_ =	strace $0x90000049  }
0xb9: {  	s29 =	simm.s32 $0x9;
	_ =	strace $0x8000004B  }
0xba: {  	_ =	swait.ge [sflag:s29], $0x1  }
0xbb: {  	[sflag:s29] =	ssyncadd.s32 $0xFFFFFFFF  }
0xbc: {  	_ =	strace $0x9000004B  }
0xbd: {  	_ =	sfence  }
0xbe: {  	s30 =	sld [smem:$0x0];
	_ =	sdelay $0x2  }
0xbf: {  	s31 =	sshll.u32 s1, $0xD;
	s1 =	sshrl.u32 s1, $0x2  }
0xc0: {  	s3 =	sand.u32 $0x4000, s31;
	s1 =	sadd.s32 s1, s30  }
0xc1: {  	s0 =	sor.u32 s3, s0;
	s1 =	sshll.u32 s1, $0x11  }
0xc2: {  	s0 =	sor.u32 s1, s0  }
0xc3: {  	s0 =	sadd.s32 $0x8F2B, s0  }
0xc4: {  	[sflag:s0] =	ssyncadd.remote.s32 $0x1  }
0xc5: {  	_ =	sfence.sel $0xFFFF  }
0xc6: {  	[dreg:$0x0] =	wrdreg $0xFFFFFFFF;
	(pc) =	sbr.abs _section_cstart, $3  }
0xc7: {  	[dreg:$0x1] =	wrdreg $0xFFFFFFFF  }
0xc8: {  	_ =	task.clear_ibuf [dreg:s7], $0x2FFFF;
	_ =	strace $0x9FFFFFFF  }
0xc9: {  	(tm) =	ssettm $0x7FFFFFFF  }
tec
execute0_lowered:
.L_overlay_start_1:
0x0: {  	(tag) =	ssettag $0x1  }
0x1: {  	s1 =	rddreg [dreg:$0x0]  }
0x2: {  	s6 =	rddreg [dreg:$0x1]  }
0x3: {  	s3 =	rddreg [dreg:$0x2];
	s2 =	srdreg.scid  }
0x4: {  	s0 =	stileid.u32;
	s14 =	simm.s32 $0x100;
	s15 =	simm.s32 $0x200  }
0x5: {  	s16 =	simm.s32 $0x1;
	s17 =	simm.s32 $0x80;
	s18 =	simm.s32 $0x400  }
0x6: {  	s19 =	simm.s32 $0x5;
	s20 =	simm.s32 $0x300;
	s7 =	smul.u32 $0x90, s0  }
0x7: {  	s28 =	simm.s32 $0x4;
	s29 =	simm.s32 $0x0;
	s21 =	smul.u32 $0x2800, s0  }
0x8: {  	s5 =	sand.u32 $0x1, s2;
	s4 =	sshll.u32 s0, $0x4;
	s23 =	smul.u32 $0x50000, s0  }
0x9: {  	s24 =	sadd.s32 $0x17A00, s6;
	s30 =	sshll.u32 s0, $0x6;
	p0 =	seq.s32 s5, $0x0  }
0xa: {  	s8 =	sor.u32 $0x900, s4;
	s4 =	simm.s32 $0x0;
	s9 =	smul.u32 $0x28000, s5  }
0xb: {  	s22 =	ssub.s32 $0x2, s5;
	s8 =	smov.u32 @p0 s7;
	[smem:$0x7FF] =	sst s4  }
0xc: {  	s25 =	sshrl.u32 s22, $0x1;
	s26 =	sshrl.u32 s23, $0x2;
	s23 =	simm.s32 $0x180  }
0xd: {  	s8 =	sshll.u32 s8, $0x5;
	_ =	strace $0x8000004A;
	s7 =	sadd.s32 s21, s9  }
0xe: {  	[dreg:$0x8] =	wrdreg s24;
	s12 =	ssub.s32 s22, s25;
	s13 =	sadd.s32 s26, s3  }
0xf: {  	s21 =	simm.s32 $0x2;
	s22 =	simm.s32 $0x4400;
	[dreg:$0x5] =	wrdreg s23  }
0x10: {  	s24 =	simm.s32 $0x280;
	s23 =	simm.s32 $0x6;
	s25 =	simm.s32 $0x380  }
0x11: {  	s26 =	simm.s32 $0x8;
	s10 =	sadd.s32 s8, s6;
	s11 =	sadd.s32 s7, s6  }
0x12: {  	s6 =	simm.s32 $0x90;
	s7 =	sor.u32 $0x1C09, s30;
	[dreg:$0x6] =	wrdreg s24  }
0x13: {  	s24 =	simm.s32 $0x7;
	[dreg:$0x7] =	wrdreg s25;
	s25 =	simm.s32 $0x3  }
0x14: {  	s6 =	simm.s32 @!p0 $0x10;
	s8 =	sadd.s32 $0x3A00, s10;
	s9 =	sadd.s32 $0x3A20, s10  }
0x15: {  	s10 =	sadd.s32 $0x1A200, s11;
	s11 =	smax.u32 s12, $0x1;
	s31 =	sshll.u32 s6, $0x5  }
0x16: {  	s12 =	sshrl.u32 s13, $0x3;
	s13 =	simm.s32 $0x9;
	[dreg:$0x4] =	wrdreg s31  }
.LBB2_1:
0x17: {  	s0 =	rddreg [dreg:$0x8]  }
0x18: {  	[spmem:s12], [sflag:s7] =	dma.local [hbm:s0], $0x2800  }
0x19: {  	_ =	swait.ge [sflag:s13], $0x2800  }
0x1a: {  	[sflag:s13] =	ssyncset.done $0x0  }
0x1b: {  	[sflag:s13] =	ssyncadd.s32 $0xFFFFD800  }
0x1c: {  	[bflag:$0x0] =	sbarrier.arrive $0xFFFF  }
0x1d: {  	[tilespmem:s4], [sflag:$0x1] =	stream.linear.gather [hbm4b:s8+s4], $0x100, $0x38;
	[tilespmem:$0x1C400] =	vst v63  }
0x1e: {  	s30 =	simm.s32 $0x4;
	s31 =	simm.s32 $0x0  }
0x1f: {  	[tilespmem:s14], [sflag:$0x2] =	stream.linear.gather [hbm4b:s9+s4], $0x100, $0x38;
	[tilespmem:$0x1C400] =	vst v63  }
.LBB2_2:
0x20: {  	p0 =	seq.s32 s31, $0x0  }
0x21: {  	s2 =	simm.s32 @!p0 $0x7  }
0x22: {  	_ =	swait.ge @!p0 [sflag:s2], $0x4000  }
0x23: {  	s0 =	sadd.s32 s31, s8;
	[sflag:s2] =	ssyncset.done @!p0 $0x0  }
0x24: {  	s5 =	sadd.s32 $0x40, s0;
	[sflag:s2] =	ssyncadd.s32 @!p0 $0xFFFFC000  }
0x25: {  	[tilespmem:s15], [sflag:$0x3] =	stream.linear.gather [hbm4b:s5+s4], $0x100, $0x38;
	[tilespmem:$0x1C400] =	vst v63  }
0x26: {  	_ =	swait.ge [sflag:s16], $0x100  }
0x27: {  	[sflag:s16] =	ssyncset.done $0x0  }
0x28: {  	[sflag:s16] =	ssyncadd.s32 $0xFFFFFF00  }
0x29: {  	[tilespmem:s18], [sflag:$0x5] =	stream.indirect.gather [hbm4b:s1+s17], $0x80, s4, s17, $0xb8;
	[tilespmem:$0x1C400] =	vst v63  }
0x2a: {  	_ =	swait.ge [sflag:s19], $0x4000  }
0x2b: {  	[sflag:s19] =	ssyncset.done $0x0  }
0x2c: {  	s2 =	simm.s32 @!p0 $0x8;
	[sflag:s19] =	ssyncadd.s32 $0xFFFFC000  }
0x2d: {  	[spmem:s3] =	stream.indirect.scatter.add.f32 [tilespmem:s18], [sflag:$0x7], $0x80, s17, s17, $0xb8;
	[tilespmem:$0x1C400] =	vst v63  }
0x2e: {  	_ =	swait.ge @!p0 [sflag:s2], $0x4000  }
0x2f: {  	[sflag:s2] =	ssyncset.done @!p0 $0x0  }
0x30: {  	s0 =	sadd.s32 $0x60, s0;
	[sflag:s2] =	ssyncadd.s32 @!p0 $0xFFFFC000  }
0x31: {  	[tilespmem:s20], [sflag:$0x4] =	stream.linear.gather [hbm4b:s0+s4], $0x100, $0x38;
	[tilespmem:$0x1C400] =	vst v63  }
0x32: {  	_ =	swait.ge [sflag:s21], $0x100  }
0x33: {  	[sflag:s21] =	ssyncset.done $0x0  }
0x34: {  	[sflag:s21] =	ssyncadd.s32 $0xFFFFFF00  }
0x35: {  	[tilespmem:s22], [sflag:$0x6] =	stream.indirect.gather [hbm4b:s1+s17], $0x80, s14, s17, $0xb8;
	[tilespmem:$0x1C400] =	vst v63  }
0x36: {  	_ =	swait.ge [sflag:s23], $0x4000  }
0x37: {  	[sflag:s23] =	ssyncset.done $0x0  }
0x38: {  	s5 =	rddreg [dreg:$0x5];
	[sflag:s23] =	ssyncadd.s32 $0xFFFFC000  }
0x39: {  	[spmem:s3] =	stream.indirect.scatter.add.f32 [tilespmem:s22], [sflag:$0x8], $0x80, s5, s17, $0xb8;
	[tilespmem:$0x1C400] =	vst v63  }
0x3a: {  	p0 =	sge.u32 s30, s6;
	_ =	swait.ge [sflag:s24], $0x4000  }
0x3b: {  	s0 =	sadd.s32 @!p0 s31, s8;
	[sflag:s24] =	ssyncset.done $0x0  }
0x3c: {  	s2 =	simm.s32 @!p0 $0x0;
	s0 =	sadd.s32 @!p0 $0x80, s0;
	[sflag:s24] =	ssyncadd.s32 $0xFFFFC000  }
0x3d: {  	[tilespmem:s2], [sflag:$0x1] =	stream.linear.gather @!p0 [hbm4b:s0+s2], $0x100, $0x38;
	[tilespmem:$0x1C400] =	vst v63  }
0x3e: {  	_ =	swait.ge [sflag:s25], $0x100  }
0x3f: {  	[sflag:s25] =	ssyncset.done $0x0  }
0x40: {  	[sflag:s25] =	ssyncadd.s32 $0xFFFFFF00  }
0x41: {  	[tilespmem:s18], [sflag:$0x5] =	stream.indirect.gather [hbm4b:s1+s17], $0x80, s15, s17, $0xb8;
	[tilespmem:$0x1C400] =	vst v63  }
0x42: {  	_ =	swait.ge [sflag:s19], $0x4000  }
0x43: {  	[sflag:s19] =	ssyncset.done $0x0  }
0x44: {  	s5 =	sadd.s32 $0x1, s30;
	s2 =	rddreg [dreg:$0x6];
	[sflag:s19] =	ssyncadd.s32 $0xFFFFC000  }
0x45: {  	[spmem:s3] =	stream.indirect.scatter.add.f32 [tilespmem:s18], [sflag:$0x7], $0x80, s2, s17, $0xb8;
	[tilespmem:$0x1C400] =	vst v63  }
0x46: {  	p0 =	sge.u32 s5, s6;
	_ =	swait.ge [sflag:s26], $0x4000  }
0x47: {  	s0 =	sadd.s32 @!p0 s31, s8;
	s5 =	simm.s32 @!p0 $0x100;
	[sflag:s26] =	ssyncset.done $0x0  }
0x48: {  	s0 =	sadd.s32 @!p0 $0xA0, s0;
	s2 =	simm.s32 @!p0 $0x0;
	[sflag:s26] =	ssyncadd.s32 $0xFFFFC000  }
0x49: {  	[tilespmem:s5], [sflag:$0x2] =	stream.linear.gather @!p0 [hbm4b:s0+s2], $0x100, $0x38;
	[tilespmem:$0x1C400] =	vst v63  }
0x4a: {  	_ =	swait.ge [sflag:s28], $0x100  }
0x4b: {  	[sflag:s28] =	ssyncset.done $0x0  }
0x4c: {  	[sflag:s28] =	ssyncadd.s32 $0xFFFFFF00  }
0x4d: {  	[tilespmem:s22], [sflag:$0x6] =	stream.indirect.gather [hbm4b:s1+s17], $0x80, s20, s17, $0xb8;
	[tilespmem:$0x1C400] =	vst v63  }
0x4e: {  	_ =	swait.ge [sflag:s23], $0x4000  }
0x4f: {  	s31 =	sadd.s32 $0x80, s31;
	s5 =	rddreg [dreg:$0x4]  }
0x50: {  	p0 =	sne.s32 s5, s31  }
.Ltmp0:
0x51: {  	_ = 	snop;
	(pc) =	sbr.rel @p0 .LBB2_2-.Ltmp0, $4  }
0x52: {  	_ = 	snop  }
0x53: {  	[sflag:s23] =	ssyncset.done $0x0  }
0x54: {  	s30 =	sadd.s32 $0x4, s30;
	s2 =	rddreg [dreg:$0x7];
	[sflag:s23] =	ssyncadd.s32 $0xFFFFC000  }
0x55: {  	[spmem:s3] =	stream.indirect.scatter.add.f32 [tilespmem:s22], [sflag:$0x8], $0x80, s2, s17, $0xb8;
	[tilespmem:$0x1C400] =	vst v63  }
0x56: {  	_ =	swait.ge [sflag:s24], $0x4000  }
0x57: {  	[sflag:s24] =	ssyncset.done $0x0  }
0x58: {  	[sflag:s24] =	ssyncadd.s32 $0xFFFFC000  }
0x59: {  	_ =	swait.ge [sflag:s26], $0x4000  }
0x5a: {  	s29 =	sadd.s32 $0x1, s29;
	[sflag:s26] =	ssyncset.done $0x0  }
0x5b: {  	p0 =	sne.s32 s29, s11;
	[sflag:s26] =	ssyncadd.s32 $0xFFFFC000  }
.Ltmp1:
0x5c: {  	[bflag:$0x0] =	sbarrier.arrive $0xFFFF;
	(pc) =	sbr.rel @p0 .LBB2_1-.Ltmp1, $4  }
0x5d: {  	[hbm:s10], [sflag:s7] =	dma.local [spmem:s12], $0x2800  }
0x5e: {  	_ =	swait.ge [sflag:s13], $0x2800  }
0x5f: {  	[sflag:s13] =	ssyncset.done $0x0  }
0x60: {  	[sflag:s13] =	ssyncadd.s32 $0xFFFFD800  }
0x61: {  	_ =	sfence.sel $0x180000  }
0x62: {  	[bflag:$0x0] =	sbarrier.arrive $0xFFFF  }
0x63: {  	_ =	strace $0x9000004A  }
0x64: {  	s0 =	stileid.u32;
	[bflag:$0x2] =	sbarrier.arrive $0xFFFF  }
0x65: {  	p0 =	sne.s32 s0, $0x0;
	s0 =	rddreg [dreg:$0x3]  }
0x66: {  	s0 =	sadd.s32 @!p0 $0x100000, s0  }
0x67: {  	[sflag:s0] =	ssyncadd.tile.s32 @!p0 $0x1;
	_ =	shalt  }
.Lfunc_end2:
_tile_overlayer_lowered:
.L_overlay_start_2:
0x68: {  	(tag) =	ssettag $0x2  }
0x69: {  	s0 =	rddreg [dreg:$0x0];
	s2 =	stileid.u32  }
0x6a: {  	s1 =	rddreg [dreg:$0x1];
	p0 =	sne.s32 s2, $0x0  }
0x6b: {  	s3 =	rddreg [dreg:$0x2];
	[bflag:$0x3] =	sbarrier.arrive $0xFFFF;
	s2 =	simm.s32 @!p0 $0x1C09  }
0x6c: {  	[timem:s3], [sflag:s2] =	dma.local @!p0 [hbm:s0], s1  }
0x6d: {  	s0 =	simm.s32 @!p0 $0x9  }
0x6e: {  	_ =	swait.ge @!p0 [sflag:s0], s1  }
0x6f: {  	s1 =	ssub.s32 @!p0 $0x0, s1;
	[sflag:s0] =	ssyncset.done @!p0 $0x0  }
0x70: {  	[sflag:s0] =	ssyncadd.s32 @!p0 s1  }
0x71: {  	[bflag:$0x3] =	sbarrier.arrive $0xFFFF  }
0x72: {  	_ =	shalt  }

// kernel: kernel.14.cloned.1.call-start
scs
__scs_entry_jumppad:
0x0: {  	(pc) =	sbr.rel $0x88, $3  }
0x1: {  	(tag) =	ssettag $0x0;
	lr =	simm.s32 $0x1  }
0x2: {  	[smem:$0x3F94] =	sst lr;
	_ =	strace $0xD0000000  }
0x3: {  	_ = 	snop  }
0x4: {  	_ = 	snop  }
0x5: {  	_ = 	snop  }
0x6: {  	_ = 	snop  }
0x7: {  	_ = 	snop  }
__scs_overlays_trampoline_lowered:
0x8: {  	[smem:$0x3FA3] =	sst s0  }
0x9: {  	[smem:$0x3FA4] =	sst s1  }
0xa: {  	[smem:$0x3FA5] =	sst s2  }
0xb: {  	[smem:$0x3FA6] =	sst s3  }
0xc: {  	[smem:$0x3FA7] =	sst s4  }
0xd: {  	[smem:$0x3FA8] =	sst s5  }
0xe: {  	[smem:$0x3FA9] =	sst s6  }
0xf: {  	[smem:$0x3FAA] =	sst s7  }
0x10: {  	[smem:$0x3FAB] =	sst s8  }
0x11: {  	[smem:$0x3FAC] =	sst s9;
	s0 =	simm.s32 @!p0 $0x0  }
0x12: {  	s1 =	sld [smem:$0x3F92];
	s0 =	simm.s32 @p0 $0x1  }
0x13: {  	[smem:$0x3FAD] =	sst s0;
	s0 =	simm.s32 @!p1 $0x0  }
0x14: {  	s2 =	sld [smem:$0x3F91];
	s0 =	simm.s32 @p1 $0x1  }
0x15: {  	[smem:$0x3FAE] =	sst s0;
	s0 =	simm.s32 @!p2 $0x0  }
0x16: {  	s3 =	sld [smem:$0x3FDB];
	s0 =	simm.s32 @p2 $0x1  }
0x17: {  	s4 =	simm.s32 $0x1BF5;
	[smem:$0x3FB0] =	sst s0  }
0x18: {  	s0 =	sld [smem:$0x3F93];
	_ =	swait.ge [sflag:s4], $0x0  }
0x19: {  	s7 =	sld [smem:$0x3F94]  }
0x1a: {  	s8 =	sadd.s32 $0xFFFFE003, lr  }
0x1b: {  	s9 =	sadd.s32 $0xFFFFFEF7, lr;
	s5 =	simm.s32 $0xFFFFFFFF;
	p2 =	slt.u32 s8, $0xFFFFF086  }
0x1c: {  	p1 =	slt.u32 s9, $0xF7A;
	s5 =	simm.s32 @!p2 $0x0  }
0x1d: {  	s5 =	simm.s32 @p1 $0x1;
	p0 =	seq.s32 s7, s2  }
0x1e: {  	s7 =	smul.u32 @!p0 $0xF7A, s2;
	p2 =	seq.s32 @!p0 s5, $0x0  }
0x1f: {  	s9 =	smul.u32 $0xF7A, s1;
	s8 =	simm.s32 @!p0 $0x1BF5;
	p2 =	por !p2, p0  }
0x20: {  	[sflag:s8] =	ssyncset.s32 @!p0 $0xFFFFF086;
	s6 =	sadd.s32 @!p0 s3, s7;
	s7 =	simm.s32 @!p0 $0x108  }
0x21: {  	s3 =	sadd.s32 s3, s9;
	s6 =	sadd.s32 @!p0 $0x88, s6;
	s7 =	simm.s32 @p2 $0x1082  }
0x22: {  	[simem:s7], [sflag:s8] =	dma.local @!p0 [hbm:s6], $0xF7A  }
0x23: {  	s9 =	sor.u32 $0xD0000000, s2;
	s6 =	simm.s32 $0x108;
	_ =	swait.ge @!p0 [sflag:s8], $0x0  }
0x24: {  	s3 =	sadd.s32 $0x88, s3;
	s6 =	simm.s32 @!p1 $0x1082;
	[sflag:s4] =	ssyncset.s32 $0xFFFFF086  }
0x25: {  	[simem:s6], [sflag:s4] =	dma.local [hbm:s3], $0xF7A  }
0x26: {  	[smem:$0x3F94] =	sst s1;
	(tag) =	ssettag s2;
	_ =	strace s9  }
0x27: {  	s1 =	sld [smem:$0x3FA4]  }
0x28: {  	s2 =	sld [smem:$0x3FA5]  }
0x29: {  	s4 =	sld [smem:$0x3FA7]  }
0x2a: {  	p0 =	seq.s32 s5, $0x0;
	s5 =	sld [smem:$0x3FA8]  }
0x2b: {  	s6 =	sld [smem:$0x3FA9]  }
0x2c: {  	s7 =	sld [smem:$0x3FAA]  }
0x2d: {  	s3 =	simm.s32 $0x108;
	s8 =	sld [smem:$0x3FAB]  }
0x2e: {  	s3 =	simm.s32 @!p0 $0x1082;
	s9 =	sld [smem:$0x3FAC]  }
0x2f: {  	lr =	sadd.s32 s0, s3;
	s0 =	sld [smem:$0x3FA3]  }
0x30: {  	s3 =	sld [smem:$0x3FA6]  }
0x31: {  	[smem:$0x3FAF] =	sst s10  }
0x32: {  	s10 =	sld [smem:$0x3FAD];
	_ =	sdelay $0x3  }
0x33: {  	p0 =	seq.s32 s10, $0x1;
	s10 =	sld [smem:$0x3FAF];
	_ =	sdelay $0x3  }
0x34: {  	[smem:$0x3FAF] =	sst s10  }
0x35: {  	s10 =	sld [smem:$0x3FAE];
	_ =	sdelay $0x3  }
0x36: {  	p1 =	seq.s32 s10, $0x1;
	s10 =	sld [smem:$0x3FAF];
	_ =	sdelay $0x3  }
0x37: {  	[smem:$0x3FAF] =	sst s10  }
0x38: {  	s10 =	sld [smem:$0x3FB0]  }
0x39: {  	_ = 	snop;
	(pc) =	sbr.ind lr, $3  }
0x3a: {  	_ = 	snop  }
0x3b: {  	_ = 	snop  }
0x3c: {  	p2 =	seq.s32 s10, $0x1;
	s10 =	sld [smem:$0x3FAF]  }
0x3d: {  	_ =	shalt  }
0x3e: {  	_ =	shalt  }
0x3f: {  	_ =	shalt  }
0x40: {  	_ =	shalt  }
0x41: {  	_ =	shalt  }
0x42: {  	_ =	shalt  }
0x43: {  	_ =	shalt  }
0x44: {  	_ =	shalt  }
0x45: {  	_ =	shalt  }
0x46: {  	_ =	shalt  }
0x47: {  	_ =	shalt  }
0x48: {  	_ =	shalt  }
0x49: {  	_ =	shalt  }
0x4a: {  	_ =	shalt  }
0x4b: {  	_ =	shalt  }
0x4c: {  	_ =	shalt  }
0x4d: {  	_ =	shalt  }
0x4e: {  	_ =	shalt  }
0x4f: {  	_ =	shalt  }
0x50: {  	_ =	shalt  }
0x51: {  	_ =	shalt  }
0x52: {  	_ =	shalt  }
0x53: {  	_ =	shalt  }
0x54: {  	_ =	shalt  }
0x55: {  	_ =	shalt  }
0x56: {  	_ =	shalt  }
0x57: {  	_ =	shalt  }
0x58: {  	_ =	shalt  }
0x59: {  	_ =	shalt  }
0x5a: {  	_ =	shalt  }
0x5b: {  	_ =	shalt  }
0x5c: {  	_ =	shalt  }
0x5d: {  	_ =	shalt  }
0x5e: {  	_ =	shalt  }
0x5f: {  	_ =	shalt  }
0x60: {  	_ =	shalt  }
0x61: {  	_ =	shalt  }
0x62: {  	_ =	shalt  }
0x63: {  	_ =	shalt  }
0x64: {  	_ =	shalt  }
0x65: {  	_ =	shalt  }
0x66: {  	_ =	shalt  }
0x67: {  	_ =	shalt  }
0x68: {  	_ =	shalt  }
0x69: {  	_ =	shalt  }
0x6a: {  	_ =	shalt  }
0x6b: {  	_ =	shalt  }
0x6c: {  	_ =	shalt  }
0x6d: {  	_ =	shalt  }
0x6e: {  	_ =	shalt  }
0x6f: {  	_ =	shalt  }
0x70: {  	_ =	shalt  }
0x71: {  	_ =	shalt  }
0x72: {  	_ =	shalt  }
0x73: {  	_ =	shalt  }
0x74: {  	_ =	shalt  }
0x75: {  	_ =	shalt  }
0x76: {  	_ =	shalt  }
0x77: {  	_ =	shalt  }
0x78: {  	_ =	shalt  }
0x79: {  	_ =	shalt  }
0x7a: {  	_ =	shalt  }
0x7b: {  	_ =	shalt  }
0x7c: {  	_ =	shalt  }
0x7d: {  	_ =	shalt  }
0x7e: {  	_ =	shalt  }
0x7f: {  	_ =	shalt  }
0x80: {  	_ =	shalt  }
0x81: {  	_ =	shalt  }
0x82: {  	_ =	shalt  }
0x83: {  	_ =	shalt  }
0x84: {  	_ =	shalt  }
0x85: {  	_ =	shalt  }
0x86: {  	_ =	shalt  }
0x87: {  	_ =	shalt  }
.Lfunc_end0:
.L_simem_size_0:
called_computation.2_lowered:
.L_overlay_start_0:
0x88: {  	s2 =	sld [smem:$0x3FD9]  }
0x89: {  	s3 =	sld [smem:$0x3FFE];
	_ =	sdelay $0x1  }
0x8a: {  	s1 =	srdreg.scid  }
0x8b: {  	s0 =	sand.u32 $0x1, s1  }
0x8c: {  	s14 =	sshll.u32 s0, $0xA;
	s2 =	sadd.s32 s3, s2  }
0x8d: {  	s2 =	sadd.s32 s2, s14  }
0x8e: {  	[smem:$0x3FBB] =	sst s2  }
0x8f: {  	_ = 	snop  }
0x90: {  	s2 =	sld [smem:$0x3FD0];
	_ =	sdelay $0x2  }
0x91: {  	s15 =	simm.s32 $0xA;
	s4 =	simm.s32 $0x10  }
0x92: {  	[smem:s4], [sflag:s15] =	dma.local [hbm:s2], $0x1  }
0x93: {  	_ =	swait.eq [sflag:s15], $0x1  }
0x94: {  	[sflag:s15] =	ssyncset.done $0x0  }
0x95: {  	[sflag:s15] =	ssyncadd.s32 $0xFFFFFFFF  }
0x96: {  	s16 =	sld [smem:$0x10];
	(tm) =	ssettm $0x1  }
0x97: {  	s17 =	sld [smem:$0x3FFB];
	_ =	sdelay $0x3  }
0x98: {  	_ =	strace s17  }
0x99: {  	s3 =	sld [smem:$0x3FFC];
	_ =	sdelay $0x3  }
0x9a: {  	_ =	strace s3  }
0x9b: {  	s3 =	sld [smem:$0x3FFD];
	_ =	sdelay $0x3  }
0x9c: {  	_ =	strace s3  }
0x9d: {  	_ =	strace $0x8FFFFFFF  }
0x9e: {  	s18 =	sld [smem:$0x3FDB];
	_ =	sdelay $0x1  }
0x9f: {  	s19 =	simm.s32 $_scs_section_size  }
0xa0: {  	s5 =	simm.s32 $_size__tile_overlayer_lowered;
	s6 =	simm.s32 $_tile_overlayer_lowered  }
0xa1: {  	s22 =	simm.s32 $0x1BFF;
	s21 =	sshll.u32 s6, $0x1;
	s3 =	sadd.s32 s19, s18  }
0xa2: {  	s7 =	simm.s32 $0x0;
	s20 =	sshll.u32 s5, $0x1;
	s5 =	sadd.s32 s21, s3  }
0xa3: {  	[timem:s7], [sflag:s22] =	dma.local [hbm:s5], s20  }
0xa4: {  	_ =	swait.ge [sflag:s22], s20  }
0xa5: {  	s4 =	ssub.s32 $0x0, s20;
	[sflag:s22] =	ssyncset.done $0x0  }
0xa6: {  	[sflag:s22] =	ssyncadd.s32 s4;
	_ =	sdelay $0x1  }
0xa7: {  	s23 =	simm.s32 $0x1B8B  }
0xa8: {  	_ =	swait.ge [sflag:s23], $0x1  }
0xa9: {  	[sflag:s23] =	ssyncset.done $0x0  }
0xaa: {  	s25 =	simm.s32 $0x1B8E;
	s24 =	sld [smem:$0x3FFE];
	[sflag:s23] =	ssyncadd.s32 $0xFFFFFFFF  }
0xab: {  	s26 =	simm.s32 $execute0_lowered;
	[smem:$0x3FD2] =	sst s25  }
0xac: {  	s5 =	sshll.u32 s26, $0x1;
	_ =	strace $0x8000004C;
	[dreg:$0x1] =	wrdreg $0xFFFFFFFF  }
0xad: {  	s28 =	simm.s32 $_size_execute0_lowered;
	s3 =	sadd.s32 s3, s5;
	[dreg:$0x0] =	wrdreg $0x0  }
0xae: {  	s5 =	sshll.u32 s28, $0x1;
	[dreg:$0x2] =	wrdreg s3  }
0xaf: {  	[dreg:$0x3] =	wrdreg s5  }
0xb0: {  	[dreg:$0x4] =	wrdreg $0xC0  }
0xb1: {  	_ =	task [dreg:s7], $0x5FFFF  }
0xb2: {  	[dreg:$0x1] =	wrdreg $0xFFFFFFFF  }
0xb3: {  	[dreg:$0x0] =	wrdreg $0x60  }
0xb4: {  	[dreg:$0x2] =	wrdreg s16  }
0xb5: {  	[dreg:$0x3] =	wrdreg s24  }
0xb6: {  	[dreg:$0x4] =	wrdreg $0x84000  }
0xb7: {  	[dreg:$0x5] =	wrdreg $0x9  }
0xb8: {  	_ =	task.clear_ibuf [dreg:s7], $0x6FFFF;
	_ =	strace $0x9000004C  }
0xb9: {  	s29 =	simm.s32 $0x9;
	_ =	strace $0x8000004E  }
0xba: {  	_ =	swait.ge [sflag:s29], $0x1  }
0xbb: {  	[sflag:s29] =	ssyncadd.s32 $0xFFFFFFFF  }
0xbc: {  	_ =	strace $0x9000004E  }
0xbd: {  	_ =	sfence  }
0xbe: {  	s30 =	sld [smem:$0x0];
	_ =	sdelay $0x2  }
0xbf: {  	s31 =	sshll.u32 s1, $0xD;
	s1 =	sshrl.u32 s1, $0x2  }
0xc0: {  	s3 =	sand.u32 $0x4000, s31;
	s1 =	sadd.s32 s1, s30  }
0xc1: {  	s0 =	sor.u32 s3, s0;
	s1 =	sshll.u32 s1, $0x11  }
0xc2: {  	s0 =	sor.u32 s1, s0  }
0xc3: {  	s0 =	sadd.s32 $0x8F2B, s0  }
0xc4: {  	[sflag:s0] =	ssyncadd.remote.s32 $0x1  }
0xc5: {  	_ =	sfence.sel $0xFFFF  }
0xc6: {  	[dreg:$0x0] =	wrdreg $0xFFFFFFFF;
	(pc) =	sbr.abs _section_cstart, $3  }
0xc7: {  	[dreg:$0x1] =	wrdreg $0xFFFFFFFF  }
0xc8: {  	_ =	task.clear_ibuf [dreg:s7], $0x2FFFF;
	_ =	strace $0x9FFFFFFF  }
0xc9: {  	(tm) =	ssettm $0x7FFFFFFF  }
tec
execute0_lowered:
.L_overlay_start_1:
0x0: {  	(tag) =	ssettag $0x1  }
0x1: {  	s1 =	rddreg [dreg:$0x0]  }
0x2: {  	s6 =	rddreg [dreg:$0x1]  }
0x3: {  	s3 =	rddreg [dreg:$0x2];
	s2 =	srdreg.scid  }
0x4: {  	s0 =	stileid.u32;
	s14 =	simm.s32 $0x100;
	s15 =	simm.s32 $0x200  }
0x5: {  	s16 =	simm.s32 $0x1;
	s17 =	simm.s32 $0x80;
	s18 =	simm.s32 $0x400  }
0x6: {  	s19 =	simm.s32 $0x5;
	s20 =	simm.s32 $0x300;
	s7 =	smul.u32 $0x90, s0  }
0x7: {  	s28 =	simm.s32 $0x4;
	s29 =	simm.s32 $0x0;
	s21 =	smul.u32 $0x2800, s0  }
0x8: {  	s5 =	sand.u32 $0x1, s2;
	s4 =	sshll.u32 s0, $0x4;
	s23 =	smul.u32 $0x50000, s0  }
0x9: {  	s24 =	sadd.s32 $0x17A00, s6;
	s30 =	sshll.u32 s0, $0x6;
	p0 =	seq.s32 s5, $0x0  }
0xa: {  	s8 =	sor.u32 $0x900, s4;
	s4 =	simm.s32 $0x0;
	s9 =	smul.u32 $0x28000, s5  }
0xb: {  	s22 =	ssub.s32 $0x2, s5;
	s8 =	smov.u32 @p0 s7;
	[smem:$0x7FF] =	sst s4  }
0xc: {  	s25 =	sshrl.u32 s22, $0x1;
	s26 =	sshrl.u32 s23, $0x2;
	s23 =	simm.s32 $0x180  }
0xd: {  	s8 =	sshll.u32 s8, $0x5;
	_ =	strace $0x8000004D;
	s7 =	sadd.s32 s21, s9  }
0xe: {  	[dreg:$0x8] =	wrdreg s24;
	s12 =	ssub.s32 s22, s25;
	s13 =	sadd.s32 s26, s3  }
0xf: {  	s21 =	simm.s32 $0x2;
	s22 =	simm.s32 $0x4400;
	[dreg:$0x5] =	wrdreg s23  }
0x10: {  	s24 =	simm.s32 $0x280;
	s23 =	simm.s32 $0x6;
	s25 =	simm.s32 $0x380  }
0x11: {  	s26 =	simm.s32 $0x8;
	s10 =	sadd.s32 s8, s6;
	s11 =	sadd.s32 s7, s6  }
0x12: {  	s6 =	simm.s32 $0x90;
	s7 =	sor.u32 $0x1C09, s30;
	[dreg:$0x6] =	wrdreg s24  }
0x13: {  	s24 =	simm.s32 $0x7;
	[dreg:$0x7] =	wrdreg s25;
	s25 =	simm.s32 $0x3  }
0x14: {  	s6 =	simm.s32 @!p0 $0x10;
	s8 =	sadd.s32 $0x3A00, s10;
	s9 =	sadd.s32 $0x3A20, s10  }
0x15: {  	s10 =	sadd.s32 $0x1A200, s11;
	s11 =	smax.u32 s12, $0x1;
	s31 =	sshll.u32 s6, $0x5  }
0x16: {  	s12 =	sshrl.u32 s13, $0x3;
	s13 =	simm.s32 $0x9;
	[dreg:$0x4] =	wrdreg s31  }
.LBB2_1:
0x17: {  	s0 =	rddreg [dreg:$0x8]  }
0x18: {  	[spmem:s12], [sflag:s7] =	dma.local [hbm:s0], $0x2800  }
0x19: {  	_ =	swait.ge [sflag:s13], $0x2800  }
0x1a: {  	[sflag:s13] =	ssyncset.done $0x0  }
0x1b: {  	[sflag:s13] =	ssyncadd.s32 $0xFFFFD800  }
0x1c: {  	[bflag:$0x0] =	sbarrier.arrive $0xFFFF  }
0x1d: {  	[tilespmem:s4], [sflag:$0x1] =	stream.linear.gather [hbm4b:s8+s4], $0x100, $0x38;
	[tilespmem:$0x1C400] =	vst v63  }
0x1e: {  	s30 =	simm.s32 $0x4;
	s31 =	simm.s32 $0x0  }
0x1f: {  	[tilespmem:s14], [sflag:$0x2] =	stream.linear.gather [hbm4b:s9+s4], $0x100, $0x38;
	[tilespmem:$0x1C400] =	vst v63  }
.LBB2_2:
0x20: {  	p0 =	seq.s32 s31, $0x0  }
0x21: {  	s2 =	simm.s32 @!p0 $0x7  }
0x22: {  	_ =	swait.ge @!p0 [sflag:s2], $0x4000  }
0x23: {  	s0 =	sadd.s32 s31, s8;
	[sflag:s2] =	ssyncset.done @!p0 $0x0  }
0x24: {  	s5 =	sadd.s32 $0x40, s0;
	[sflag:s2] =	ssyncadd.s32 @!p0 $0xFFFFC000  }
0x25: {  	[tilespmem:s15], [sflag:$0x3] =	stream.linear.gather [hbm4b:s5+s4], $0x100, $0x38;
	[tilespmem:$0x1C400] =	vst v63  }
0x26: {  	_ =	swait.ge [sflag:s16], $0x100  }
0x27: {  	[sflag:s16] =	ssyncset.done $0x0  }
0x28: {  	[sflag:s16] =	ssyncadd.s32 $0xFFFFFF00  }
0x29: {  	[tilespmem:s18], [sflag:$0x5] =	stream.indirect.gather [hbm4b:s1+s17], $0x80, s4, s17, $0xb8;
	[tilespmem:$0x1C400] =	vst v63  }
0x2a: {  	_ =	swait.ge [sflag:s19], $0x4000  }
0x2b: {  	[sflag:s19] =	ssyncset.done $0x0  }
0x2c: {  	s2 =	simm.s32 @!p0 $0x8;
	[sflag:s19] =	ssyncadd.s32 $0xFFFFC000  }
0x2d: {  	[spmem:s3] =	stream.indirect.scatter.add.f32 [tilespmem:s18], [sflag:$0x7], $0x80, s17, s17, $0xb8;
	[tilespmem:$0x1C400] =	vst v63  }
0x2e: {  	_ =	swait.ge @!p0 [sflag:s2], $0x4000  }
0x2f: {  	[sflag:s2] =	ssyncset.done @!p0 $0x0  }
0x30: {  	s0 =	sadd.s32 $0x60, s0;
	[sflag:s2] =	ssyncadd.s32 @!p0 $0xFFFFC000  }
0x31: {  	[tilespmem:s20], [sflag:$0x4] =	stream.linear.gather [hbm4b:s0+s4], $0x100, $0x38;
	[tilespmem:$0x1C400] =	vst v63  }
0x32: {  	_ =	swait.ge [sflag:s21], $0x100  }
0x33: {  	[sflag:s21] =	ssyncset.done $0x0  }
0x34: {  	[sflag:s21] =	ssyncadd.s32 $0xFFFFFF00  }
0x35: {  	[tilespmem:s22], [sflag:$0x6] =	stream.indirect.gather [hbm4b:s1+s17], $0x80, s14, s17, $0xb8;
	[tilespmem:$0x1C400] =	vst v63  }
0x36: {  	_ =	swait.ge [sflag:s23], $0x4000  }
0x37: {  	[sflag:s23] =	ssyncset.done $0x0  }
0x38: {  	s5 =	rddreg [dreg:$0x5];
	[sflag:s23] =	ssyncadd.s32 $0xFFFFC000  }
0x39: {  	[spmem:s3] =	stream.indirect.scatter.add.f32 [tilespmem:s22], [sflag:$0x8], $0x80, s5, s17, $0xb8;
	[tilespmem:$0x1C400] =	vst v63  }
0x3a: {  	p0 =	sge.u32 s30, s6;
	_ =	swait.ge [sflag:s24], $0x4000  }
0x3b: {  	s0 =	sadd.s32 @!p0 s31, s8;
	[sflag:s24] =	ssyncset.done $0x0  }
0x3c: {  	s2 =	simm.s32 @!p0 $0x0;
	s0 =	sadd.s32 @!p0 $0x80, s0;
	[sflag:s24] =	ssyncadd.s32 $0xFFFFC000  }
0x3d: {  	[tilespmem:s2], [sflag:$0x1] =	stream.linear.gather @!p0 [hbm4b:s0+s2], $0x100, $0x38;
	[tilespmem:$0x1C400] =	vst v63  }
0x3e: {  	_ =	swait.ge [sflag:s25], $0x100  }
0x3f: {  	[sflag:s25] =	ssyncset.done $0x0  }
0x40: {  	[sflag:s25] =	ssyncadd.s32 $0xFFFFFF00  }
0x41: {  	[tilespmem:s18], [sflag:$0x5] =	stream.indirect.gather [hbm4b:s1+s17], $0x80, s15, s17, $0xb8;
	[tilespmem:$0x1C400] =	vst v63  }
0x42: {  	_ =	swait.ge [sflag:s19], $0x4000  }
0x43: {  	[sflag:s19] =	ssyncset.done $0x0  }
0x44: {  	s5 =	sadd.s32 $0x1, s30;
	s2 =	rddreg [dreg:$0x6];
	[sflag:s19] =	ssyncadd.s32 $0xFFFFC000  }
0x45: {  	[spmem:s3] =	stream.indirect.scatter.add.f32 [tilespmem:s18], [sflag:$0x7], $0x80, s2, s17, $0xb8;
	[tilespmem:$0x1C400] =	vst v63  }
0x46: {  	p0 =	sge.u32 s5, s6;
	_ =	swait.ge [sflag:s26], $0x4000  }
0x47: {  	s0 =	sadd.s32 @!p0 s31, s8;
	s5 =	simm.s32 @!p0 $0x100;
	[sflag:s26] =	ssyncset.done $0x0  }
0x48: {  	s0 =	sadd.s32 @!p0 $0xA0, s0;
	s2 =	simm.s32 @!p0 $0x0;
	[sflag:s26] =	ssyncadd.s32 $0xFFFFC000  }
0x49: {  	[tilespmem:s5], [sflag:$0x2] =	stream.linear.gather @!p0 [hbm4b:s0+s2], $0x100, $0x38;
	[tilespmem:$0x1C400] =	vst v63  }
0x4a: {  	_ =	swait.ge [sflag:s28], $0x100  }
0x4b: {  	[sflag:s28] =	ssyncset.done $0x0  }
0x4c: {  	[sflag:s28] =	ssyncadd.s32 $0xFFFFFF00  }
0x4d: {  	[tilespmem:s22], [sflag:$0x6] =	stream.indirect.gather [hbm4b:s1+s17], $0x80, s20, s17, $0xb8;
	[tilespmem:$0x1C400] =	vst v63  }
0x4e: {  	_ =	swait.ge [sflag:s23], $0x4000  }
0x4f: {  	s31 =	sadd.s32 $0x80, s31;
	s5 =	rddreg [dreg:$0x4]  }
0x50: {  	p0 =	sne.s32 s5, s31  }
.Ltmp0:
0x51: {  	_ = 	snop;
	(pc) =	sbr.rel @p0 .LBB2_2-.Ltmp0, $4  }
0x52: {  	_ = 	snop  }
0x53: {  	[sflag:s23] =	ssyncset.done $0x0  }
0x54: {  	s30 =	sadd.s32 $0x4, s30;
	s2 =	rddreg [dreg:$0x7];
	[sflag:s23] =	ssyncadd.s32 $0xFFFFC000  }
0x55: {  	[spmem:s3] =	stream.indirect.scatter.add.f32 [tilespmem:s22], [sflag:$0x8], $0x80, s2, s17, $0xb8;
	[tilespmem:$0x1C400] =	vst v63  }
0x56: {  	_ =	swait.ge [sflag:s24], $0x4000  }
0x57: {  	[sflag:s24] =	ssyncset.done $0x0  }
0x58: {  	[sflag:s24] =	ssyncadd.s32 $0xFFFFC000  }
0x59: {  	_ =	swait.ge [sflag:s26], $0x4000  }
0x5a: {  	s29 =	sadd.s32 $0x1, s29;
	[sflag:s26] =	ssyncset.done $0x0  }
0x5b: {  	p0 =	sne.s32 s29, s11;
	[sflag:s26] =	ssyncadd.s32 $0xFFFFC000  }
.Ltmp1:
0x5c: {  	[bflag:$0x0] =	sbarrier.arrive $0xFFFF;
	(pc) =	sbr.rel @p0 .LBB2_1-.Ltmp1, $4  }
0x5d: {  	[hbm:s10], [sflag:s7] =	dma.local [spmem:s12], $0x2800  }
0x5e: {  	_ =	swait.ge [sflag:s13], $0x2800  }
0x5f: {  	[sflag:s13] =	ssyncset.done $0x0  }
0x60: {  	[sflag:s13] =	ssyncadd.s32 $0xFFFFD800  }
0x61: {  	_ =	sfence.sel $0x180000  }
0x62: {  	[bflag:$0x0] =	sbarrier.arrive $0xFFFF  }
0x63: {  	_ =	strace $0x9000004D  }
0x64: {  	s0 =	stileid.u32;
	[bflag:$0x2] =	sbarrier.arrive $0xFFFF  }
0x65: {  	p0 =	sne.s32 s0, $0x0;
	s0 =	rddreg [dreg:$0x3]  }
0x66: {  	s0 =	sadd.s32 @!p0 $0x100000, s0  }
0x67: {  	[sflag:s0] =	ssyncadd.tile.s32 @!p0 $0x1;
	_ =	shalt  }
.Lfunc_end2:
_tile_overlayer_lowered:
.L_overlay_start_2:
0x68: {  	(tag) =	ssettag $0x2  }
0x69: {  	s0 =	rddreg [dreg:$0x0];
	s2 =	stileid.u32  }
0x6a: {  	s1 =	rddreg [dreg:$0x1];
	p0 =	sne.s32 s2, $0x0  }
0x6b: {  	s3 =	rddreg [dreg:$0x2];
	[bflag:$0x3] =	sbarrier.arrive $0xFFFF;
	s2 =	simm.s32 @!p0 $0x1C09  }
0x6c: {  	[timem:s3], [sflag:s2] =	dma.local @!p0 [hbm:s0], s1  }
0x6d: {  	s0 =	simm.s32 @!p0 $0x9  }
0x6e: {  	_ =	swait.ge @!p0 [sflag:s0], s1  }
0x6f: {  	s1 =	ssub.s32 @!p0 $0x0, s1;
	[sflag:s0] =	ssyncset.done @!p0 $0x0  }
0x70: {  	[sflag:s0] =	ssyncadd.s32 @!p0 s1  }
0x71: {  	[bflag:$0x3] =	sbarrier.arrive $0xFFFF  }
0x72: {  	_ =	shalt  }

// kernel: kernel.8.cloned.1.call-start
scs
__scs_entry_jumppad:
0x0: {  	(pc) =	sbr.rel $0x88, $3  }
0x1: {  	(tag) =	ssettag $0x0;
	lr =	simm.s32 $0x1  }
0x2: {  	[smem:$0x3F94] =	sst lr;
	_ =	strace $0xD0000000  }
0x3: {  	_ = 	snop  }
0x4: {  	_ = 	snop  }
0x5: {  	_ = 	snop  }
0x6: {  	_ = 	snop  }
0x7: {  	_ = 	snop  }
__scs_overlays_trampoline_lowered:
0x8: {  	[smem:$0x3FA3] =	sst s0  }
0x9: {  	[smem:$0x3FA4] =	sst s1  }
0xa: {  	[smem:$0x3FA5] =	sst s2  }
0xb: {  	[smem:$0x3FA6] =	sst s3  }
0xc: {  	[smem:$0x3FA7] =	sst s4  }
0xd: {  	[smem:$0x3FA8] =	sst s5  }
0xe: {  	[smem:$0x3FA9] =	sst s6  }
0xf: {  	[smem:$0x3FAA] =	sst s7  }
0x10: {  	[smem:$0x3FAB] =	sst s8  }
0x11: {  	[smem:$0x3FAC] =	sst s9;
	s0 =	simm.s32 @!p0 $0x0  }
0x12: {  	s1 =	sld [smem:$0x3F92];
	s0 =	simm.s32 @p0 $0x1  }
0x13: {  	[smem:$0x3FAD] =	sst s0;
	s0 =	simm.s32 @!p1 $0x0  }
0x14: {  	s2 =	sld [smem:$0x3F91];
	s0 =	simm.s32 @p1 $0x1  }
0x15: {  	[smem:$0x3FAE] =	sst s0;
	s0 =	simm.s32 @!p2 $0x0  }
0x16: {  	s3 =	sld [smem:$0x3FDB];
	s0 =	simm.s32 @p2 $0x1  }
0x17: {  	s4 =	simm.s32 $0x1BF5;
	[smem:$0x3FB0] =	sst s0  }
0x18: {  	s0 =	sld [smem:$0x3F93];
	_ =	swait.ge [sflag:s4], $0x0  }
0x19: {  	s7 =	sld [smem:$0x3F94]  }
0x1a: {  	s8 =	sadd.s32 $0xFFFFE003, lr  }
0x1b: {  	s9 =	sadd.s32 $0xFFFFFEF7, lr;
	s5 =	simm.s32 $0xFFFFFFFF;
	p2 =	slt.u32 s8, $0xFFFFF086  }
0x1c: {  	p1 =	slt.u32 s9, $0xF7A;
	s5 =	simm.s32 @!p2 $0x0  }
0x1d: {  	s5 =	simm.s32 @p1 $0x1;
	p0 =	seq.s32 s7, s2  }
0x1e: {  	s7 =	smul.u32 @!p0 $0xF7A, s2;
	p2 =	seq.s32 @!p0 s5, $0x0  }
0x1f: {  	s9 =	smul.u32 $0xF7A, s1;
	s8 =	simm.s32 @!p0 $0x1BF5;
	p2 =	por !p2, p0  }
0x20: {  	[sflag:s8] =	ssyncset.s32 @!p0 $0xFFFFF086;
	s6 =	sadd.s32 @!p0 s3, s7;
	s7 =	simm.s32 @!p0 $0x108  }
0x21: {  	s3 =	sadd.s32 s3, s9;
	s6 =	sadd.s32 @!p0 $0x88, s6;
	s7 =	simm.s32 @p2 $0x1082  }
0x22: {  	[simem:s7], [sflag:s8] =	dma.local @!p0 [hbm:s6], $0xF7A  }
0x23: {  	s9 =	sor.u32 $0xD0000000, s2;
	s6 =	simm.s32 $0x108;
	_ =	swait.ge @!p0 [sflag:s8], $0x0  }
0x24: {  	s3 =	sadd.s32 $0x88, s3;
	s6 =	simm.s32 @!p1 $0x1082;
	[sflag:s4] =	ssyncset.s32 $0xFFFFF086  }
0x25: {  	[simem:s6], [sflag:s4] =	dma.local [hbm:s3], $0xF7A  }
0x26: {  	[smem:$0x3F94] =	sst s1;
	(tag) =	ssettag s2;
	_ =	strace s9  }
0x27: {  	s1 =	sld [smem:$0x3FA4]  }
0x28: {  	s2 =	sld [smem:$0x3FA5]  }
0x29: {  	s4 =	sld [smem:$0x3FA7]  }
0x2a: {  	p0 =	seq.s32 s5, $0x0;
	s5 =	sld [smem:$0x3FA8]  }
0x2b: {  	s6 =	sld [smem:$0x3FA9]  }
0x2c: {  	s7 =	sld [smem:$0x3FAA]  }
0x2d: {  	s3 =	simm.s32 $0x108;
	s8 =	sld [smem:$0x3FAB]  }
0x2e: {  	s3 =	simm.s32 @!p0 $0x1082;
	s9 =	sld [smem:$0x3FAC]  }
0x2f: {  	lr =	sadd.s32 s0, s3;
	s0 =	sld [smem:$0x3FA3]  }
0x30: {  	s3 =	sld [smem:$0x3FA6]  }
0x31: {  	[smem:$0x3FAF] =	sst s10  }
0x32: {  	s10 =	sld [smem:$0x3FAD];
	_ =	sdelay $0x3  }
0x33: {  	p0 =	seq.s32 s10, $0x1;
	s10 =	sld [smem:$0x3FAF];
	_ =	sdelay $0x3  }
0x34: {  	[smem:$0x3FAF] =	sst s10  }
0x35: {  	s10 =	sld [smem:$0x3FAE];
	_ =	sdelay $0x3  }
0x36: {  	p1 =	seq.s32 s10, $0x1;
	s10 =	sld [smem:$0x3FAF];
	_ =	sdelay $0x3  }
0x37: {  	[smem:$0x3FAF] =	sst s10  }
0x38: {  	s10 =	sld [smem:$0x3FB0]  }
0x39: {  	_ = 	snop;
	(pc) =	sbr.ind lr, $3  }
0x3a: {  	_ = 	snop  }
0x3b: {  	_ = 	snop  }
0x3c: {  	p2 =	seq.s32 s10, $0x1;
	s10 =	sld [smem:$0x3FAF]  }
0x3d: {  	_ =	shalt  }
0x3e: {  	_ =	shalt  }
0x3f: {  	_ =	shalt  }
0x40: {  	_ =	shalt  }
0x41: {  	_ =	shalt  }
0x42: {  	_ =	shalt  }
0x43: {  	_ =	shalt  }
0x44: {  	_ =	shalt  }
0x45: {  	_ =	shalt  }
0x46: {  	_ =	shalt  }
0x47: {  	_ =	shalt  }
0x48: {  	_ =	shalt  }
0x49: {  	_ =	shalt  }
0x4a: {  	_ =	shalt  }
0x4b: {  	_ =	shalt  }
0x4c: {  	_ =	shalt  }
0x4d: {  	_ =	shalt  }
0x4e: {  	_ =	shalt  }
0x4f: {  	_ =	shalt  }
0x50: {  	_ =	shalt  }
0x51: {  	_ =	shalt  }
0x52: {  	_ =	shalt  }
0x53: {  	_ =	shalt  }
0x54: {  	_ =	shalt  }
0x55: {  	_ =	shalt  }
0x56: {  	_ =	shalt  }
0x57: {  	_ =	shalt  }
0x58: {  	_ =	shalt  }
0x59: {  	_ =	shalt  }
0x5a: {  	_ =	shalt  }
0x5b: {  	_ =	shalt  }
0x5c: {  	_ =	shalt  }
0x5d: {  	_ =	shalt  }
0x5e: {  	_ =	shalt  }
0x5f: {  	_ =	shalt  }
0x60: {  	_ =	shalt  }
0x61: {  	_ =	shalt  }
0x62: {  	_ =	shalt  }
0x63: {  	_ =	shalt  }
0x64: {  	_ =	shalt  }
0x65: {  	_ =	shalt  }
0x66: {  	_ =	shalt  }
0x67: {  	_ =	shalt  }
0x68: {  	_ =	shalt  }
0x69: {  	_ =	shalt  }
0x6a: {  	_ =	shalt  }
0x6b: {  	_ =	shalt  }
0x6c: {  	_ =	shalt  }
0x6d: {  	_ =	shalt  }
0x6e: {  	_ =	shalt  }
0x6f: {  	_ =	shalt  }
0x70: {  	_ =	shalt  }
0x71: {  	_ =	shalt  }
0x72: {  	_ =	shalt  }
0x73: {  	_ =	shalt  }
0x74: {  	_ =	shalt  }
0x75: {  	_ =	shalt  }
0x76: {  	_ =	shalt  }
0x77: {  	_ =	shalt  }
0x78: {  	_ =	shalt  }
0x79: {  	_ =	shalt  }
0x7a: {  	_ =	shalt  }
0x7b: {  	_ =	shalt  }
0x7c: {  	_ =	shalt  }
0x7d: {  	_ =	shalt  }
0x7e: {  	_ =	shalt  }
0x7f: {  	_ =	shalt  }
0x80: {  	_ =	shalt  }
0x81: {  	_ =	shalt  }
0x82: {  	_ =	shalt  }
0x83: {  	_ =	shalt  }
0x84: {  	_ =	shalt  }
0x85: {  	_ =	shalt  }
0x86: {  	_ =	shalt  }
0x87: {  	_ =	shalt  }
.Lfunc_end0:
.L_simem_size_0:
called_computation_lowered:
.L_overlay_start_0:
0x88: {  	s2 =	sld [smem:$0x3FD9]  }
0x89: {  	s3 =	sld [smem:$0x3FFE];
	_ =	sdelay $0x1  }
0x8a: {  	s1 =	srdreg.scid  }
0x8b: {  	s0 =	sand.u32 $0x1, s1  }
0x8c: {  	s14 =	sshll.u32 s0, $0xA;
	s2 =	sadd.s32 s3, s2  }
0x8d: {  	s2 =	sadd.s32 s2, s14  }
0x8e: {  	[smem:$0x3FBB] =	sst s2  }
0x8f: {  	_ = 	snop  }
0x90: {  	s2 =	sld [smem:$0x3FD0];
	_ =	sdelay $0x2  }
0x91: {  	s4 =	simm.s32 $0xA;
	s5 =	simm.s32 $0x10;
	s15 =	sld [smem:$0x3FC9]  }
0x92: {  	[smem:s5], [sflag:s4] =	dma.local [hbm:s2], $0x1  }
0x93: {  	_ =	swait.eq [sflag:s4], $0x1  }
0x94: {  	[sflag:s4] =	ssyncset.done $0x0  }
0x95: {  	s16 =	sld [smem:$0x10];
	[sflag:s4] =	ssyncadd.s32 $0xFFFFFFFF  }
0x96: {  	s17 =	sld [smem:$0x11];
	(tm) =	ssettm $0x1  }
0x97: {  	s18 =	sld [smem:$0x3FFB];
	_ =	sdelay $0x3  }
0x98: {  	_ =	strace s18  }
0x99: {  	s5 =	sld [smem:$0x3FFC];
	_ =	sdelay $0x3  }
0x9a: {  	_ =	strace s5  }
0x9b: {  	s5 =	sld [smem:$0x3FFD];
	_ =	sdelay $0x3  }
0x9c: {  	_ =	strace s5  }
0x9d: {  	_ =	strace $0x8FFFFFFF  }
0x9e: {  	s19 =	sld [smem:$0x3FDB];
	_ =	sdelay $0x1  }
0x9f: {  	s6 =	simm.s32 $_scs_section_size  }
0xa0: {  	s7 =	simm.s32 $_size__tile_overlayer_lowered;
	s8 =	simm.s32 $_tile_overlayer_lowered  }
0xa1: {  	s22 =	simm.s32 $0x1BFF;
	s21 =	sshll.u32 s8, $0x1;
	s5 =	sadd.s32 s6, s19  }
0xa2: {  	s9 =	simm.s32 $0x0;
	s20 =	sshll.u32 s7, $0x1;
	s7 =	sadd.s32 s21, s5  }
0xa3: {  	[timem:s9], [sflag:s22] =	dma.local [hbm:s7], s20  }
0xa4: {  	_ =	swait.ge [sflag:s22], s20  }
0xa5: {  	s6 =	ssub.s32 $0x0, s20;
	[sflag:s22] =	ssyncset.done $0x0  }
0xa6: {  	[sflag:s22] =	ssyncadd.s32 s6;
	_ =	sdelay $0x1  }
0xa7: {  	s23 =	simm.s32 $0x1B8B  }
0xa8: {  	_ =	swait.ge [sflag:s23], $0x1  }
0xa9: {  	[sflag:s23] =	ssyncset.done $0x0  }
0xaa: {  	s25 =	simm.s32 $0x1B8E;
	s24 =	sld [smem:$0x3FFE];
	[sflag:s23] =	ssyncadd.s32 $0xFFFFFFFF  }
0xab: {  	s26 =	simm.s32 $execute0_lowered;
	[smem:$0x3FD2] =	sst s25  }
0xac: {  	s7 =	sshll.u32 s26, $0x1;
	_ =	strace $0x80000046;
	[dreg:$0x1] =	wrdreg $0xFFFFFFFF  }
0xad: {  	s28 =	simm.s32 $_size_execute0_lowered;
	s5 =	sadd.s32 s5, s7;
	[dreg:$0x0] =	wrdreg $0x0  }
0xae: {  	s7 =	sshll.u32 s28, $0x1;
	[dreg:$0x2] =	wrdreg s5  }
0xaf: {  	[dreg:$0x3] =	wrdreg s7  }
0xb0: {  	[dreg:$0x4] =	wrdreg $0xC0  }
0xb1: {  	_ =	task [dreg:s9], $0x5FFFF  }
0xb2: {  	[dreg:$0x1] =	wrdreg $0xFFFFFFFF  }
0xb3: {  	[dreg:$0x0] =	wrdreg $0x60  }
0xb4: {  	[dreg:$0x2] =	wrdreg s15  }
0xb5: {  	[dreg:$0x3] =	wrdreg s24  }
0xb6: {  	[dreg:$0x4] =	wrdreg s16  }
0xb7: {  	[dreg:$0x5] =	wrdreg s17  }
0xb8: {  	[dreg:$0x6] =	wrdreg $0xAC000  }
0xb9: {  	[dreg:$0x7] =	wrdreg $0x9  }
0xba: {  	_ =	task.clear_ibuf [dreg:s9], $0x8FFFF;
	_ =	strace $0x90000046  }
0xbb: {  	s29 =	simm.s32 $0x9;
	_ =	strace $0x80000048  }
0xbc: {  	_ =	swait.ge [sflag:s29], $0x1  }
0xbd: {  	[sflag:s29] =	ssyncadd.s32 $0xFFFFFFFF  }
0xbe: {  	_ =	strace $0x90000048  }
0xbf: {  	_ =	sfence  }
0xc0: {  	s30 =	sld [smem:$0x0];
	_ =	sdelay $0x2  }
0xc1: {  	s31 =	sshll.u32 s1, $0xD;
	s1 =	sshrl.u32 s1, $0x2  }
0xc2: {  	s3 =	sand.u32 $0x4000, s31;
	s1 =	sadd.s32 s1, s30  }
0xc3: {  	s0 =	sor.u32 s3, s0;
	s1 =	sshll.u32 s1, $0x11  }
0xc4: {  	s0 =	sor.u32 s1, s0  }
0xc5: {  	s0 =	sadd.s32 $0x8F2B, s0  }
0xc6: {  	[sflag:s0] =	ssyncadd.remote.s32 $0x1  }
0xc7: {  	_ =	sfence.sel $0xFFFF  }
0xc8: {  	[dreg:$0x0] =	wrdreg $0xFFFFFFFF;
	(pc) =	sbr.abs _section_cstart, $3  }
0xc9: {  	[dreg:$0x1] =	wrdreg $0xFFFFFFFF  }
0xca: {  	_ =	task.clear_ibuf [dreg:s9], $0x2FFFF;
	_ =	strace $0x9FFFFFFF  }
0xcb: {  	(tm) =	ssettm $0x7FFFFFFF  }
tec
execute0_lowered:
.L_overlay_start_1:
0x0: {  	(tag) =	ssettag $0x1  }
0x1: {  	s0 =	rddreg [dreg:$0x0]  }
0x2: {  	s1 =	rddreg [dreg:$0x1]  }
0x3: {  	s2 =	rddreg [dreg:$0x3]  }
0x4: {  	s4 =	rddreg [dreg:$0x4];
	s3 =	srdreg.scid  }
0x5: {  	s12 =	stileid.u32;
	s24 =	simm.s32 $0x180;
	s25 =	simm.s32 $0x280  }
0x6: {  	s26 =	simm.s32 $0x380;
	s28 =	simm.s32 $0x7;
	s29 =	simm.s32 $0x3  }
0x7: {  	s30 =	simm.s32 $0x8;
	s31 =	simm.s32 $0x4;
	s6 =	smul.u32 $0x90, s12  }
0x8: {  	s3 =	sand.u32 $0x1, s3;
	s5 =	sshll.u32 s12, $0x4;
	s8 =	smul.u32 $0x2800, s12  }
0x9: {  	s16 =	sadd.s32 $0x17A00, s1;
	s9 =	smul.u32 $0x50000, s12;
	s19 =	sshll.u32 s12, $0x6  }
0xa: {  	s20 =	sshrl.u32 s12, $0x2;
	s12 =	sshll.u32 s12, $0x8;
	p0 =	seq.s32 s3, $0x0  }
0xb: {  	s7 =	sor.u32 $0x900, s5;
	s5 =	simm.s32 $0x0;
	s15 =	smul.u32 $0x28000, s3  }
0xc: {  	s17 =	ssub.s32 $0x2, s3;
	s3 =	sshll.u32 s3, $0x7;
	s12 =	sand.u32 $0x300, s12  }
0xd: {  	s7 =	smov.u32 @p0 s6;
	[smem:$0x7FF] =	sst s5;
	s11 =	sshrl.u32 s17, $0x1  }
0xe: {  	s18 =	sshrl.u32 s9, $0x2;
	s3 =	sor.u32 s3, s12;
	s6 =	sshll.u32 s7, $0x5  }
0xf: {  	_ =	strace $0x80000047;
	[dreg:$0xa] =	wrdreg s16;
	s7 =	sadd.s32 s8, s15  }
0x10: {  	s13 =	ssub.s32 s17, s11;
	s11 =	smul.u32 $0x14000, s20;
	s14 =	sadd.s32 s18, s4  }
0x11: {  	s8 =	sor.u32 $0x1C09, s19;
	s15 =	simm.s32 $0x9;
	s16 =	simm.s32 $0x8400  }
0x12: {  	s17 =	simm.s32 $0x100;
	s18 =	simm.s32 $0x200;
	[dreg:$0x7] =	wrdreg s24  }
0x13: {  	s19 =	simm.s32 $0x1;
	s20 =	simm.s32 $0x80;
	[dreg:$0x8] =	wrdreg s25  }
0x14: {  	s24 =	simm.s32 $0x2;
	[dreg:$0x9] =	wrdreg s26;
	s25 =	simm.s32 $0x4400  }
0x15: {  	s26 =	simm.s32 $0x6;
	s10 =	sadd.s32 s6, s1;
	s1 =	sadd.s32 s7, s1  }
0x16: {  	s7 =	simm.s32 $0x90;
	s13 =	smax.u32 s13, $0x1;
	s14 =	sshrl.u32 s14, $0x3  }
0x17: {  	s7 =	simm.s32 @!p0 $0x10;
	s9 =	sadd.s32 $0x3A00, s10;
	s21 =	sadd.s32 $0x3A20, s10  }
0x18: {  	s3 =	sor.u32 s11, s3;
	s1 =	sadd.s32 $0x1A200, s1;
	[dreg:$0xb] =	wrdreg s21  }
0x19: {  	[dreg:$0xc] =	wrdreg s1;
	s22 =	sshrl.u32 s3, $0x3;
	s23 =	sshll.u32 s7, $0x5  }
0x1a: {  	s21 =	simm.s32 $0x400;
	s3 =	simm.s32 $0x0;
	s12 =	sadd.s32 s2, s22  }
0x1b: {  	v0 =	vimm.f32 $1.000000000e+00;
	[dreg:$0x6] =	wrdreg s23;
	s22 =	simm.s32 $0x5;
	s23 =	simm.s32 $0x300  }
.LBB2_1:
0x1c: {  	s1 =	rddreg [dreg:$0xa]  }
0x1d: {  	[spmem:s14], [sflag:s8] =	dma.local [hbm:s1], $0x2800  }
0x1e: {  	_ =	swait.ge [sflag:s15], $0x2800  }
0x1f: {  	[sflag:s15] =	ssyncset.done $0x0  }
0x20: {  	[sflag:s15] =	ssyncadd.s32 $0xFFFFD800  }
0x21: {  	s10 =	rddreg [dreg:$0x2]  }
0x22: {  	[tilespmem:s16], [sflag:$0x9] =	stream.linear.gather [hbm4b:s10+s5], $0x2800, $0x38;
	[tilespmem:$0x1EC00] =	vst v63  }
0x23: {  	_ =	swait.ge [sflag:s15], $0x2800  }
0x24: {  	[sflag:s15] =	ssyncset.done $0x0  }
0x25: {  	[sflag:s15] =	ssyncadd.s32 $0xFFFFD800  }
0x26: {  	[bflag:$0x0] =	sbarrier.arrive $0xFFFF  }
0x27: {  	[tilespmem:s5], [sflag:$0x1] =	stream.linear.gather [hbm4b:s9+s5], $0x100, $0x38;
	[tilespmem:$0x1EC00] =	vst v63  }
0x28: {  	s2 =	simm.s32 $0x0;
	s1 =	simm.s32 $0x4;
	s11 =	rddreg [dreg:$0xb]  }
0x29: {  	[tilespmem:s17], [sflag:$0x2] =	stream.linear.gather [hbm4b:s11+s5], $0x100, $0x38;
	[tilespmem:$0x1EC00] =	vst v63  }
.LBB2_2:
0x2a: {  	p0 =	seq.s32 s2, $0x0  }
0x2b: {  	s6 =	simm.s32 @!p0 $0x7  }
0x2c: {  	_ =	swait.ge @!p0 [sflag:s6], $0x4000  }
0x2d: {  	s10 =	sadd.s32 s2, s9;
	[sflag:s6] =	ssyncset.done @!p0 $0x0  }
0x2e: {  	s11 =	sadd.s32 $0x40, s10;
	[sflag:s6] =	ssyncadd.s32 @!p0 $0xFFFFC000  }
0x2f: {  	[tilespmem:s18], [sflag:$0x3] =	stream.linear.gather [hbm4b:s11+s5], $0x100, $0x38;
	[tilespmem:$0x1EC00] =	vst v63  }
0x30: {  	_ =	swait.ge [sflag:s19], $0x100  }
0x31: {  	[sflag:s19] =	ssyncset.done $0x0  }
0x32: {  	[sflag:s19] =	ssyncadd.s32 $0xFFFFFF00  }
0x33: {  	[tilespmem:s21], [sflag:$0x5] =	stream.indirect.gather [hbm4b:s0+s20], $0x80, s5, s20, $0xb8;
	[tilespmem:$0x1EC00] =	vst v63  }
0x34: {  	_ =	swait.ge [sflag:s22], $0x4000  }
0x35: {  	[sflag:s22] =	ssyncset.done $0x0  }
0x36: {  	[sflag:s22] =	ssyncadd.s32 $0xFFFFC000  }
0x37: {  	[spmem:s4] =	stream.indirect.scatter.add.f32 [tilespmem:s21], [sflag:$0x7], $0x80, s20, s20, $0xb8;
	[tilespmem:$0x1EC00] =	vst v63  }
0x38: {  	v1 =	vld [tilespmem:$0x80];
	_ =	sdelay $0x7  }
0x39: {  	[tilespmem:v1+s16+$0x0] =	vst.idx.add.f32.msk $0xffff, v0  }
0x3a: {  	v1 =	vld [tilespmem:$0x90];
	_ =	sdelay $0x7  }
0x3b: {  	[tilespmem:v1+s16+$0x0] =	vst.idx.add.f32.msk $0xffff, v0  }
0x3c: {  	v1 =	vld [tilespmem:$0xA0];
	_ =	sdelay $0x7  }
0x3d: {  	[tilespmem:v1+s16+$0x0] =	vst.idx.add.f32.msk $0xffff, v0  }
0x3e: {  	v1 =	vld [tilespmem:$0xB0];
	_ =	sdelay $0x7  }
0x3f: {  	[tilespmem:v1+s16+$0x0] =	vst.idx.add.f32.msk $0xffff, v0  }
0x40: {  	v1 =	vld [tilespmem:$0xC0];
	_ =	sdelay $0x7  }
0x41: {  	[tilespmem:v1+s16+$0x0] =	vst.idx.add.f32.msk $0xffff, v0  }
0x42: {  	v1 =	vld [tilespmem:$0xD0];
	_ =	sdelay $0x7  }
0x43: {  	[tilespmem:v1+s16+$0x0] =	vst.idx.add.f32.msk $0xffff, v0  }
0x44: {  	v1 =	vld [tilespmem:$0xE0];
	_ =	sdelay $0x7  }
0x45: {  	[tilespmem:v1+s16+$0x0] =	vst.idx.add.f32.msk $0xffff, v0  }
0x46: {  	v1 =	vld [tilespmem:$0xF0];
	_ =	sdelay $0x7  }
0x47: {  	s6 =	simm.s32 @!p0 $0x8;
	[tilespmem:v1+s16+$0x0] =	vst.idx.add.f32.msk $0xffff, v0  }
0x48: {  	_ =	swait.ge @!p0 [sflag:s6], $0x4000  }
0x49: {  	[sflag:s6] =	ssyncset.done @!p0 $0x0  }
0x4a: {  	s10 =	sadd.s32 $0x60, s10;
	[sflag:s6] =	ssyncadd.s32 @!p0 $0xFFFFC000  }
0x4b: {  	[tilespmem:s23], [sflag:$0x4] =	stream.linear.gather [hbm4b:s10+s5], $0x100, $0x38;
	[tilespmem:$0x1EC00] =	vst v63  }
0x4c: {  	_ =	swait.ge [sflag:s24], $0x100  }
0x4d: {  	[sflag:s24] =	ssyncset.done $0x0  }
0x4e: {  	[sflag:s24] =	ssyncadd.s32 $0xFFFFFF00  }
0x4f: {  	[tilespmem:s25], [sflag:$0x6] =	stream.indirect.gather [hbm4b:s0+s20], $0x80, s17, s20, $0xb8;
	[tilespmem:$0x1EC00] =	vst v63  }
0x50: {  	_ =	swait.ge [sflag:s26], $0x4000  }
0x51: {  	[sflag:s26] =	ssyncset.done $0x0  }
0x52: {  	s11 =	rddreg [dreg:$0x7];
	[sflag:s26] =	ssyncadd.s32 $0xFFFFC000  }
0x53: {  	[spmem:s4] =	stream.indirect.scatter.add.f32 [tilespmem:s25], [sflag:$0x8], $0x80, s11, s20, $0xb8;
	[tilespmem:$0x1EC00] =	vst v63  }
0x54: {  	v1 =	vld [tilespmem:$0x180];
	_ =	sdelay $0x7  }
0x55: {  	[tilespmem:v1+s16+$0x0] =	vst.idx.add.f32.msk $0xffff, v0  }
0x56: {  	v1 =	vld [tilespmem:$0x190];
	_ =	sdelay $0x7  }
0x57: {  	[tilespmem:v1+s16+$0x0] =	vst.idx.add.f32.msk $0xffff, v0  }
0x58: {  	v1 =	vld [tilespmem:$0x1A0];
	_ =	sdelay $0x7  }
0x59: {  	[tilespmem:v1+s16+$0x0] =	vst.idx.add.f32.msk $0xffff, v0  }
0x5a: {  	v1 =	vld [tilespmem:$0x1B0];
	_ =	sdelay $0x7  }
0x5b: {  	[tilespmem:v1+s16+$0x0] =	vst.idx.add.f32.msk $0xffff, v0  }
0x5c: {  	v1 =	vld [tilespmem:$0x1C0];
	_ =	sdelay $0x7  }
0x5d: {  	[tilespmem:v1+s16+$0x0] =	vst.idx.add.f32.msk $0xffff, v0  }
0x5e: {  	v1 =	vld [tilespmem:$0x1D0];
	_ =	sdelay $0x7  }
0x5f: {  	[tilespmem:v1+s16+$0x0] =	vst.idx.add.f32.msk $0xffff, v0  }
0x60: {  	v1 =	vld [tilespmem:$0x1E0];
	_ =	sdelay $0x7  }
0x61: {  	[tilespmem:v1+s16+$0x0] =	vst.idx.add.f32.msk $0xffff, v0  }
0x62: {  	v1 =	vld [tilespmem:$0x1F0];
	_ =	sdelay $0x7  }
0x63: {  	[tilespmem:v1+s16+$0x0] =	vst.idx.add.f32.msk $0xffff, v0  }
0x64: {  	p0 =	sge.u32 s1, s7;
	_ =	swait.ge [sflag:s28], $0x4000  }
0x65: {  	s6 =	sadd.s32 @!p0 s2, s9;
	[sflag:s28] =	ssyncset.done $0x0  }
0x66: {  	s10 =	simm.s32 @!p0 $0x0;
	s6 =	sadd.s32 @!p0 $0x80, s6;
	[sflag:s28] =	ssyncadd.s32 $0xFFFFC000  }
0x67: {  	[tilespmem:s10], [sflag:$0x1] =	stream.linear.gather @!p0 [hbm4b:s6+s10], $0x100, $0x38;
	[tilespmem:$0x1EC00] =	vst v63  }
0x68: {  	_ =	swait.ge [sflag:s29], $0x100  }
0x69: {  	[sflag:s29] =	ssyncset.done $0x0  }
0x6a: {  	[sflag:s29] =	ssyncadd.s32 $0xFFFFFF00  }
0x6b: {  	[tilespmem:s21], [sflag:$0x5] =	stream.indirect.gather [hbm4b:s0+s20], $0x80, s18, s20, $0xb8;
	[tilespmem:$0x1EC00] =	vst v63  }
0x6c: {  	_ =	swait.ge [sflag:s22], $0x4000  }
0x6d: {  	[sflag:s22] =	ssyncset.done $0x0  }
0x6e: {  	s10 =	rddreg [dreg:$0x8];
	[sflag:s22] =	ssyncadd.s32 $0xFFFFC000  }
0x6f: {  	[spmem:s4] =	stream.indirect.scatter.add.f32 [tilespmem:s21], [sflag:$0x7], $0x80, s10, s20, $0xb8;
	[tilespmem:$0x1EC00] =	vst v63  }
0x70: {  	v1 =	vld [tilespmem:$0x280];
	_ =	sdelay $0x7  }
0x71: {  	[tilespmem:v1+s16+$0x0] =	vst.idx.add.f32.msk $0xffff, v0  }
0x72: {  	v1 =	vld [tilespmem:$0x290];
	_ =	sdelay $0x7  }
0x73: {  	[tilespmem:v1+s16+$0x0] =	vst.idx.add.f32.msk $0xffff, v0  }
0x74: {  	v1 =	vld [tilespmem:$0x2A0];
	_ =	sdelay $0x7  }
0x75: {  	[tilespmem:v1+s16+$0x0] =	vst.idx.add.f32.msk $0xffff, v0  }
0x76: {  	v1 =	vld [tilespmem:$0x2B0];
	_ =	sdelay $0x7  }
0x77: {  	[tilespmem:v1+s16+$0x0] =	vst.idx.add.f32.msk $0xffff, v0  }
0x78: {  	v1 =	vld [tilespmem:$0x2C0];
	_ =	sdelay $0x7  }
0x79: {  	[tilespmem:v1+s16+$0x0] =	vst.idx.add.f32.msk $0xffff, v0  }
0x7a: {  	v1 =	vld [tilespmem:$0x2D0];
	_ =	sdelay $0x7  }
0x7b: {  	[tilespmem:v1+s16+$0x0] =	vst.idx.add.f32.msk $0xffff, v0  }
0x7c: {  	v1 =	vld [tilespmem:$0x2E0];
	_ =	sdelay $0x7  }
0x7d: {  	[tilespmem:v1+s16+$0x0] =	vst.idx.add.f32.msk $0xffff, v0  }
0x7e: {  	v1 =	vld [tilespmem:$0x2F0];
	_ =	sdelay $0x7  }
0x7f: {  	s11 =	sadd.s32 $0x1, s1;
	[tilespmem:v1+s16+$0x0] =	vst.idx.add.f32.msk $0xffff, v0  }
0x80: {  	p0 =	sge.u32 s11, s7;
	_ =	swait.ge [sflag:s30], $0x4000  }
0x81: {  	s6 =	sadd.s32 @!p0 s2, s9;
	s11 =	simm.s32 @!p0 $0x100;
	[sflag:s30] =	ssyncset.done $0x0  }
0x82: {  	s6 =	sadd.s32 @!p0 $0xA0, s6;
	s10 =	simm.s32 @!p0 $0x0;
	[sflag:s30] =	ssyncadd.s32 $0xFFFFC000  }
0x83: {  	[tilespmem:s11], [sflag:$0x2] =	stream.linear.gather @!p0 [hbm4b:s6+s10], $0x100, $0x38;
	[tilespmem:$0x1EC00] =	vst v63  }
0x84: {  	_ =	swait.ge [sflag:s31], $0x100  }
0x85: {  	[sflag:s31] =	ssyncset.done $0x0  }
0x86: {  	[sflag:s31] =	ssyncadd.s32 $0xFFFFFF00  }
0x87: {  	[tilespmem:s25], [sflag:$0x6] =	stream.indirect.gather [hbm4b:s0+s20], $0x80, s23, s20, $0xb8;
	[tilespmem:$0x1EC00] =	vst v63  }
0x88: {  	_ =	swait.ge [sflag:s26], $0x4000  }
0x89: {  	[sflag:s26] =	ssyncset.done $0x0  }
0x8a: {  	s10 =	rddreg [dreg:$0x9];
	[sflag:s26] =	ssyncadd.s32 $0xFFFFC000  }
0x8b: {  	[spmem:s4] =	stream.indirect.scatter.add.f32 [tilespmem:s25], [sflag:$0x8], $0x80, s10, s20, $0xb8;
	[tilespmem:$0x1EC00] =	vst v63  }
0x8c: {  	v1 =	vld [tilespmem:$0x380];
	_ =	sdelay $0x7  }
0x8d: {  	[tilespmem:v1+s16+$0x0] =	vst.idx.add.f32.msk $0xffff, v0  }
0x8e: {  	v1 =	vld [tilespmem:$0x390];
	_ =	sdelay $0x7  }
0x8f: {  	[tilespmem:v1+s16+$0x0] =	vst.idx.add.f32.msk $0xffff, v0  }
0x90: {  	v1 =	vld [tilespmem:$0x3A0];
	_ =	sdelay $0x7  }
0x91: {  	[tilespmem:v1+s16+$0x0] =	vst.idx.add.f32.msk $0xffff, v0  }
0x92: {  	v1 =	vld [tilespmem:$0x3B0];
	_ =	sdelay $0x7  }
0x93: {  	[tilespmem:v1+s16+$0x0] =	vst.idx.add.f32.msk $0xffff, v0  }
0x94: {  	v1 =	vld [tilespmem:$0x3C0];
	_ =	sdelay $0x7  }
0x95: {  	[tilespmem:v1+s16+$0x0] =	vst.idx.add.f32.msk $0xffff, v0  }
0x96: {  	v1 =	vld [tilespmem:$0x3D0];
	_ =	sdelay $0x7  }
0x97: {  	[tilespmem:v1+s16+$0x0] =	vst.idx.add.f32.msk $0xffff, v0  }
0x98: {  	v1 =	vld [tilespmem:$0x3E0];
	_ =	sdelay $0x7  }
0x99: {  	[tilespmem:v1+s16+$0x0] =	vst.idx.add.f32.msk $0xffff, v0  }
0x9a: {  	v1 =	vld [tilespmem:$0x3F0];
	_ =	sdelay $0x1  }
0x9b: {  	s2 =	sadd.s32 $0x80, s2;
	s11 =	rddreg [dreg:$0x6]  }
0x9c: {  	p0 =	sne.s32 s11, s2  }
.Ltmp0:
0x9d: {  	_ = 	snop;
	(pc) =	sbr.rel @p0 .LBB2_2-.Ltmp0, $2  }
0x9e: {  	_ =	sdelay $0x2  }
0x9f: {  	s1 =	sadd.s32 $0x4, s1;
	[tilespmem:v1+s16+$0x0] =	vst.idx.add.f32.msk $0xffff, v0  }
0xa0: {  	_ =	swait.ge [sflag:s28], $0x4000  }
0xa1: {  	[sflag:s28] =	ssyncset.done $0x0  }
0xa2: {  	[sflag:s28] =	ssyncadd.s32 $0xFFFFC000  }
0xa3: {  	_ =	swait.ge [sflag:s30], $0x4000  }
0xa4: {  	[sflag:s30] =	ssyncset.done $0x0  }
0xa5: {  	[sflag:s30] =	ssyncadd.s32 $0xFFFFC000  }
0xa6: {  	[bflag:$0x0] =	sbarrier.arrive $0xFFFF  }
0xa7: {  	s1 =	rddreg [dreg:$0xc]  }
0xa8: {  	[hbm:s1], [sflag:s8] =	dma.local [spmem:s14], $0x2800  }
0xa9: {  	s3 =	sadd.s32 $0x1, s3;
	_ =	swait.ge [sflag:s15], $0x2800  }
0xaa: {  	p0 =	sne.s32 s3, s13;
	[sflag:s15] =	ssyncset.done $0x0  }
.Ltmp1:
0xab: {  	[sflag:s15] =	ssyncadd.s32 $0xFFFFD800;
	(pc) =	sbr.rel @p0 .LBB2_1-.Ltmp1, $4  }
0xac: {  	[hbm4b:s12+s20] =	stream.strided.scatter [tilespmem:s16], [sflag:$0x9], $0x2800, s21, s20, $0x38;
	[tilespmem:$0x1EC00] =	vst v63  }
0xad: {  	_ =	swait.ge [sflag:s15], $0x2800  }
0xae: {  	[sflag:s15] =	ssyncset.done $0x0  }
0xaf: {  	[sflag:s15] =	ssyncadd.s32 $0xFFFFD800  }
0xb0: {  	_ =	sfence.sel $0x180000  }
0xb1: {  	[bflag:$0x0] =	sbarrier.arrive $0xFFFF  }
0xb2: {  	_ =	strace $0x90000047  }
0xb3: {  	s0 =	stileid.u32;
	[bflag:$0x2] =	sbarrier.arrive $0xFFFF  }
0xb4: {  	p0 =	sne.s32 s0, $0x0;
	s0 =	rddreg [dreg:$0x5]  }
0xb5: {  	s0 =	sadd.s32 @!p0 $0x100000, s0  }
0xb6: {  	[sflag:s0] =	ssyncadd.tile.s32 @!p0 $0x1;
	_ =	shalt  }
.Lfunc_end2:
_tile_overlayer_lowered:
.L_overlay_start_2:
0xb7: {  	(tag) =	ssettag $0x2  }
0xb8: {  	s0 =	rddreg [dreg:$0x0];
	s2 =	stileid.u32  }
0xb9: {  	s1 =	rddreg [dreg:$0x1];
	p0 =	sne.s32 s2, $0x0  }
0xba: {  	s3 =	rddreg [dreg:$0x2];
	[bflag:$0x3] =	sbarrier.arrive $0xFFFF;
	s2 =	simm.s32 @!p0 $0x1C09  }
0xbb: {  	[timem:s3], [sflag:s2] =	dma.local @!p0 [hbm:s0], s1  }
0xbc: {  	s0 =	simm.s32 @!p0 $0x9  }
0xbd: {  	_ =	swait.ge @!p0 [sflag:s0], s1  }
0xbe: {  	s1 =	ssub.s32 @!p0 $0x0, s1;
	[sflag:s0] =	ssyncset.done @!p0 $0x0  }
0xbf: {  	[sflag:s0] =	ssyncadd.s32 @!p0 s1  }
0xc0: {  	[bflag:$0x3] =	sbarrier.arrive $0xFFFF  }
0xc1: {  	_ =	shalt  }

</sc_bundles>
